<compile_context>
chip_gen: v7x
topology: tpu7x:2x2x1
jax: 0.10.2.dev20260603
libtpu: 0.0.44.dev20260713+nightly
codegen_flags: <defaults>
</compile_context>

<pallas_src>
import jax
import jax.numpy as jnp
from jax import lax
from jax.experimental import pallas as pl
from jax.experimental.pallas import tpu as pltpu
from jax.experimental.pallas import tpu_sc as plsc

F32 = jnp.float32



def _edge_pre_kernel(edges_t_ref, we_ref, g_ref, wg_ref, b_ref, nodes_ref,
                     ws_ref, wr_ref, q_ref, ps_ref, pr_ref):
    ce = jnp.dot(g_ref[...], wg_ref[...], preferred_element_type=F32) + b_ref[...]
    q_ref[...] = lax.dot_general(
        edges_t_ref[...], we_ref[...],
        dimension_numbers=(((0,), (0,)), ((), ())),
        preferred_element_type=F32) + ce

    @pl.when(pl.program_id(0) == 0)
    def _():
        x = nodes_ref[...]
        ps_ref[...] = jnp.dot(x, ws_ref[...], preferred_element_type=F32)
        pr_ref[...] = jnp.dot(x, wr_ref[...], preferred_element_type=F32)


def _node_glob_kernel(nodes_ref, sp_ref, rp_ref, g_ref, wnn_ref, wns_ref,
                      wnr_ref, wng_ref, bn_ref, wgn_ref, wge_ref, wgg_ref,
                      bg_ref, nn_ref, gout_ref, nsum_acc, esum_acc):
    i = pl.program_id(0)
    s_agg = sp_ref[0] + sp_ref[1]
    r_agg = rp_ref[0] + rp_ref[1]
    cn = jnp.dot(g_ref[...], wng_ref[...], preferred_element_type=F32) + bn_ref[...]
    x = (jnp.dot(nodes_ref[...], wnn_ref[...], preferred_element_type=F32)
         + jnp.dot(s_agg, wns_ref[...], preferred_element_type=F32)
         + jnp.dot(r_agg, wnr_ref[...], preferred_element_type=F32)
         + cn)
    nn = jnp.maximum(x, 0.0)
    nn_ref[...] = nn

    @pl.when(i == 0)
    def _():
        nsum_acc[...] = jnp.zeros_like(nsum_acc)
        esum_acc[...] = jnp.zeros_like(esum_acc)

    nsum_acc[...] += jnp.sum(nn, axis=0, keepdims=True)
    esum_acc[...] += jnp.sum(s_agg, axis=0, keepdims=True)

    @pl.when(i == pl.num_programs(0) - 1)
    def _():
        gi = (jnp.dot(nsum_acc[...], wgn_ref[...], preferred_element_type=F32)
              + jnp.dot(esum_acc[...], wge_ref[...], preferred_element_type=F32)
              + jnp.dot(g_ref[...], wgg_ref[...], preferred_element_type=F32)
              + bg_ref[...])
        gout_ref[...] = jnp.maximum(gi, 0.0)



_C = 128
_NSUB = 16
_NCORE = 2


def _pad_nodes(n):
    step = 8 * _NSUB
    return ((n + step - 1) // step) * step


def _zero_vmem_rows(buf, nrows, ncols):
    def row(i, _):
        for j in range(ncols // 16):
            buf[i, pl.ds(j * 16, 16)] = jnp.zeros((16,), F32)
        return _
    lax.fori_loop(0, nrows, row, None)


def _tile_chunks(wid, total_chunks):
    nbase = total_chunks // (_NCORE * _NSUB)
    rem = total_chunks - nbase * _NCORE * _NSUB
    extra = jnp.where(wid < rem, 1, 0)
    start = wid * nbase + jnp.minimum(wid, rem)
    return start, nbase + extra


def _zero_agg_slice(buf, agg, sid):
    rows_per_tile = agg.shape[0] // _NSUB
    zb = sid * rows_per_tile
    _zero_vmem_rows(buf, _C, 128)
    nfull = rows_per_tile // _C
    tail = rows_per_tile - nfull * _C
    for t in range(nfull):
        pltpu.sync_copy(buf, agg.at[pl.ds(zb + t * _C, _C)])
    if tail:
        pltpu.sync_copy(buf.at[pl.ds(0, tail)], agg.at[pl.ds(zb + nfull * _C, tail)])


def _relu_inplace(qb):
    def row(i, _):
        for u in range(2):
            r = 2 * i + u
            for j in range(8):
                sl = pl.ds(j * 16, 16)
                qb[r, sl] = jnp.maximum(qb[r, sl], 0.0)
        return _
    lax.fori_loop(0, _C // 2, row, None)


def _edge_sc_body(ps_hbm, pr_hbm, q_hbm, s_hbm, r_hbm, en_hbm, sp_hbm,
                  gis0, gis1, gis2, gir0, gir1, gir2,
                  qb0, qb1, qb2, agg,
                  sem_q0, sem_q1, sem_q2, sem_in0, sem_in1, sem_in2,
                  sem_out0, sem_out1, sem_out2,
                  sem_gi0, sem_gi1, sem_gi2, sem_sc0, sem_sc1, sem_sc2):
    cid = lax.axis_index("c")
    sid = lax.axis_index("s")
    wid = cid * _NSUB + sid
    rows_per_tile = agg.shape[0] // _NSUB
    zb = sid * rows_per_tile

    gis = (gis0, gis1, gis2)
    gir = (gir0, gir1, gir2)
    qb = (qb0, qb1, qb2)
    sem_q = (sem_q0, sem_q1, sem_q2)
    sem_in = (sem_in0, sem_in1, sem_in2)
    sem_out = (sem_out0, sem_out1, sem_out2)
    sem_gi = (sem_gi0, sem_gi1, sem_gi2)
    sem_sc = (sem_sc0, sem_sc1, sem_sc2)

    total_chunks = q_hbm.shape[0] // _C
    start, nch = _tile_chunks(wid, total_chunks)
    ns = total_chunks // (_NCORE * _NSUB) + 1

    def issue_gidx(k, b):
        base = (start + k) * _C
        pltpu.async_copy(s_hbm.at[pl.ds(base, _C)], gis[b], sem_gi[b])
        pltpu.async_copy(r_hbm.at[pl.ds(base, _C)], gir[b], sem_gi[b])

    def issue_q(k, b):
        base = (start + k) * _C
        pltpu.async_copy(q_hbm.at[pl.ds(base, _C)], qb[b], sem_q[b])

    def issue_gadds(b):
        pltpu.async_copy(ps_hbm.at[gis[b]], qb[b], sem_in[b], add=True)
        pltpu.async_copy(pr_hbm.at[gir[b]], qb[b], sem_in[b], add=True)

    def drain_gidx(b):
        pltpu.make_async_copy(s_hbm.at[pl.ds(0, _C)], gis[b], sem_gi[b]).wait()
        pltpu.make_async_copy(r_hbm.at[pl.ds(0, _C)], gir[b], sem_gi[b]).wait()

    def drain_q(b):
        pltpu.make_async_copy(q_hbm.at[pl.ds(0, _C)], qb[b], sem_q[b]).wait()

    def drain_gadds(b):
        pltpu.make_async_copy(q_hbm.at[pl.ds(0, _C)], qb[b], sem_in[b]).wait()
        pltpu.make_async_copy(q_hbm.at[pl.ds(0, _C)], qb[b], sem_in[b]).wait()

    def drain_out(b):
        pltpu.make_async_copy(qb[b], en_hbm.at[pl.ds(0, _C)], sem_out[b]).wait()
        pltpu.make_async_copy(qb[b], agg.at[gis[b]], sem_sc[b]).wait()

    _zero_agg_slice(qb0, agg, sid)
    issue_gidx(0, 0)
    issue_gidx(1, 1)
    issue_q(0, 0)
    issue_q(1, 1)
    plsc.subcore_barrier()
    drain_gidx(0)
    drain_q(0)
    issue_gadds(0)

    def step(g, _):
        for j in range(3):
            b = j
            b1 = (j + 1) % 3
            b2 = (j + 2) % 3
            k = 3 * g + j
            @pl.when(k + 1 < nch)
            def _():
                drain_gidx(b1)
                drain_q(b1)
                issue_gadds(b1)
            @pl.when((k >= 1) & (k <= nch))
            def _():
                drain_out(b2)
            @pl.when(k + 2 < nch)
            def _():
                issue_gidx(k + 2, b2)
                issue_q(k + 2, b2)
            @pl.when(k < nch)
            def _():
                drain_gadds(b)
                _relu_inplace(qb[b])
                base = (start + k) * _C
                pltpu.async_copy(qb[b], en_hbm.at[pl.ds(base, _C)], sem_out[b])
                pltpu.async_copy(qb[b], agg.at[gis[b]], sem_sc[b], add=True)
        return _

    lax.fori_loop(0, (ns + 3) // 3, step, None)

    plsc.subcore_barrier()
    pltpu.sync_copy(agg.at[pl.ds(zb, rows_per_tile)],
                    sp_hbm.at[cid, pl.ds(zb, rows_per_tile)])


def _recv_sc_body(en_hbm, r_hbm, rp_hbm, ir0, ir1, buf0, buf1, agg,
                  sem_in0, sem_in1, sem_sc0, sem_sc1):
    cid = lax.axis_index("c")
    sid = lax.axis_index("s")
    wid = cid * _NSUB + sid
    rows_per_tile = agg.shape[0] // _NSUB
    zb = sid * rows_per_tile

    ir = (ir0, ir1)
    buf = (buf0, buf1)
    sem_in = (sem_in0, sem_in1)
    sem_sc = (sem_sc0, sem_sc1)

    total_chunks = en_hbm.shape[0] // _C
    start, nch = _tile_chunks(wid, total_chunks)
    ns = total_chunks // (_NCORE * _NSUB) + 1

    def drain_sc(b):
        pltpu.make_async_copy(buf[b], agg.at[ir[b]], sem_sc[b]).wait()

    def issue_data(k, b):
        base = (start + k) * _C
        pltpu.async_copy(r_hbm.at[pl.ds(base, _C)], ir[b], sem_in[b])
        pltpu.async_copy(en_hbm.at[pl.ds(base, _C)], buf[b], sem_in[b])

    def drain_data(b):
        pltpu.make_async_copy(r_hbm.at[pl.ds(0, _C)], ir[b], sem_in[b]).wait()
        pltpu.make_async_copy(en_hbm.at[pl.ds(0, _C)], buf[b], sem_in[b]).wait()

    _zero_agg_slice(buf0, agg, sid)
    issue_data(0, 0)
    plsc.subcore_barrier()

    def step(g, _):
        for j in range(2):
            b, ob = j, 1 - j
            k = 2 * g + j

            @pl.when((k >= 1) & (k <= nch))
            def _():
                drain_sc(ob)

            @pl.when(k + 1 < nch)
            def _():
                issue_data(k + 1, ob)

            @pl.when(k < nch)
            def _():
                drain_data(b)
                pltpu.async_copy(buf[b], agg.at[ir[b]], sem_sc[b], add=True)
        return _

    lax.fori_loop(0, (ns + 2) // 2, step, None)
    plsc.subcore_barrier()
    pltpu.sync_copy(agg.at[pl.ds(zb, rows_per_tile)],
                    rp_hbm.at[cid, pl.ds(zb, rows_per_tile)])




def kernel(nodes, edges, senders, receivers, globals_, n_node, n_edge,
           W_edge, b_edge, W_node, b_node, W_glob, b_glob):
    N, F = nodes.shape
    E, DE = edges.shape
    DG = globals_.shape[1]
    DEO = b_edge.shape[0]
    DNO = b_node.shape[0]

    senders = senders.astype(jnp.int32)
    receivers = receivers.astype(jnp.int32)

    we_e = W_edge[:DE]
    we_s = W_edge[DE:DE + F]
    we_r = W_edge[DE + F:DE + 2 * F]
    we_g = W_edge[DE + 2 * F:]
    wn_n = W_node[:F]
    wn_s = W_node[F:F + DEO]
    wn_r = W_node[F + DEO:F + 2 * DEO]
    wn_g = W_node[F + 2 * DEO:]
    wg_n = W_glob[:DNO]
    wg_e = W_glob[DNO:DNO + DEO]
    wg_g = W_glob[DNO + DEO:]
    b_edge2 = b_edge.reshape(1, DEO)
    b_node2 = b_node.reshape(1, DNO)
    b_glob2 = b_glob.reshape(1, -1)

    BE = 16000
    q, ps, pr = pl.pallas_call(
        _edge_pre_kernel,
        grid=(E // BE,),
        in_specs=[
            pl.BlockSpec((DE, BE), lambda i: (0, i)),
            pl.BlockSpec((DE, DEO), lambda i: (0, 0)),
            pl.BlockSpec((1, DG), lambda i: (0, 0)),
            pl.BlockSpec((DG, DEO), lambda i: (0, 0)),
            pl.BlockSpec((1, DEO), lambda i: (0, 0)),
            pl.BlockSpec((N, F), lambda i: (0, 0)),
            pl.BlockSpec((F, DEO), lambda i: (0, 0)),
            pl.BlockSpec((F, DEO), lambda i: (0, 0)),
        ],
        out_specs=(pl.BlockSpec((BE, DEO), lambda i: (i, 0)),
                   pl.BlockSpec((N, DEO), lambda i: (0, 0)),
                   pl.BlockSpec((N, DEO), lambda i: (0, 0))),
        out_shape=(jax.ShapeDtypeStruct((E, DEO), F32),
                   jax.ShapeDtypeStruct((N, DEO), F32),
                   jax.ShapeDtypeStruct((N, DEO), F32)),
    )(edges.T, we_e, globals_, we_g, b_edge2, nodes, we_s, we_r)

    NP = _pad_nodes(N)
    mesh = plsc.VectorSubcoreMesh(core_axis_name="c", subcore_axis_name="s")
    edges_new, sent_part = pl.kernel(
        _edge_sc_body,
        out_type=(jax.ShapeDtypeStruct((E, DEO), F32),
                  jax.ShapeDtypeStruct((_NCORE, NP, DEO), F32)),
        mesh=mesh,
        scratch_types=(
            [pltpu.VMEM((_C,), jnp.int32)] * 6
            + [pltpu.VMEM((_C, DEO), F32)] * 3
            + [pltpu.VMEM_SHARED((NP, DEO), F32)]
            + [pltpu.SemaphoreType.DMA] * 15
        ),
    )(ps, pr, q, senders, receivers)

    recv_part = pl.kernel(
        _recv_sc_body,
        out_type=jax.ShapeDtypeStruct((_NCORE, NP, DEO), F32),
        mesh=mesh,
        scratch_types=(
            [pltpu.VMEM((_C,), jnp.int32)] * 2
            + [pltpu.VMEM((_C, DEO), F32)] * 2
            + [pltpu.VMEM_SHARED((NP, DEO), F32)]
            + [pltpu.SemaphoreType.DMA] * 4
        ),
    )(edges_new, receivers)

    BN = 1000
    nodes_new, globals_new = pl.pallas_call(
        _node_glob_kernel,
        grid=(N // BN,),
        in_specs=[
            pl.BlockSpec((BN, F), lambda i: (i, 0)),
            pl.BlockSpec((_NCORE, BN, DEO), lambda i: (0, i, 0)),
            pl.BlockSpec((_NCORE, BN, DEO), lambda i: (0, i, 0)),
            pl.BlockSpec((1, DG), lambda i: (0, 0)),
            pl.BlockSpec((F, DNO), lambda i: (0, 0)),
            pl.BlockSpec((DEO, DNO), lambda i: (0, 0)),
            pl.BlockSpec((DEO, DNO), lambda i: (0, 0)),
            pl.BlockSpec((DG, DNO), lambda i: (0, 0)),
            pl.BlockSpec((1, DNO), lambda i: (0, 0)),
            pl.BlockSpec((DNO, b_glob.shape[0]), lambda i: (0, 0)),
            pl.BlockSpec((DEO, b_glob.shape[0]), lambda i: (0, 0)),
            pl.BlockSpec((DG, b_glob.shape[0]), lambda i: (0, 0)),
            pl.BlockSpec((1, b_glob.shape[0]), lambda i: (0, 0)),
        ],
        out_specs=(pl.BlockSpec((BN, DNO), lambda i: (i, 0)),
                   pl.BlockSpec((1, b_glob.shape[0]), lambda i: (0, 0))),
        out_shape=(jax.ShapeDtypeStruct((N, DNO), F32),
                   jax.ShapeDtypeStruct((1, b_glob.shape[0]), F32)),
        scratch_shapes=[pltpu.VMEM((1, DNO), F32),
                        pltpu.VMEM((1, DEO), F32)],
    )(nodes, sent_part, recv_part, globals_, wn_n, wn_s, wn_r, wn_g,
      b_node2, wg_n, wg_e, wg_g, b_glob2)

    return nodes_new, edges_new, globals_new

# --- scband reference (transcript-rebuilt; emitter-appended) ---
"""Pipeline reference for scband-graph-network-6966436954797 (READ-ONLY COPY).

The authoritative reference and input builder live on the scoring server;
editing this copy changes nothing except your own understanding.
"""

import jax, jax.numpy as jnp
import numpy as np

N, E, F, DE, DG = 10000, 160000, 128, 16, 128
DEO, DNO, DGO = 128, 128, 128


def setup_inputs(seed: int = 0) -> dict:
    key = jax.random.key(seed)
    ks = jax.random.split(key, 12)
    nodes = jax.random.normal(ks[0], (N, F), dtype=jnp.float32)
    edges = jax.random.normal(ks[1], (E, DE), dtype=jnp.float32)
    senders = jax.random.randint(ks[2], (E,), 0, N)
    receivers = jax.random.randint(ks[3], (E,), 0, N)
    globals_ = jax.random.normal(ks[4], (1, DG), dtype=jnp.float32)
    n_node = jnp.array([N], dtype=jnp.int32)
    n_edge = jnp.array([E], dtype=jnp.int32)
    d_edge_in = DE + F + F + DG
    d_node_in = F + DEO + DEO + DG
    d_glob_in = DNO + DEO + DG
    W_edge = jax.random.normal(ks[5], (d_edge_in, DEO), dtype=jnp.float32) / np.sqrt(d_edge_in)
    b_edge = jnp.zeros((DEO,), dtype=jnp.float32)
    W_node = jax.random.normal(ks[6], (d_node_in, DNO), dtype=jnp.float32) / np.sqrt(d_node_in)
    b_node = jnp.zeros((DNO,), dtype=jnp.float32)
    W_glob = jax.random.normal(ks[7], (d_glob_in, DGO), dtype=jnp.float32) / np.sqrt(d_glob_in)
    b_glob = jnp.zeros((DGO,), dtype=jnp.float32)
    return {"nodes": nodes, "edges": edges, "senders": senders, "receivers": receivers,
            "globals_": globals_, "n_node": n_node, "n_edge": n_edge,
            "W_edge": W_edge, "b_edge": b_edge, "W_node": W_node, "b_node": b_node,
            "W_glob": W_glob, "b_glob": b_glob}


def reference(nodes, edges, senders, receivers, globals_, n_node, n_edge,
              W_edge, b_edge, W_node, b_node, W_glob, b_glob):
    sum_n_node = nodes.shape[0]
    sum_n_edge = edges.shape[0]
    # edge update
    sent_attributes = jnp.take(nodes, senders, axis=0)
    received_attributes = jnp.take(nodes, receivers, axis=0)
    global_edge_attributes = jnp.repeat(globals_, n_edge, axis=0, total_repeat_length=sum_n_edge)
    edge_fn_inputs = jnp.concatenate([edges, sent_attributes, received_attributes, global_edge_attributes], axis=-1)
    edges_new = jax.nn.relu(edge_fn_inputs @ W_edge + b_edge)
    # node update
    sent_agg = jax.ops.segment_sum(edges_new, senders, num_segments=sum_n_node)
    recv_agg = jax.ops.segment_sum(edges_new, receivers, num_segments=sum_n_node)
    global_node_attributes = jnp.repeat(globals_, n_node, axis=0, total_repeat_length=sum_n_node)
    node_fn_inputs = jnp.concatenate([nodes, sent_agg, recv_agg, global_node_attributes], axis=-1)
    nodes_new = jax.nn.relu(node_fn_inputs @ W_node + b_node)
    # global update
    n_graph = n_node.shape[0]
    graph_idx = jnp.arange(n_graph)
    node_gr_idx = jnp.repeat(graph_idx, n_node, total_repeat_length=sum_n_node)
    edge_gr_idx = jnp.repeat(graph_idx, n_edge, total_repeat_length=sum_n_edge)
    node_attributes = jax.ops.segment_sum(nodes_new, node_gr_idx, num_segments=n_graph)
    edge_attributes = jax.ops.segment_sum(edges_new, edge_gr_idx, num_segments=n_graph)
    global_fn_inputs = jnp.concatenate([node_attributes, edge_attributes, globals_], axis=-1)
    globals_new = jax.nn.relu(global_fn_inputs @ W_glob + b_glob)
    return (nodes_new, edges_new, globals_new)

if __name__ == "__main__":
    import jax
    _d = setup_inputs()
    print(jax.jit(kernel)(*tuple(_d.values())))

</pallas_src>

<mosaic_0001>
#map = affine_map<(d0, d1) -> (0, 0)>
#map1 = affine_map<(d0, d1) -> (0)>
#map2 = affine_map<(d0, d1) -> (0, 0, 0)>
module attributes {stable_mosaic.version = 14 : i64} {
  func.func @_edge_sc_body(%arg0: i32, %arg1: i32, %arg2: memref<10000x128xf32, #tpu.memory_space<hbm>>, %arg3: memref<10000x128xf32, #tpu.memory_space<hbm>>, %arg4: memref<160000x128xf32, #tpu.memory_space<hbm>>, %arg5: memref<160000xi32, #tpu.memory_space<hbm>>, %arg6: memref<160000xi32, #tpu.memory_space<hbm>>, %arg7: memref<160000x128xf32, #tpu.memory_space<hbm>>, %arg8: memref<2x10112x128xf32, #tpu.memory_space<hbm>>, %arg9: memref<128xi32, #tpu.memory_space<vmem>>, %arg10: memref<128xi32, #tpu.memory_space<vmem>>, %arg11: memref<128xi32, #tpu.memory_space<vmem>>, %arg12: memref<128xi32, #tpu.memory_space<vmem>>, %arg13: memref<128xi32, #tpu.memory_space<vmem>>, %arg14: memref<128xi32, #tpu.memory_space<vmem>>, %arg15: memref<128x128xf32, #tpu.memory_space<vmem>>, %arg16: memref<128x128xf32, #tpu.memory_space<vmem>>, %arg17: memref<128x128xf32, #tpu.memory_space<vmem>>, %arg18: memref<10112x128xf32, #tpu.memory_space<vmem_shared>>, %arg19: memref<!tpu.dma_semaphore, #tpu.memory_space<semaphore_mem>>, %arg20: memref<!tpu.dma_semaphore, #tpu.memory_space<semaphore_mem>>, %arg21: memref<!tpu.dma_semaphore, #tpu.memory_space<semaphore_mem>>, %arg22: memref<!tpu.dma_semaphore, #tpu.memory_space<semaphore_mem>>, %arg23: memref<!tpu.dma_semaphore, #tpu.memory_space<semaphore_mem>>, %arg24: memref<!tpu.dma_semaphore, #tpu.memory_space<semaphore_mem>>, %arg25: memref<!tpu.dma_semaphore, #tpu.memory_space<semaphore_mem>>, %arg26: memref<!tpu.dma_semaphore, #tpu.memory_space<semaphore_mem>>, %arg27: memref<!tpu.dma_semaphore, #tpu.memory_space<semaphore_mem>>, %arg28: memref<!tpu.dma_semaphore, #tpu.memory_space<semaphore_mem>>, %arg29: memref<!tpu.dma_semaphore, #tpu.memory_space<semaphore_mem>>, %arg30: memref<!tpu.dma_semaphore, #tpu.memory_space<semaphore_mem>>, %arg31: memref<!tpu.dma_semaphore, #tpu.memory_space<semaphore_mem>>, %arg32: memref<!tpu.dma_semaphore, #tpu.memory_space<semaphore_mem>>, %arg33: memref<!tpu.dma_semaphore, #tpu.memory_space<semaphore_mem>>) attributes {dimension_semantics = [#tpu.dimension_semantics<core_parallel>, #tpu.dimension_semantics<subcore_parallel>], iteration_bounds = array<i64: 2, 16>, scalar_prefetch = 0 : i64, scratch_operands = 25 : i64, tpu.core_type = #tpu.core_type<sc_vector_subcore>, window_params = [{transform_indices = #map}, {transform_indices = #map}, {transform_indices = #map}, {transform_indices = #map1}, {transform_indices = #map1}, {transform_indices = #map}, {transform_indices = #map2}]} {
    %mul3A = arith.constant 16 : i32
    %mul3A_0 = arith.muli %arg0, %mul3A : i32
    %add3A = arith.addi %mul3A_0, %arg1 : i32
    %mul3A_1 = arith.constant 632 : i32
    %mul3A_2 = arith.muli %arg1, %mul3A_1 : i32
    %lt3A = arith.constant 2 : i32
    %lt3A_3 = arith.cmpi slt, %add3A, %lt3A : i32
    %jit3A = arith.constant 1 : i32
    %jit3A_4 = arith.constant 0 : i32
    %select_n3A = arith.select %lt3A_3, %jit3A, %jit3A_4 : i32
    %mul3A_5 = arith.constant 39 : i32
    %mul3A_6 = arith.muli %add3A, %mul3A_5 : i32
    %min3A = arith.constant 2 : i32
    %min3A_7 = arith.minsi %add3A, %min3A : i32
    %add3A_8 = arith.addi %mul3A_6, %min3A_7 : i32
    %add3A_9 = arith.constant 39 : i32
    %add3A_10 = arith.addi %add3A_9, %select_n3A : i32
    %mul3A_11 = arith.constant 632 : i32
    %mul3A_12 = arith.muli %arg1, %mul3A_11 : i32
    %scan3A = arith.constant 0 : i32
    %scan3A_13 = arith.constant 128 : i32
    %scan3A_14 = arith.addi %scan3A, %scan3A_13 : i32
    %scan3A_15 = arith.constant 1 : i32
    scf.for %scan3A_83 = %scan3A to %scan3A_14 step %scan3A_15  : i32 {
      %broadcast_in_dim3A = arith.constant 0.000000e+00 : f32
      %broadcast_in_dim3A_84 = vector.broadcast %broadcast_in_dim3A : f32 to vector<16xf32>
      %swap3A = arith.index_cast %scan3A_83 : i32 to index
      %swap3A_85 = arith.constant 0 : index
      %swap3A_86 = tpu.vector_load %arg15[%swap3A, %swap3A_85] {strides = array<i32>} : memref<128x128xf32, #tpu.memory_space<vmem>>, vector<1x16xf32>,
      %swap3A_87 = vector.shape_cast %swap3A_86 : vector<1x16xf32> to vector<16xf32>
      %swap3A_88 = vector.shape_cast %broadcast_in_dim3A_84 : vector<16xf32> to vector<1x16xf32>
      tpu.vector_store %arg15[%swap3A, %swap3A_85], %swap3A_88 {strides = array<i32>} : memref<128x128xf32, #tpu.memory_space<vmem>>, vector<1x16xf32>,
      %broadcast_in_dim3A_89 = arith.constant 0.000000e+00 : f32
      %broadcast_in_dim3A_90 = vector.broadcast %broadcast_in_dim3A_89 : f32 to vector<16xf32>
      %swap3A_91 = arith.index_cast %scan3A_83 : i32 to index
      %swap3A_92 = arith.constant 16 : index
      %swap3A_93 = tpu.vector_load %arg15[%swap3A_91, %swap3A_92] {strides = array<i32>} : memref<128x128xf32, #tpu.memory_space<vmem>>, vector<1x16xf32>,
      %swap3A_94 = vector.shape_cast %swap3A_93 : vector<1x16xf32> to vector<16xf32>
      %swap3A_95 = vector.shape_cast %broadcast_in_dim3A_90 : vector<16xf32> to vector<1x16xf32>
      tpu.vector_store %arg15[%swap3A_91, %swap3A_92], %swap3A_95 {strides = array<i32>} : memref<128x128xf32, #tpu.memory_space<vmem>>, vector<1x16xf32>,
      %broadcast_in_dim3A_96 = arith.constant 0.000000e+00 : f32
      %broadcast_in_dim3A_97 = vector.broadcast %broadcast_in_dim3A_96 : f32 to vector<16xf32>
      %swap3A_98 = arith.index_cast %scan3A_83 : i32 to index
      %swap3A_99 = arith.constant 32 : index
      %swap3A_100 = tpu.vector_load %arg15[%swap3A_98, %swap3A_99] {strides = array<i32>} : memref<128x128xf32, #tpu.memory_space<vmem>>, vector<1x16xf32>,
      %swap3A_101 = vector.shape_cast %swap3A_100 : vector<1x16xf32> to vector<16xf32>
      %swap3A_102 = vector.shape_cast %broadcast_in_dim3A_97 : vector<16xf32> to vector<1x16xf32>
      tpu.vector_store %arg15[%swap3A_98, %swap3A_99], %swap3A_102 {strides = array<i32>} : memref<128x128xf32, #tpu.memory_space<vmem>>, vector<1x16xf32>,
      %broadcast_in_dim3A_103 = arith.constant 0.000000e+00 : f32
      %broadcast_in_dim3A_104 = vector.broadcast %broadcast_in_dim3A_103 : f32 to vector<16xf32>
      %swap3A_105 = arith.index_cast %scan3A_83 : i32 to index
      %swap3A_106 = arith.constant 48 : index
      %swap3A_107 = tpu.vector_load %arg15[%swap3A_105, %swap3A_106] {strides = array<i32>} : memref<128x128xf32, #tpu.memory_space<vmem>>, vector<1x16xf32>,
      %swap3A_108 = vector.shape_cast %swap3A_107 : vector<1x16xf32> to vector<16xf32>
      %swap3A_109 = vector.shape_cast %broadcast_in_dim3A_104 : vector<16xf32> to vector<1x16xf32>
      tpu.vector_store %arg15[%swap3A_105, %swap3A_106], %swap3A_109 {strides = array<i32>} : memref<128x128xf32, #tpu.memory_space<vmem>>, vector<1x16xf32>,
      %broadcast_in_dim3A_110 = arith.constant 0.000000e+00 : f32
      %broadcast_in_dim3A_111 = vector.broadcast %broadcast_in_dim3A_110 : f32 to vector<16xf32>
      %swap3A_112 = arith.index_cast %scan3A_83 : i32 to index
      %swap3A_113 = arith.constant 64 : index
      %swap3A_114 = tpu.vector_load %arg15[%swap3A_112, %swap3A_113] {strides = array<i32>} : memref<128x128xf32, #tpu.memory_space<vmem>>, vector<1x16xf32>,
      %swap3A_115 = vector.shape_cast %swap3A_114 : vector<1x16xf32> to vector<16xf32>
      %swap3A_116 = vector.shape_cast %broadcast_in_dim3A_111 : vector<16xf32> to vector<1x16xf32>
      tpu.vector_store %arg15[%swap3A_112, %swap3A_113], %swap3A_116 {strides = array<i32>} : memref<128x128xf32, #tpu.memory_space<vmem>>, vector<1x16xf32>,
      %broadcast_in_dim3A_117 = arith.constant 0.000000e+00 : f32
      %broadcast_in_dim3A_118 = vector.broadcast %broadcast_in_dim3A_117 : f32 to vector<16xf32>
      %swap3A_119 = arith.index_cast %scan3A_83 : i32 to index
      %swap3A_120 = arith.constant 80 : index
      %swap3A_121 = tpu.vector_load %arg15[%swap3A_119, %swap3A_120] {strides = array<i32>} : memref<128x128xf32, #tpu.memory_space<vmem>>, vector<1x16xf32>,
      %swap3A_122 = vector.shape_cast %swap3A_121 : vector<1x16xf32> to vector<16xf32>
      %swap3A_123 = vector.shape_cast %broadcast_in_dim3A_118 : vector<16xf32> to vector<1x16xf32>
      tpu.vector_store %arg15[%swap3A_119, %swap3A_120], %swap3A_123 {strides = array<i32>} : memref<128x128xf32, #tpu.memory_space<vmem>>, vector<1x16xf32>,
      %broadcast_in_dim3A_124 = arith.constant 0.000000e+00 : f32
      %broadcast_in_dim3A_125 = vector.broadcast %broadcast_in_dim3A_124 : f32 to vector<16xf32>
      %swap3A_126 = arith.index_cast %scan3A_83 : i32 to index
      %swap3A_127 = arith.constant 96 : index
      %swap3A_128 = tpu.vector_load %arg15[%swap3A_126, %swap3A_127] {strides = array<i32>} : memref<128x128xf32, #tpu.memory_space<vmem>>, vector<1x16xf32>,
      %swap3A_129 = vector.shape_cast %swap3A_128 : vector<1x16xf32> to vector<16xf32>
      %swap3A_130 = vector.shape_cast %broadcast_in_dim3A_125 : vector<16xf32> to vector<1x16xf32>
      tpu.vector_store %arg15[%swap3A_126, %swap3A_127], %swap3A_130 {strides = array<i32>} : memref<128x128xf32, #tpu.memory_space<vmem>>, vector<1x16xf32>,
      %broadcast_in_dim3A_131 = arith.constant 0.000000e+00 : f32
      %broadcast_in_dim3A_132 = vector.broadcast %broadcast_in_dim3A_131 : f32 to vector<16xf32>
      %swap3A_133 = arith.index_cast %scan3A_83 : i32 to index
      %swap3A_134 = arith.constant 112 : index
      %swap3A_135 = tpu.vector_load %arg15[%swap3A_133, %swap3A_134] {strides = array<i32>} : memref<128x128xf32, #tpu.memory_space<vmem>>, vector<1x16xf32>,
      %swap3A_136 = vector.shape_cast %swap3A_135 : vector<1x16xf32> to vector<16xf32>
      %swap3A_137 = vector.shape_cast %broadcast_in_dim3A_132 : vector<16xf32> to vector<1x16xf32>
      tpu.vector_store %arg15[%swap3A_133, %swap3A_134], %swap3A_137 {strides = array<i32>} : memref<128x128xf32, #tpu.memory_space<vmem>>, vector<1x16xf32>,
    }
    %scan3A_16 = arith.constant 128 : i32
    %add3A_17 = arith.constant 0 : i32
    %add3A_18 = arith.addi %mul3A_12, %add3A_17 : i32
    "tpu.region"() ({
      %run_scoped3A = tpu.sem_alloc : memref<!tpu.dma_semaphore, #tpu.memory_space<semaphore_mem>>
      %dma_start3A_83 = arith.constant 0 : i32
      %dma_start3A_84 = tpu.memref_slice %arg18[%add3A_18, %dma_start3A_83] : memref<10112x128xf32, #tpu.memory_space<vmem_shared>> -> memref<128x128xf32, #tpu.memory_space<vmem_shared>>
      %dma_start3A_85 = arith.constant 0 : i32
      %dma_start3A_86 = tpu.memref_slice %arg18[%add3A_18, %dma_start3A_85] : memref<10112x128xf32, #tpu.memory_space<vmem_shared>> -> memref<128x128xf32, #tpu.memory_space<vmem_shared>>
      tpu.enqueue_dma source(%arg15 : memref<128x128xf32, #tpu.memory_space<vmem>>) target(%dma_start3A_86 : memref<128x128xf32, #tpu.memory_space<vmem_shared>>) target_semaphore(%run_scoped3A : memref<!tpu.dma_semaphore, #tpu.memory_space<semaphore_mem>>)
      %dma_wait3A_87 = arith.constant 0 : i32
      %dma_wait3A_88 = tpu.memref_slice %arg18[%add3A_18, %dma_wait3A_87] : memref<10112x128xf32, #tpu.memory_space<vmem_shared>> -> memref<128x128xf32, #tpu.memory_space<vmem_shared>>
      %dma_wait3A_89 = arith.constant 0 : i32
      %dma_wait3A_90 = tpu.memref_slice %arg18[%add3A_18, %dma_wait3A_89] : memref<10112x128xf32, #tpu.memory_space<vmem_shared>> -> memref<128x128xf32, #tpu.memory_space<vmem_shared>>
      tpu.wait_dma2 semaphore(%run_scoped3A : memref<!tpu.dma_semaphore, #tpu.memory_space<semaphore_mem>>) src(%arg15 : memref<128x128xf32, #tpu.memory_space<vmem>>) dst(%dma_wait3A_90 : memref<128x128xf32, #tpu.memory_space<vmem_shared>>)
      tpu.yield
    }) : () -> ()
    %add3A_19 = arith.constant 128 : i32
    %add3A_20 = arith.addi %mul3A_12, %add3A_19 : i32
    "tpu.region"() ({
      %run_scoped3A = tpu.sem_alloc : memref<!tpu.dma_semaphore, #tpu.memory_space<semaphore_mem>>
      %dma_start3A_83 = arith.constant 0 : i32
      %dma_start3A_84 = tpu.memref_slice %arg18[%add3A_20, %dma_start3A_83] : memref<10112x128xf32, #tpu.memory_space<vmem_shared>> -> memref<128x128xf32, #tpu.memory_space<vmem_shared>>
      %dma_start3A_85 = arith.constant 0 : i32
      %dma_start3A_86 = tpu.memref_slice %arg18[%add3A_20, %dma_start3A_85] : memref<10112x128xf32, #tpu.memory_space<vmem_shared>> -> memref<128x128xf32, #tpu.memory_space<vmem_shared>>
      tpu.enqueue_dma source(%arg15 : memref<128x128xf32, #tpu.memory_space<vmem>>) target(%dma_start3A_86 : memref<128x128xf32, #tpu.memory_space<vmem_shared>>) target_semaphore(%run_scoped3A : memref<!tpu.dma_semaphore, #tpu.memory_space<semaphore_mem>>)
      %dma_wait3A_87 = arith.constant 0 : i32
      %dma_wait3A_88 = tpu.memref_slice %arg18[%add3A_20, %dma_wait3A_87] : memref<10112x128xf32, #tpu.memory_space<vmem_shared>> -> memref<128x128xf32, #tpu.memory_space<vmem_shared>>
      %dma_wait3A_89 = arith.constant 0 : i32
      %dma_wait3A_90 = tpu.memref_slice %arg18[%add3A_20, %dma_wait3A_89] : memref<10112x128xf32, #tpu.memory_space<vmem_shared>> -> memref<128x128xf32, #tpu.memory_space<vmem_shared>>
      tpu.wait_dma2 semaphore(%run_scoped3A : memref<!tpu.dma_semaphore, #tpu.memory_space<semaphore_mem>>) src(%arg15 : memref<128x128xf32, #tpu.memory_space<vmem>>) dst(%dma_wait3A_90 : memref<128x128xf32, #tpu.memory_space<vmem_shared>>)
      tpu.yield
    }) : () -> ()
    %add3A_21 = arith.constant 256 : i32
    %add3A_22 = arith.addi %mul3A_12, %add3A_21 : i32
    "tpu.region"() ({
      %run_scoped3A = tpu.sem_alloc : memref<!tpu.dma_semaphore, #tpu.memory_space<semaphore_mem>>
      %dma_start3A_83 = arith.constant 0 : i32
      %dma_start3A_84 = tpu.memref_slice %arg18[%add3A_22, %dma_start3A_83] : memref<10112x128xf32, #tpu.memory_space<vmem_shared>> -> memref<128x128xf32, #tpu.memory_space<vmem_shared>>
      %dma_start3A_85 = arith.constant 0 : i32
      %dma_start3A_86 = tpu.memref_slice %arg18[%add3A_22, %dma_start3A_85] : memref<10112x128xf32, #tpu.memory_space<vmem_shared>> -> memref<128x128xf32, #tpu.memory_space<vmem_shared>>
      tpu.enqueue_dma source(%arg15 : memref<128x128xf32, #tpu.memory_space<vmem>>) target(%dma_start3A_86 : memref<128x128xf32, #tpu.memory_space<vmem_shared>>) target_semaphore(%run_scoped3A : memref<!tpu.dma_semaphore, #tpu.memory_space<semaphore_mem>>)
      %dma_wait3A_87 = arith.constant 0 : i32
      %dma_wait3A_88 = tpu.memref_slice %arg18[%add3A_22, %dma_wait3A_87] : memref<10112x128xf32, #tpu.memory_space<vmem_shared>> -> memref<128x128xf32, #tpu.memory_space<vmem_shared>>
      %dma_wait3A_89 = arith.constant 0 : i32
      %dma_wait3A_90 = tpu.memref_slice %arg18[%add3A_22, %dma_wait3A_89] : memref<10112x128xf32, #tpu.memory_space<vmem_shared>> -> memref<128x128xf32, #tpu.memory_space<vmem_shared>>
      tpu.wait_dma2 semaphore(%run_scoped3A : memref<!tpu.dma_semaphore, #tpu.memory_space<semaphore_mem>>) src(%arg15 : memref<128x128xf32, #tpu.memory_space<vmem>>) dst(%dma_wait3A_90 : memref<128x128xf32, #tpu.memory_space<vmem_shared>>)
      tpu.yield
    }) : () -> ()
    %add3A_23 = arith.constant 384 : i32
    %add3A_24 = arith.addi %mul3A_12, %add3A_23 : i32
    "tpu.region"() ({
      %run_scoped3A = tpu.sem_alloc : memref<!tpu.dma_semaphore, #tpu.memory_space<semaphore_mem>>
      %dma_start3A_83 = arith.constant 0 : i32
      %dma_start3A_84 = tpu.memref_slice %arg18[%add3A_24, %dma_start3A_83] : memref<10112x128xf32, #tpu.memory_space<vmem_shared>> -> memref<128x128xf32, #tpu.memory_space<vmem_shared>>
      %dma_start3A_85 = arith.constant 0 : i32
      %dma_start3A_86 = tpu.memref_slice %arg18[%add3A_24, %dma_start3A_85] : memref<10112x128xf32, #tpu.memory_space<vmem_shared>> -> memref<128x128xf32, #tpu.memory_space<vmem_shared>>
      tpu.enqueue_dma source(%arg15 : memref<128x128xf32, #tpu.memory_space<vmem>>) target(%dma_start3A_86 : memref<128x128xf32, #tpu.memory_space<vmem_shared>>) target_semaphore(%run_scoped3A : memref<!tpu.dma_semaphore, #tpu.memory_space<semaphore_mem>>)
      %dma_wait3A_87 = arith.constant 0 : i32
      %dma_wait3A_88 = tpu.memref_slice %arg18[%add3A_24, %dma_wait3A_87] : memref<10112x128xf32, #tpu.memory_space<vmem_shared>> -> memref<128x128xf32, #tpu.memory_space<vmem_shared>>
      %dma_wait3A_89 = arith.constant 0 : i32
      %dma_wait3A_90 = tpu.memref_slice %arg18[%add3A_24, %dma_wait3A_89] : memref<10112x128xf32, #tpu.memory_space<vmem_shared>> -> memref<128x128xf32, #tpu.memory_space<vmem_shared>>
      tpu.wait_dma2 semaphore(%run_scoped3A : memref<!tpu.dma_semaphore, #tpu.memory_space<semaphore_mem>>) src(%arg15 : memref<128x128xf32, #tpu.memory_space<vmem>>) dst(%dma_wait3A_90 : memref<128x128xf32, #tpu.memory_space<vmem_shared>>)
      tpu.yield
    }) : () -> ()
    %add3A_25 = arith.constant 512 : i32
    %add3A_26 = arith.addi %mul3A_12, %add3A_25 : i32
    "tpu.region"() ({
      %run_scoped3A = tpu.sem_alloc : memref<!tpu.dma_semaphore, #tpu.memory_space<semaphore_mem>>
      %dma_start3A_83 = arith.constant 0 : i32
      %dma_start3A_84 = arith.constant 0 : i32
      %dma_start3A_85 = tpu.memref_slice %arg15[%dma_start3A_83, %dma_start3A_84] : memref<128x128xf32, #tpu.memory_space<vmem>> -> memref<120x128xf32, #tpu.memory_space<vmem>>
      %dma_start3A_86 = arith.constant 0 : i32
      %dma_start3A_87 = tpu.memref_slice %arg18[%add3A_26, %dma_start3A_86] : memref<10112x128xf32, #tpu.memory_space<vmem_shared>> -> memref<120x128xf32, #tpu.memory_space<vmem_shared>>
      %dma_start3A_88 = arith.constant 0 : i32
      %dma_start3A_89 = tpu.memref_slice %arg18[%add3A_26, %dma_start3A_88] : memref<10112x128xf32, #tpu.memory_space<vmem_shared>> -> memref<120x128xf32, #tpu.memory_space<vmem_shared>>
      %dma_start3A_90 = arith.constant 0 : i32
      %dma_start3A_91 = arith.constant 0 : i32
      %dma_start3A_92 = tpu.memref_slice %arg15[%dma_start3A_90, %dma_start3A_91] : memref<128x128xf32, #tpu.memory_space<vmem>> -> memref<120x128xf32, #tpu.memory_space<vmem>>
      tpu.enqueue_dma source(%dma_start3A_92 : memref<120x128xf32, #tpu.memory_space<vmem>>) target(%dma_start3A_89 : memref<120x128xf32, #tpu.memory_space<vmem_shared>>) target_semaphore(%run_scoped3A : memref<!tpu.dma_semaphore, #tpu.memory_space<semaphore_mem>>)
      %dma_wait3A_93 = arith.constant 0 : i32
      %dma_wait3A_94 = arith.constant 0 : i32
      %dma_wait3A_95 = tpu.memref_slice %arg15[%dma_wait3A_93, %dma_wait3A_94] : memref<128x128xf32, #tpu.memory_space<vmem>> -> memref<120x128xf32, #tpu.memory_space<vmem>>
      %dma_wait3A_96 = arith.constant 0 : i32
      %dma_wait3A_97 = tpu.memref_slice %arg18[%add3A_26, %dma_wait3A_96] : memref<10112x128xf32, #tpu.memory_space<vmem_shared>> -> memref<120x128xf32, #tpu.memory_space<vmem_shared>>
      %dma_wait3A_98 = arith.constant 0 : i32
      %dma_wait3A_99 = tpu.memref_slice %arg18[%add3A_26, %dma_wait3A_98] : memref<10112x128xf32, #tpu.memory_space<vmem_shared>> -> memref<120x128xf32, #tpu.memory_space<vmem_shared>>
      %dma_wait3A_100 = arith.constant 0 : i32
      %dma_wait3A_101 = arith.constant 0 : i32
      %dma_wait3A_102 = tpu.memref_slice %arg15[%dma_wait3A_100, %dma_wait3A_101] : memref<128x128xf32, #tpu.memory_space<vmem>> -> memref<120x128xf32, #tpu.memory_space<vmem>>
      tpu.wait_dma2 semaphore(%run_scoped3A : memref<!tpu.dma_semaphore, #tpu.memory_space<semaphore_mem>>) src(%dma_wait3A_102 : memref<120x128xf32, #tpu.memory_space<vmem>>) dst(%dma_wait3A_99 : memref<120x128xf32, #tpu.memory_space<vmem_shared>>)
      tpu.yield
    }) : () -> ()
    %add3A_27 = arith.constant 0 : i32
    %add3A_28 = arith.addi %add3A_8, %add3A_27 : i32
    %mul3A_29 = arith.constant 128 : i32
    %mul3A_30 = arith.muli %add3A_28, %mul3A_29 : i32
    %dma_start3A = tpu.memref_slice %arg5[%mul3A_30] : memref<160000xi32, #tpu.memory_space<hbm>> -> memref<128xi32, #tpu.memory_space<hbm>>
    %dma_start3A_31 = tpu.memref_slice %arg5[%mul3A_30] : memref<160000xi32, #tpu.memory_space<hbm>> -> memref<128xi32, #tpu.memory_space<hbm>>
    tpu.enqueue_dma source(%dma_start3A_31 : memref<128xi32, #tpu.memory_space<hbm>>) target(%arg9 : memref<128xi32, #tpu.memory_space<vmem>>) target_semaphore(%arg28 : memref<!tpu.dma_semaphore, #tpu.memory_space<semaphore_mem>>)
    %dma_start3A_32 = tpu.memref_slice %arg6[%mul3A_30] : memref<160000xi32, #tpu.memory_space<hbm>> -> memref<128xi32, #tpu.memory_space<hbm>>
    %dma_start3A_33 = tpu.memref_slice %arg6[%mul3A_30] : memref<160000xi32, #tpu.memory_space<hbm>> -> memref<128xi32, #tpu.memory_space<hbm>>
    tpu.enqueue_dma source(%dma_start3A_33 : memref<128xi32, #tpu.memory_space<hbm>>) target(%arg12 : memref<128xi32, #tpu.memory_space<vmem>>) target_semaphore(%arg28 : memref<!tpu.dma_semaphore, #tpu.memory_space<semaphore_mem>>)
    %add3A_34 = arith.constant 1 : i32
    %add3A_35 = arith.addi %add3A_8, %add3A_34 : i32
    %mul3A_36 = arith.constant 128 : i32
    %mul3A_37 = arith.muli %add3A_35, %mul3A_36 : i32
    %dma_start3A_38 = tpu.memref_slice %arg5[%mul3A_37] : memref<160000xi32, #tpu.memory_space<hbm>> -> memref<128xi32, #tpu.memory_space<hbm>>
    %dma_start3A_39 = tpu.memref_slice %arg5[%mul3A_37] : memref<160000xi32, #tpu.memory_space<hbm>> -> memref<128xi32, #tpu.memory_space<hbm>>
    tpu.enqueue_dma source(%dma_start3A_39 : memref<128xi32, #tpu.memory_space<hbm>>) target(%arg10 : memref<128xi32, #tpu.memory_space<vmem>>) target_semaphore(%arg29 : memref<!tpu.dma_semaphore, #tpu.memory_space<semaphore_mem>>)
    %dma_start3A_40 = tpu.memref_slice %arg6[%mul3A_37] : memref<160000xi32, #tpu.memory_space<hbm>> -> memref<128xi32, #tpu.memory_space<hbm>>
    %dma_start3A_41 = tpu.memref_slice %arg6[%mul3A_37] : memref<160000xi32, #tpu.memory_space<hbm>> -> memref<128xi32, #tpu.memory_space<hbm>>
    tpu.enqueue_dma source(%dma_start3A_41 : memref<128xi32, #tpu.memory_space<hbm>>) target(%arg13 : memref<128xi32, #tpu.memory_space<vmem>>) target_semaphore(%arg29 : memref<!tpu.dma_semaphore, #tpu.memory_space<semaphore_mem>>)
    %add3A_42 = arith.constant 0 : i32
    %add3A_43 = arith.addi %add3A_8, %add3A_42 : i32
    %mul3A_44 = arith.constant 128 : i32
    %mul3A_45 = arith.muli %add3A_43, %mul3A_44 : i32
    %dma_start3A_46 = arith.constant 0 : i32
    %dma_start3A_47 = tpu.memref_slice %arg4[%mul3A_45, %dma_start3A_46] : memref<160000x128xf32, #tpu.memory_space<hbm>> -> memref<128x128xf32, #tpu.memory_space<hbm>>
    %dma_start3A_48 = arith.constant 0 : i32
    %dma_start3A_49 = tpu.memref_slice %arg4[%mul3A_45, %dma_start3A_48] : memref<160000x128xf32, #tpu.memory_space<hbm>> -> memref<128x128xf32, #tpu.memory_space<hbm>>
    tpu.enqueue_dma source(%dma_start3A_49 : memref<128x128xf32, #tpu.memory_space<hbm>>) target(%arg15 : memref<128x128xf32, #tpu.memory_space<vmem>>) target_semaphore(%arg19 : memref<!tpu.dma_semaphore, #tpu.memory_space<semaphore_mem>>)
    %add3A_50 = arith.constant 1 : i32
    %add3A_51 = arith.addi %add3A_8, %add3A_50 : i32
    %mul3A_52 = arith.constant 128 : i32
    %mul3A_53 = arith.muli %add3A_51, %mul3A_52 : i32
    %dma_start3A_54 = arith.constant 0 : i32
    %dma_start3A_55 = tpu.memref_slice %arg4[%mul3A_53, %dma_start3A_54] : memref<160000x128xf32, #tpu.memory_space<hbm>> -> memref<128x128xf32, #tpu.memory_space<hbm>>
    %dma_start3A_56 = arith.constant 0 : i32
    %dma_start3A_57 = tpu.memref_slice %arg4[%mul3A_53, %dma_start3A_56] : memref<160000x128xf32, #tpu.memory_space<hbm>> -> memref<128x128xf32, #tpu.memory_space<hbm>>
    tpu.enqueue_dma source(%dma_start3A_57 : memref<128x128xf32, #tpu.memory_space<hbm>>) target(%arg16 : memref<128x128xf32, #tpu.memory_space<vmem>>) target_semaphore(%arg20 : memref<!tpu.dma_semaphore, #tpu.memory_space<semaphore_mem>>)
    %barrier3A = arith.constant 0 : index
    tpu.barrier barrier_id(%barrier3A)
    %dma_wait3A = arith.constant 0 : i32
    %dma_wait3A_58 = tpu.memref_slice %arg5[%dma_wait3A] : memref<160000xi32, #tpu.memory_space<hbm>> -> memref<128xi32, #tpu.memory_space<hbm>>
    %dma_wait3A_59 = arith.constant 0 : i32
    %dma_wait3A_60 = tpu.memref_slice %arg5[%dma_wait3A_59] : memref<160000xi32, #tpu.memory_space<hbm>> -> memref<128xi32, #tpu.memory_space<hbm>>
    tpu.wait_dma2 semaphore(%arg28 : memref<!tpu.dma_semaphore, #tpu.memory_space<semaphore_mem>>) src(%dma_wait3A_60 : memref<128xi32, #tpu.memory_space<hbm>>) dst(%arg9 : memref<128xi32, #tpu.memory_space<vmem>>)
    %dma_wait3A_61 = arith.constant 0 : i32
    %dma_wait3A_62 = tpu.memref_slice %arg6[%dma_wait3A_61] : memref<160000xi32, #tpu.memory_space<hbm>> -> memref<128xi32, #tpu.memory_space<hbm>>
    %dma_wait3A_63 = arith.constant 0 : i32
    %dma_wait3A_64 = tpu.memref_slice %arg6[%dma_wait3A_63] : memref<160000xi32, #tpu.memory_space<hbm>> -> memref<128xi32, #tpu.memory_space<hbm>>
    tpu.wait_dma2 semaphore(%arg28 : memref<!tpu.dma_semaphore, #tpu.memory_space<semaphore_mem>>) src(%dma_wait3A_64 : memref<128xi32, #tpu.memory_space<hbm>>) dst(%arg12 : memref<128xi32, #tpu.memory_space<vmem>>)
    %dma_wait3A_65 = arith.constant 0 : i32
    %dma_wait3A_66 = arith.constant 0 : i32
    %dma_wait3A_67 = tpu.memref_slice %arg4[%dma_wait3A_65, %dma_wait3A_66] : memref<160000x128xf32, #tpu.memory_space<hbm>> -> memref<128x128xf32, #tpu.memory_space<hbm>>
    %dma_wait3A_68 = arith.constant 0 : i32
    %dma_wait3A_69 = arith.constant 0 : i32
    %dma_wait3A_70 = tpu.memref_slice %arg4[%dma_wait3A_68, %dma_wait3A_69] : memref<160000x128xf32, #tpu.memory_space<hbm>> -> memref<128x128xf32, #tpu.memory_space<hbm>>
    tpu.wait_dma2 semaphore(%arg19 : memref<!tpu.dma_semaphore, #tpu.memory_space<semaphore_mem>>) src(%dma_wait3A_70 : memref<128x128xf32, #tpu.memory_space<hbm>>) dst(%arg15 : memref<128x128xf32, #tpu.memory_space<vmem>>)
    %dma_start3A_71 = arith.constant 0 : i32
    %dma_start3A_72 = arith.constant 0 : i32
    %dma_start3A_73 = tpu.memref_slice %arg2[%dma_start3A_71, %dma_start3A_72] : memref<10000x128xf32, #tpu.memory_space<hbm>> -> memref<10000x128xf32, #tpu.memory_space<hbm>>
    tpu.enqueue_indirect_dma source(%dma_start3A_73 : memref<10000x128xf32, #tpu.memory_space<hbm>>) target(%arg15 : memref<128x128xf32, #tpu.memory_space<vmem>>) offsets(%arg9 : memref<128xi32, #tpu.memory_space<vmem>>) semaphore(%arg22 : memref<!tpu.dma_semaphore, #tpu.memory_space<semaphore_mem>>) {add = true}
    %dma_start3A_74 = arith.constant 0 : i32
    %dma_start3A_75 = arith.constant 0 : i32
    %dma_start3A_76 = tpu.memref_slice %arg3[%dma_start3A_74, %dma_start3A_75] : memref<10000x128xf32, #tpu.memory_space<hbm>> -> memref<10000x128xf32, #tpu.memory_space<hbm>>
    tpu.enqueue_indirect_dma source(%dma_start3A_76 : memref<10000x128xf32, #tpu.memory_space<hbm>>) target(%arg15 : memref<128x128xf32, #tpu.memory_space<vmem>>) offsets(%arg12 : memref<128xi32, #tpu.memory_space<vmem>>) semaphore(%arg22 : memref<!tpu.dma_semaphore, #tpu.memory_space<semaphore_mem>>) {add = true}
    %scan3A_77 = arith.constant 0 : i32
    %scan3A_78 = arith.constant 14 : i32
    %scan3A_79 = arith.addi %scan3A_77, %scan3A_78 : i32
    %scan3A_80 = arith.constant 1 : i32
    scf.for %scan3A_83 = %scan3A_77 to %scan3A_79 step %scan3A_80  : i32 {
      %mul3A_84 = arith.constant 3 : i32
      %mul3A_85 = arith.muli %mul3A_84, %scan3A_83 : i32
      %add3A_86 = arith.constant 0 : i32
      %add3A_87 = arith.addi %mul3A_85, %add3A_86 : i32
      %add3A_88 = arith.constant 1 : i32
      %add3A_89 = arith.addi %add3A_87, %add3A_88 : i32
      %lt3A_90 = arith.cmpi slt, %add3A_89, %add3A_10 : i32
      %convert_element_type3A = arith.extui %lt3A_90 : i1 to i32
      %cond3A = arith.constant 0 : i32
      %cond3A_91 = arith.cmpi ne, %convert_element_type3A, %cond3A : i32
      scf.if %cond3A_91 {
        %dma_wait3A_160 = arith.constant 0 : i32
        %dma_wait3A_161 = tpu.memref_slice %arg5[%dma_wait3A_160] : memref<160000xi32, #tpu.memory_space<hbm>> -> memref<128xi32, #tpu.memory_space<hbm>>
        %dma_wait3A_162 = arith.constant 0 : i32
        %dma_wait3A_163 = tpu.memref_slice %arg5[%dma_wait3A_162] : memref<160000xi32, #tpu.memory_space<hbm>> -> memref<128xi32, #tpu.memory_space<hbm>>
        tpu.wait_dma2 semaphore(%arg29 : memref<!tpu.dma_semaphore, #tpu.memory_space<semaphore_mem>>) src(%dma_wait3A_163 : memref<128xi32, #tpu.memory_space<hbm>>) dst(%arg10 : memref<128xi32, #tpu.memory_space<vmem>>)
        %dma_wait3A_164 = arith.constant 0 : i32
        %dma_wait3A_165 = tpu.memref_slice %arg6[%dma_wait3A_164] : memref<160000xi32, #tpu.memory_space<hbm>> -> memref<128xi32, #tpu.memory_space<hbm>>
        %dma_wait3A_166 = arith.constant 0 : i32
        %dma_wait3A_167 = tpu.memref_slice %arg6[%dma_wait3A_166] : memref<160000xi32, #tpu.memory_space<hbm>> -> memref<128xi32, #tpu.memory_space<hbm>>
        tpu.wait_dma2 semaphore(%arg29 : memref<!tpu.dma_semaphore, #tpu.memory_space<semaphore_mem>>) src(%dma_wait3A_167 : memref<128xi32, #tpu.memory_space<hbm>>) dst(%arg13 : memref<128xi32, #tpu.memory_space<vmem>>)
        %dma_wait3A_168 = arith.constant 0 : i32
        %dma_wait3A_169 = arith.constant 0 : i32
        %dma_wait3A_170 = tpu.memref_slice %arg4[%dma_wait3A_168, %dma_wait3A_169] : memref<160000x128xf32, #tpu.memory_space<hbm>> -> memref<128x128xf32, #tpu.memory_space<hbm>>
        %dma_wait3A_171 = arith.constant 0 : i32
        %dma_wait3A_172 = arith.constant 0 : i32
        %dma_wait3A_173 = tpu.memref_slice %arg4[%dma_wait3A_171, %dma_wait3A_172] : memref<160000x128xf32, #tpu.memory_space<hbm>> -> memref<128x128xf32, #tpu.memory_space<hbm>>
        tpu.wait_dma2 semaphore(%arg20 : memref<!tpu.dma_semaphore, #tpu.memory_space<semaphore_mem>>) src(%dma_wait3A_173 : memref<128x128xf32, #tpu.memory_space<hbm>>) dst(%arg16 : memref<128x128xf32, #tpu.memory_space<vmem>>)
        %dma_start3A_174 = arith.constant 0 : i32
        %dma_start3A_175 = arith.constant 0 : i32
        %dma_start3A_176 = tpu.memref_slice %arg2[%dma_start3A_174, %dma_start3A_175] : memref<10000x128xf32, #tpu.memory_space<hbm>> -> memref<10000x128xf32, #tpu.memory_space<hbm>>
        tpu.enqueue_indirect_dma source(%dma_start3A_176 : memref<10000x128xf32, #tpu.memory_space<hbm>>) target(%arg16 : memref<128x128xf32, #tpu.memory_space<vmem>>) offsets(%arg10 : memref<128xi32, #tpu.memory_space<vmem>>) semaphore(%arg23 : memref<!tpu.dma_semaphore, #tpu.memory_space<semaphore_mem>>) {add = true}
        %dma_start3A_177 = arith.constant 0 : i32
        %dma_start3A_178 = arith.constant 0 : i32
        %dma_start3A_179 = tpu.memref_slice %arg3[%dma_start3A_177, %dma_start3A_178] : memref<10000x128xf32, #tpu.memory_space<hbm>> -> memref<10000x128xf32, #tpu.memory_space<hbm>>
        tpu.enqueue_indirect_dma source(%dma_start3A_179 : memref<10000x128xf32, #tpu.memory_space<hbm>>) target(%arg16 : memref<128x128xf32, #tpu.memory_space<vmem>>) offsets(%arg13 : memref<128xi32, #tpu.memory_space<vmem>>) semaphore(%arg23 : memref<!tpu.dma_semaphore, #tpu.memory_space<semaphore_mem>>) {add = true}
      } else {
      }
      %ge3A = arith.constant 1 : i32
      %ge3A_92 = arith.cmpi sge, %add3A_87, %ge3A : i32
      %le3A = arith.cmpi sle, %add3A_87, %add3A_10 : i32
      %and3A = arith.andi %ge3A_92, %le3A : i1
      %convert_element_type3A_93 = arith.extui %and3A : i1 to i32
      %cond3A_94 = arith.constant 0 : i32
      %cond3A_95 = arith.cmpi ne, %convert_element_type3A_93, %cond3A_94 : i32
      scf.if %cond3A_95 {
        %dma_wait3A_160 = arith.constant 0 : i32
        %dma_wait3A_161 = arith.constant 0 : i32
        %dma_wait3A_162 = tpu.memref_slice %arg7[%dma_wait3A_160, %dma_wait3A_161] : memref<160000x128xf32, #tpu.memory_space<hbm>> -> memref<128x128xf32, #tpu.memory_space<hbm>>
        %dma_wait3A_163 = arith.constant 0 : i32
        %dma_wait3A_164 = arith.constant 0 : i32
        %dma_wait3A_165 = tpu.memref_slice %arg7[%dma_wait3A_163, %dma_wait3A_164] : memref<160000x128xf32, #tpu.memory_space<hbm>> -> memref<128x128xf32, #tpu.memory_space<hbm>>
        tpu.wait_dma2 semaphore(%arg27 : memref<!tpu.dma_semaphore, #tpu.memory_space<semaphore_mem>>) src(%arg17 : memref<128x128xf32, #tpu.memory_space<vmem>>) dst(%dma_wait3A_165 : memref<128x128xf32, #tpu.memory_space<hbm>>)
        %dma_wait3A_166 = arith.constant 0 : i32
        %dma_wait3A_167 = arith.constant 0 : i32
        %dma_wait3A_168 = tpu.memref_slice %arg18[%dma_wait3A_166, %dma_wait3A_167] : memref<10112x128xf32, #tpu.memory_space<vmem_shared>> -> memref<10112x128xf32, #tpu.memory_space<vmem_shared>>
        tpu.wait_indirect_dma semaphore(%arg33 : memref<!tpu.dma_semaphore, #tpu.memory_space<semaphore_mem>>) src(%arg17 : memref<128x128xf32, #tpu.memory_space<vmem>>) dst(%dma_wait3A_168 : memref<10112x128xf32, #tpu.memory_space<vmem_shared>>)
      } else {
      }
      %add3A_96 = arith.constant 2 : i32
      %add3A_97 = arith.addi %add3A_87, %add3A_96 : i32
      %lt3A_98 = arith.cmpi slt, %add3A_97, %add3A_10 : i32
      %convert_element_type3A_99 = arith.extui %lt3A_98 : i1 to i32
      %cond3A_100 = arith.constant 0 : i32
      %cond3A_101 = arith.cmpi ne, %convert_element_type3A_99, %cond3A_100 : i32
      scf.if %cond3A_101 {
        %add3A_160 = arith.constant 2 : i32
        %add3A_161 = arith.addi %add3A_87, %add3A_160 : i32
        %add3A_162 = arith.addi %add3A_8, %add3A_161 : i32
        %mul3A_163 = arith.constant 128 : i32
        %mul3A_164 = arith.muli %add3A_162, %mul3A_163 : i32
        %dma_start3A_165 = tpu.memref_slice %arg5[%mul3A_164] : memref<160000xi32, #tpu.memory_space<hbm>> -> memref<128xi32, #tpu.memory_space<hbm>>
        %dma_start3A_166 = tpu.memref_slice %arg5[%mul3A_164] : memref<160000xi32, #tpu.memory_space<hbm>> -> memref<128xi32, #tpu.memory_space<hbm>>
        tpu.enqueue_dma source(%dma_start3A_166 : memref<128xi32, #tpu.memory_space<hbm>>) target(%arg11 : memref<128xi32, #tpu.memory_space<vmem>>) target_semaphore(%arg30 : memref<!tpu.dma_semaphore, #tpu.memory_space<semaphore_mem>>)
        %dma_start3A_167 = tpu.memref_slice %arg6[%mul3A_164] : memref<160000xi32, #tpu.memory_space<hbm>> -> memref<128xi32, #tpu.memory_space<hbm>>
        %dma_start3A_168 = tpu.memref_slice %arg6[%mul3A_164] : memref<160000xi32, #tpu.memory_space<hbm>> -> memref<128xi32, #tpu.memory_space<hbm>>
        tpu.enqueue_dma source(%dma_start3A_168 : memref<128xi32, #tpu.memory_space<hbm>>) target(%arg14 : memref<128xi32, #tpu.memory_space<vmem>>) target_semaphore(%arg30 : memref<!tpu.dma_semaphore, #tpu.memory_space<semaphore_mem>>)
        %add3A_169 = arith.constant 2 : i32
        %add3A_170 = arith.addi %add3A_87, %add3A_169 : i32
        %add3A_171 = arith.addi %add3A_8, %add3A_170 : i32
        %mul3A_172 = arith.constant 128 : i32
        %mul3A_173 = arith.muli %add3A_171, %mul3A_172 : i32
        %dma_start3A_174 = arith.constant 0 : i32
        %dma_start3A_175 = tpu.memref_slice %arg4[%mul3A_173, %dma_start3A_174] : memref<160000x128xf32, #tpu.memory_space<hbm>> -> memref<128x128xf32, #tpu.memory_space<hbm>>
        %dma_start3A_176 = arith.constant 0 : i32
        %dma_start3A_177 = tpu.memref_slice %arg4[%mul3A_173, %dma_start3A_176] : memref<160000x128xf32, #tpu.memory_space<hbm>> -> memref<128x128xf32, #tpu.memory_space<hbm>>
        tpu.enqueue_dma source(%dma_start3A_177 : memref<128x128xf32, #tpu.memory_space<hbm>>) target(%arg17 : memref<128x128xf32, #tpu.memory_space<vmem>>) target_semaphore(%arg21 : memref<!tpu.dma_semaphore, #tpu.memory_space<semaphore_mem>>)
      } else {
      }
      %lt3A_102 = arith.cmpi slt, %add3A_87, %add3A_10 : i32
      %convert_element_type3A_103 = arith.extui %lt3A_102 : i1 to i32
      %cond3A_104 = arith.constant 0 : i32
      %cond3A_105 = arith.cmpi ne, %convert_element_type3A_103, %cond3A_104 : i32
      scf.if %cond3A_105 {
        %dma_wait3A_160 = arith.constant 0 : i32
        %dma_wait3A_161 = arith.constant 0 : i32
        %dma_wait3A_162 = tpu.memref_slice %arg4[%dma_wait3A_160, %dma_wait3A_161] : memref<160000x128xf32, #tpu.memory_space<hbm>> -> memref<128x128xf32, #tpu.memory_space<hbm>>
        %dma_wait3A_163 = arith.constant 0 : i32
        %dma_wait3A_164 = arith.constant 0 : i32
        %dma_wait3A_165 = tpu.memref_slice %arg4[%dma_wait3A_163, %dma_wait3A_164] : memref<160000x128xf32, #tpu.memory_space<hbm>> -> memref<128x128xf32, #tpu.memory_space<hbm>>
        tpu.wait_dma2 semaphore(%arg22 : memref<!tpu.dma_semaphore, #tpu.memory_space<semaphore_mem>>) src(%dma_wait3A_165 : memref<128x128xf32, #tpu.memory_space<hbm>>) dst(%arg15 : memref<128x128xf32, #tpu.memory_space<vmem>>)
        %dma_wait3A_166 = arith.constant 0 : i32
        %dma_wait3A_167 = arith.constant 0 : i32
        %dma_wait3A_168 = tpu.memref_slice %arg4[%dma_wait3A_166, %dma_wait3A_167] : memref<160000x128xf32, #tpu.memory_space<hbm>> -> memref<128x128xf32, #tpu.memory_space<hbm>>
        %dma_wait3A_169 = arith.constant 0 : i32
        %dma_wait3A_170 = arith.constant 0 : i32
        %dma_wait3A_171 = tpu.memref_slice %arg4[%dma_wait3A_169, %dma_wait3A_170] : memref<160000x128xf32, #tpu.memory_space<hbm>> -> memref<128x128xf32, #tpu.memory_space<hbm>>
        tpu.wait_dma2 semaphore(%arg22 : memref<!tpu.dma_semaphore, #tpu.memory_space<semaphore_mem>>) src(%dma_wait3A_171 : memref<128x128xf32, #tpu.memory_space<hbm>>) dst(%arg15 : memref<128x128xf32, #tpu.memory_space<vmem>>)
        %scan3A_172 = arith.constant 0 : i32
        %scan3A_173 = arith.constant 64 : i32
        %scan3A_174 = arith.addi %scan3A_172, %scan3A_173 : i32
        %scan3A_175 = arith.constant 1 : i32
        scf.for %scan3A_187 = %scan3A_172 to %scan3A_174 step %scan3A_175  : i32 {
          %mul3A_188 = arith.constant 2 : i32
          %mul3A_189 = arith.muli %mul3A_188, %scan3A_187 : i32
          %add3A_190 = arith.constant 0 : i32
          %add3A_191 = arith.addi %mul3A_189, %add3A_190 : i32
          %get3A = arith.index_cast %add3A_191 : i32 to index
          %get3A_192 = arith.constant 0 : index
          %get3A_193 = tpu.vector_load %arg15[%get3A, %get3A_192] {strides = array<i32>} : memref<128x128xf32, #tpu.memory_space<vmem>>, vector<1x16xf32>,
          %get3A_194 = vector.shape_cast %get3A_193 : vector<1x16xf32> to vector<16xf32>
          %max3A = arith.constant 0.000000e+00 : f32
          %max3A_195 = vector.broadcast %max3A : f32 to vector<16xf32>
          %max3A_196 = arith.maximumf %get3A_194, %max3A_195 : vector<16xf32>
          %swap3A = arith.index_cast %add3A_191 : i32 to index
          %swap3A_197 = arith.constant 0 : index
          %swap3A_198 = tpu.vector_load %arg15[%swap3A, %swap3A_197] {strides = array<i32>} : memref<128x128xf32, #tpu.memory_space<vmem>>, vector<1x16xf32>,
          %swap3A_199 = vector.shape_cast %swap3A_198 : vector<1x16xf32> to vector<16xf32>
          %swap3A_200 = vector.shape_cast %max3A_196 : vector<16xf32> to vector<1x16xf32>
          tpu.vector_store %arg15[%swap3A, %swap3A_197], %swap3A_200 {strides = array<i32>} : memref<128x128xf32, #tpu.memory_space<vmem>>, vector<1x16xf32>,
          %get3A_201 = arith.index_cast %add3A_191 : i32 to index
          %get3A_202 = arith.constant 16 : index
          %get3A_203 = tpu.vector_load %arg15[%get3A_201, %get3A_202] {strides = array<i32>} : memref<128x128xf32, #tpu.memory_space<vmem>>, vector<1x16xf32>,
          %get3A_204 = vector.shape_cast %get3A_203 : vector<1x16xf32> to vector<16xf32>
          %max3A_205 = arith.constant 0.000000e+00 : f32
          %max3A_206 = vector.broadcast %max3A_205 : f32 to vector<16xf32>
          %max3A_207 = arith.maximumf %get3A_204, %max3A_206 : vector<16xf32>
          %swap3A_208 = arith.index_cast %add3A_191 : i32 to index
          %swap3A_209 = arith.constant 16 : index
          %swap3A_210 = tpu.vector_load %arg15[%swap3A_208, %swap3A_209] {strides = array<i32>} : memref<128x128xf32, #tpu.memory_space<vmem>>, vector<1x16xf32>,
          %swap3A_211 = vector.shape_cast %swap3A_210 : vector<1x16xf32> to vector<16xf32>
          %swap3A_212 = vector.shape_cast %max3A_207 : vector<16xf32> to vector<1x16xf32>
          tpu.vector_store %arg15[%swap3A_208, %swap3A_209], %swap3A_212 {strides = array<i32>} : memref<128x128xf32, #tpu.memory_space<vmem>>, vector<1x16xf32>,
          %get3A_213 = arith.index_cast %add3A_191 : i32 to index
          %get3A_214 = arith.constant 32 : index
          %get3A_215 = tpu.vector_load %arg15[%get3A_213, %get3A_214] {strides = array<i32>} : memref<128x128xf32, #tpu.memory_space<vmem>>, vector<1x16xf32>,
          %get3A_216 = vector.shape_cast %get3A_215 : vector<1x16xf32> to vector<16xf32>
          %max3A_217 = arith.constant 0.000000e+00 : f32
          %max3A_218 = vector.broadcast %max3A_217 : f32 to vector<16xf32>
          %max3A_219 = arith.maximumf %get3A_216, %max3A_218 : vector<16xf32>
          %swap3A_220 = arith.index_cast %add3A_191 : i32 to index
          %swap3A_221 = arith.constant 32 : index
          %swap3A_222 = tpu.vector_load %arg15[%swap3A_220, %swap3A_221] {strides = array<i32>} : memref<128x128xf32, #tpu.memory_space<vmem>>, vector<1x16xf32>,
          %swap3A_223 = vector.shape_cast %swap3A_222 : vector<1x16xf32> to vector<16xf32>
          %swap3A_224 = vector.shape_cast %max3A_219 : vector<16xf32> to vector<1x16xf32>
          tpu.vector_store %arg15[%swap3A_220, %swap3A_221], %swap3A_224 {strides = array<i32>} : memref<128x128xf32, #tpu.memory_space<vmem>>, vector<1x16xf32>,
          %get3A_225 = arith.index_cast %add3A_191 : i32 to index
          %get3A_226 = arith.constant 48 : index
          %get3A_227 = tpu.vector_load %arg15[%get3A_225, %get3A_226] {strides = array<i32>} : memref<128x128xf32, #tpu.memory_space<vmem>>, vector<1x16xf32>,
          %get3A_228 = vector.shape_cast %get3A_227 : vector<1x16xf32> to vector<16xf32>
          %max3A_229 = arith.constant 0.000000e+00 : f32
          %max3A_230 = vector.broadcast %max3A_229 : f32 to vector<16xf32>
          %max3A_231 = arith.maximumf %get3A_228, %max3A_230 : vector<16xf32>
          %swap3A_232 = arith.index_cast %add3A_191 : i32 to index
          %swap3A_233 = arith.constant 48 : index
          %swap3A_234 = tpu.vector_load %arg15[%swap3A_232, %swap3A_233] {strides = array<i32>} : memref<128x128xf32, #tpu.memory_space<vmem>>, vector<1x16xf32>,
          %swap3A_235 = vector.shape_cast %swap3A_234 : vector<1x16xf32> to vector<16xf32>
          %swap3A_236 = vector.shape_cast %max3A_231 : vector<16xf32> to vector<1x16xf32>
          tpu.vector_store %arg15[%swap3A_232, %swap3A_233], %swap3A_236 {strides = array<i32>} : memref<128x128xf32, #tpu.memory_space<vmem>>, vector<1x16xf32>,
          %get3A_237 = arith.index_cast %add3A_191 : i32 to index
          %get3A_238 = arith.constant 64 : index
          %get3A_239 = tpu.vector_load %arg15[%get3A_237, %get3A_238] {strides = array<i32>} : memref<128x128xf32, #tpu.memory_space<vmem>>, vector<1x16xf32>,
          %get3A_240 = vector.shape_cast %get3A_239 : vector<1x16xf32> to vector<16xf32>
          %max3A_241 = arith.constant 0.000000e+00 : f32
          %max3A_242 = vector.broadcast %max3A_241 : f32 to vector<16xf32>
          %max3A_243 = arith.maximumf %get3A_240, %max3A_242 : vector<16xf32>
          %swap3A_244 = arith.index_cast %add3A_191 : i32 to index
          %swap3A_245 = arith.constant 64 : index
          %swap3A_246 = tpu.vector_load %arg15[%swap3A_244, %swap3A_245] {strides = array<i32>} : memref<128x128xf32, #tpu.memory_space<vmem>>, vector<1x16xf32>,
          %swap3A_247 = vector.shape_cast %swap3A_246 : vector<1x16xf32> to vector<16xf32>
          %swap3A_248 = vector.shape_cast %max3A_243 : vector<16xf32> to vector<1x16xf32>
          tpu.vector_store %arg15[%swap3A_244, %swap3A_245], %swap3A_248 {strides = array<i32>} : memref<128x128xf32, #tpu.memory_space<vmem>>, vector<1x16xf32>,
          %get3A_249 = arith.index_cast %add3A_191 : i32 to index
          %get3A_250 = arith.constant 80 : index
          %get3A_251 = tpu.vector_load %arg15[%get3A_249, %get3A_250] {strides = array<i32>} : memref<128x128xf32, #tpu.memory_space<vmem>>, vector<1x16xf32>,
          %get3A_252 = vector.shape_cast %get3A_251 : vector<1x16xf32> to vector<16xf32>
          %max3A_253 = arith.constant 0.000000e+00 : f32
          %max3A_254 = vector.broadcast %max3A_253 : f32 to vector<16xf32>
          %max3A_255 = arith.maximumf %get3A_252, %max3A_254 : vector<16xf32>
          %swap3A_256 = arith.index_cast %add3A_191 : i32 to index
          %swap3A_257 = arith.constant 80 : index
          %swap3A_258 = tpu.vector_load %arg15[%swap3A_256, %swap3A_257] {strides = array<i32>} : memref<128x128xf32, #tpu.memory_space<vmem>>, vector<1x16xf32>,
          %swap3A_259 = vector.shape_cast %swap3A_258 : vector<1x16xf32> to vector<16xf32>
          %swap3A_260 = vector.shape_cast %max3A_255 : vector<16xf32> to vector<1x16xf32>
          tpu.vector_store %arg15[%swap3A_256, %swap3A_257], %swap3A_260 {strides = array<i32>} : memref<128x128xf32, #tpu.memory_space<vmem>>, vector<1x16xf32>,
          %get3A_261 = arith.index_cast %add3A_191 : i32 to index
          %get3A_262 = arith.constant 96 : index
          %get3A_263 = tpu.vector_load %arg15[%get3A_261, %get3A_262] {strides = array<i32>} : memref<128x128xf32, #tpu.memory_space<vmem>>, vector<1x16xf32>,
          %get3A_264 = vector.shape_cast %get3A_263 : vector<1x16xf32> to vector<16xf32>
          %max3A_265 = arith.constant 0.000000e+00 : f32
          %max3A_266 = vector.broadcast %max3A_265 : f32 to vector<16xf32>
          %max3A_267 = arith.maximumf %get3A_264, %max3A_266 : vector<16xf32>
          %swap3A_268 = arith.index_cast %add3A_191 : i32 to index
          %swap3A_269 = arith.constant 96 : index
          %swap3A_270 = tpu.vector_load %arg15[%swap3A_268, %swap3A_269] {strides = array<i32>} : memref<128x128xf32, #tpu.memory_space<vmem>>, vector<1x16xf32>,
          %swap3A_271 = vector.shape_cast %swap3A_270 : vector<1x16xf32> to vector<16xf32>
          %swap3A_272 = vector.shape_cast %max3A_267 : vector<16xf32> to vector<1x16xf32>
          tpu.vector_store %arg15[%swap3A_268, %swap3A_269], %swap3A_272 {strides = array<i32>} : memref<128x128xf32, #tpu.memory_space<vmem>>, vector<1x16xf32>,
          %get3A_273 = arith.index_cast %add3A_191 : i32 to index
          %get3A_274 = arith.constant 112 : index
          %get3A_275 = tpu.vector_load %arg15[%get3A_273, %get3A_274] {strides = array<i32>} : memref<128x128xf32, #tpu.memory_space<vmem>>, vector<1x16xf32>,
          %get3A_276 = vector.shape_cast %get3A_275 : vector<1x16xf32> to vector<16xf32>
          %max3A_277 = arith.constant 0.000000e+00 : f32
          %max3A_278 = vector.broadcast %max3A_277 : f32 to vector<16xf32>
          %max3A_279 = arith.maximumf %get3A_276, %max3A_278 : vector<16xf32>
          %swap3A_280 = arith.index_cast %add3A_191 : i32 to index
          %swap3A_281 = arith.constant 112 : index
          %swap3A_282 = tpu.vector_load %arg15[%swap3A_280, %swap3A_281] {strides = array<i32>} : memref<128x128xf32, #tpu.memory_space<vmem>>, vector<1x16xf32>,
          %swap3A_283 = vector.shape_cast %swap3A_282 : vector<1x16xf32> to vector<16xf32>
          %swap3A_284 = vector.shape_cast %max3A_279 : vector<16xf32> to vector<1x16xf32>
          tpu.vector_store %arg15[%swap3A_280, %swap3A_281], %swap3A_284 {strides = array<i32>} : memref<128x128xf32, #tpu.memory_space<vmem>>, vector<1x16xf32>,
          %mul3A_285 = arith.constant 2 : i32
          %mul3A_286 = arith.muli %mul3A_285, %scan3A_187 : i32
          %add3A_287 = arith.constant 1 : i32
          %add3A_288 = arith.addi %mul3A_286, %add3A_287 : i32
          %get3A_289 = arith.index_cast %add3A_288 : i32 to index
          %get3A_290 = arith.constant 0 : index
          %get3A_291 = tpu.vector_load %arg15[%get3A_289, %get3A_290] {strides = array<i32>} : memref<128x128xf32, #tpu.memory_space<vmem>>, vector<1x16xf32>,
          %get3A_292 = vector.shape_cast %get3A_291 : vector<1x16xf32> to vector<16xf32>
          %max3A_293 = arith.constant 0.000000e+00 : f32
          %max3A_294 = vector.broadcast %max3A_293 : f32 to vector<16xf32>
          %max3A_295 = arith.maximumf %get3A_292, %max3A_294 : vector<16xf32>
          %swap3A_296 = arith.index_cast %add3A_288 : i32 to index
          %swap3A_297 = arith.constant 0 : index
          %swap3A_298 = tpu.vector_load %arg15[%swap3A_296, %swap3A_297] {strides = array<i32>} : memref<128x128xf32, #tpu.memory_space<vmem>>, vector<1x16xf32>,
          %swap3A_299 = vector.shape_cast %swap3A_298 : vector<1x16xf32> to vector<16xf32>
          %swap3A_300 = vector.shape_cast %max3A_295 : vector<16xf32> to vector<1x16xf32>
          tpu.vector_store %arg15[%swap3A_296, %swap3A_297], %swap3A_300 {strides = array<i32>} : memref<128x128xf32, #tpu.memory_space<vmem>>, vector<1x16xf32>,
          %get3A_301 = arith.index_cast %add3A_288 : i32 to index
          %get3A_302 = arith.constant 16 : index
          %get3A_303 = tpu.vector_load %arg15[%get3A_301, %get3A_302] {strides = array<i32>} : memref<128x128xf32, #tpu.memory_space<vmem>>, vector<1x16xf32>,
          %get3A_304 = vector.shape_cast %get3A_303 : vector<1x16xf32> to vector<16xf32>
          %max3A_305 = arith.constant 0.000000e+00 : f32
          %max3A_306 = vector.broadcast %max3A_305 : f32 to vector<16xf32>
          %max3A_307 = arith.maximumf %get3A_304, %max3A_306 : vector<16xf32>
          %swap3A_308 = arith.index_cast %add3A_288 : i32 to index
          %swap3A_309 = arith.constant 16 : index
          %swap3A_310 = tpu.vector_load %arg15[%swap3A_308, %swap3A_309] {strides = array<i32>} : memref<128x128xf32, #tpu.memory_space<vmem>>, vector<1x16xf32>,
          %swap3A_311 = vector.shape_cast %swap3A_310 : vector<1x16xf32> to vector<16xf32>
          %swap3A_312 = vector.shape_cast %max3A_307 : vector<16xf32> to vector<1x16xf32>
          tpu.vector_store %arg15[%swap3A_308, %swap3A_309], %swap3A_312 {strides = array<i32>} : memref<128x128xf32, #tpu.memory_space<vmem>>, vector<1x16xf32>,
          %get3A_313 = arith.index_cast %add3A_288 : i32 to index
          %get3A_314 = arith.constant 32 : index
          %get3A_315 = tpu.vector_load %arg15[%get3A_313, %get3A_314] {strides = array<i32>} : memref<128x128xf32, #tpu.memory_space<vmem>>, vector<1x16xf32>,
          %get3A_316 = vector.shape_cast %get3A_315 : vector<1x16xf32> to vector<16xf32>
          %max3A_317 = arith.constant 0.000000e+00 : f32
          %max3A_318 = vector.broadcast %max3A_317 : f32 to vector<16xf32>
          %max3A_319 = arith.maximumf %get3A_316, %max3A_318 : vector<16xf32>
          %swap3A_320 = arith.index_cast %add3A_288 : i32 to index
          %swap3A_321 = arith.constant 32 : index
          %swap3A_322 = tpu.vector_load %arg15[%swap3A_320, %swap3A_321] {strides = array<i32>} : memref<128x128xf32, #tpu.memory_space<vmem>>, vector<1x16xf32>,
          %swap3A_323 = vector.shape_cast %swap3A_322 : vector<1x16xf32> to vector<16xf32>
          %swap3A_324 = vector.shape_cast %max3A_319 : vector<16xf32> to vector<1x16xf32>
          tpu.vector_store %arg15[%swap3A_320, %swap3A_321], %swap3A_324 {strides = array<i32>} : memref<128x128xf32, #tpu.memory_space<vmem>>, vector<1x16xf32>,
          %get3A_325 = arith.index_cast %add3A_288 : i32 to index
          %get3A_326 = arith.constant 48 : index
          %get3A_327 = tpu.vector_load %arg15[%get3A_325, %get3A_326] {strides = array<i32>} : memref<128x128xf32, #tpu.memory_space<vmem>>, vector<1x16xf32>,
          %get3A_328 = vector.shape_cast %get3A_327 : vector<1x16xf32> to vector<16xf32>
          %max3A_329 = arith.constant 0.000000e+00 : f32
          %max3A_330 = vector.broadcast %max3A_329 : f32 to vector<16xf32>
          %max3A_331 = arith.maximumf %get3A_328, %max3A_330 : vector<16xf32>
          %swap3A_332 = arith.index_cast %add3A_288 : i32 to index
          %swap3A_333 = arith.constant 48 : index
          %swap3A_334 = tpu.vector_load %arg15[%swap3A_332, %swap3A_333] {strides = array<i32>} : memref<128x128xf32, #tpu.memory_space<vmem>>, vector<1x16xf32>,
          %swap3A_335 = vector.shape_cast %swap3A_334 : vector<1x16xf32> to vector<16xf32>
          %swap3A_336 = vector.shape_cast %max3A_331 : vector<16xf32> to vector<1x16xf32>
          tpu.vector_store %arg15[%swap3A_332, %swap3A_333], %swap3A_336 {strides = array<i32>} : memref<128x128xf32, #tpu.memory_space<vmem>>, vector<1x16xf32>,
          %get3A_337 = arith.index_cast %add3A_288 : i32 to index
          %get3A_338 = arith.constant 64 : index
          %get3A_339 = tpu.vector_load %arg15[%get3A_337, %get3A_338] {strides = array<i32>} : memref<128x128xf32, #tpu.memory_space<vmem>>, vector<1x16xf32>,
          %get3A_340 = vector.shape_cast %get3A_339 : vector<1x16xf32> to vector<16xf32>
          %max3A_341 = arith.constant 0.000000e+00 : f32
          %max3A_342 = vector.broadcast %max3A_341 : f32 to vector<16xf32>
          %max3A_343 = arith.maximumf %get3A_340, %max3A_342 : vector<16xf32>
          %swap3A_344 = arith.index_cast %add3A_288 : i32 to index
          %swap3A_345 = arith.constant 64 : index
          %swap3A_346 = tpu.vector_load %arg15[%swap3A_344, %swap3A_345] {strides = array<i32>} : memref<128x128xf32, #tpu.memory_space<vmem>>, vector<1x16xf32>,
          %swap3A_347 = vector.shape_cast %swap3A_346 : vector<1x16xf32> to vector<16xf32>
          %swap3A_348 = vector.shape_cast %max3A_343 : vector<16xf32> to vector<1x16xf32>
          tpu.vector_store %arg15[%swap3A_344, %swap3A_345], %swap3A_348 {strides = array<i32>} : memref<128x128xf32, #tpu.memory_space<vmem>>, vector<1x16xf32>,
          %get3A_349 = arith.index_cast %add3A_288 : i32 to index
          %get3A_350 = arith.constant 80 : index
          %get3A_351 = tpu.vector_load %arg15[%get3A_349, %get3A_350] {strides = array<i32>} : memref<128x128xf32, #tpu.memory_space<vmem>>, vector<1x16xf32>,
          %get3A_352 = vector.shape_cast %get3A_351 : vector<1x16xf32> to vector<16xf32>
          %max3A_353 = arith.constant 0.000000e+00 : f32
          %max3A_354 = vector.broadcast %max3A_353 : f32 to vector<16xf32>
          %max3A_355 = arith.maximumf %get3A_352, %max3A_354 : vector<16xf32>
          %swap3A_356 = arith.index_cast %add3A_288 : i32 to index
          %swap3A_357 = arith.constant 80 : index
          %swap3A_358 = tpu.vector_load %arg15[%swap3A_356, %swap3A_357] {strides = array<i32>} : memref<128x128xf32, #tpu.memory_space<vmem>>, vector<1x16xf32>,
          %swap3A_359 = vector.shape_cast %swap3A_358 : vector<1x16xf32> to vector<16xf32>
          %swap3A_360 = vector.shape_cast %max3A_355 : vector<16xf32> to vector<1x16xf32>
          tpu.vector_store %arg15[%swap3A_356, %swap3A_357], %swap3A_360 {strides = array<i32>} : memref<128x128xf32, #tpu.memory_space<vmem>>, vector<1x16xf32>,
          %get3A_361 = arith.index_cast %add3A_288 : i32 to index
          %get3A_362 = arith.constant 96 : index
          %get3A_363 = tpu.vector_load %arg15[%get3A_361, %get3A_362] {strides = array<i32>} : memref<128x128xf32, #tpu.memory_space<vmem>>, vector<1x16xf32>,
          %get3A_364 = vector.shape_cast %get3A_363 : vector<1x16xf32> to vector<16xf32>
          %max3A_365 = arith.constant 0.000000e+00 : f32
          %max3A_366 = vector.broadcast %max3A_365 : f32 to vector<16xf32>
          %max3A_367 = arith.maximumf %get3A_364, %max3A_366 : vector<16xf32>
          %swap3A_368 = arith.index_cast %add3A_288 : i32 to index
          %swap3A_369 = arith.constant 96 : index
          %swap3A_370 = tpu.vector_load %arg15[%swap3A_368, %swap3A_369] {strides = array<i32>} : memref<128x128xf32, #tpu.memory_space<vmem>>, vector<1x16xf32>,
          %swap3A_371 = vector.shape_cast %swap3A_370 : vector<1x16xf32> to vector<16xf32>
          %swap3A_372 = vector.shape_cast %max3A_367 : vector<16xf32> to vector<1x16xf32>
          tpu.vector_store %arg15[%swap3A_368, %swap3A_369], %swap3A_372 {strides = array<i32>} : memref<128x128xf32, #tpu.memory_space<vmem>>, vector<1x16xf32>,
          %get3A_373 = arith.index_cast %add3A_288 : i32 to index
          %get3A_374 = arith.constant 112 : index
          %get3A_375 = tpu.vector_load %arg15[%get3A_373, %get3A_374] {strides = array<i32>} : memref<128x128xf32, #tpu.memory_space<vmem>>, vector<1x16xf32>,
          %get3A_376 = vector.shape_cast %get3A_375 : vector<1x16xf32> to vector<16xf32>
          %max3A_377 = arith.constant 0.000000e+00 : f32
          %max3A_378 = vector.broadcast %max3A_377 : f32 to vector<16xf32>
          %max3A_379 = arith.maximumf %get3A_376, %max3A_378 : vector<16xf32>
          %swap3A_380 = arith.index_cast %add3A_288 : i32 to index
          %swap3A_381 = arith.constant 112 : index
          %swap3A_382 = tpu.vector_load %arg15[%swap3A_380, %swap3A_381] {strides = array<i32>} : memref<128x128xf32, #tpu.memory_space<vmem>>, vector<1x16xf32>,
          %swap3A_383 = vector.shape_cast %swap3A_382 : vector<1x16xf32> to vector<16xf32>
          %swap3A_384 = vector.shape_cast %max3A_379 : vector<16xf32> to vector<1x16xf32>
          tpu.vector_store %arg15[%swap3A_380, %swap3A_381], %swap3A_384 {strides = array<i32>} : memref<128x128xf32, #tpu.memory_space<vmem>>, vector<1x16xf32>,
        }
        %scan3A_176 = arith.constant 64 : i32
        %add3A_177 = arith.addi %add3A_8, %add3A_87 : i32
        %mul3A_178 = arith.constant 128 : i32
        %mul3A_179 = arith.muli %add3A_177, %mul3A_178 : i32
        %dma_start3A_180 = arith.constant 0 : i32
        %dma_start3A_181 = tpu.memref_slice %arg7[%mul3A_179, %dma_start3A_180] : memref<160000x128xf32, #tpu.memory_space<hbm>> -> memref<128x128xf32, #tpu.memory_space<hbm>>
        %dma_start3A_182 = arith.constant 0 : i32
        %dma_start3A_183 = tpu.memref_slice %arg7[%mul3A_179, %dma_start3A_182] : memref<160000x128xf32, #tpu.memory_space<hbm>> -> memref<128x128xf32, #tpu.memory_space<hbm>>
        tpu.enqueue_dma source(%arg15 : memref<128x128xf32, #tpu.memory_space<vmem>>) target(%dma_start3A_183 : memref<128x128xf32, #tpu.memory_space<hbm>>) target_semaphore(%arg25 : memref<!tpu.dma_semaphore, #tpu.memory_space<semaphore_mem>>)
        %dma_start3A_184 = arith.constant 0 : i32
        %dma_start3A_185 = arith.constant 0 : i32
        %dma_start3A_186 = tpu.memref_slice %arg18[%dma_start3A_184, %dma_start3A_185] : memref<10112x128xf32, #tpu.memory_space<vmem_shared>> -> memref<10112x128xf32, #tpu.memory_space<vmem_shared>>
        tpu.enqueue_indirect_dma source(%arg15 : memref<128x128xf32, #tpu.memory_space<vmem>>) target(%dma_start3A_186 : memref<10112x128xf32, #tpu.memory_space<vmem_shared>>) offsets(%arg9 : memref<128xi32, #tpu.memory_space<vmem>>) semaphore(%arg31 : memref<!tpu.dma_semaphore, #tpu.memory_space<semaphore_mem>>) {add = true}
      } else {
      }
      %mul3A_106 = arith.constant 3 : i32
      %mul3A_107 = arith.muli %mul3A_106, %scan3A_83 : i32
      %add3A_108 = arith.constant 1 : i32
      %add3A_109 = arith.addi %mul3A_107, %add3A_108 : i32
      %add3A_110 = arith.constant 1 : i32
      %add3A_111 = arith.addi %add3A_109, %add3A_110 : i32
      %lt3A_112 = arith.cmpi slt, %add3A_111, %add3A_10 : i32
      %convert_element_type3A_113 = arith.extui %lt3A_112 : i1 to i32
      %cond3A_114 = arith.constant 0 : i32
      %cond3A_115 = arith.cmpi ne, %convert_element_type3A_113, %cond3A_114 : i32
      scf.if %cond3A_115 {
        %dma_wait3A_160 = arith.constant 0 : i32
        %dma_wait3A_161 = tpu.memref_slice %arg5[%dma_wait3A_160] : memref<160000xi32, #tpu.memory_space<hbm>> -> memref<128xi32, #tpu.memory_space<hbm>>
        %dma_wait3A_162 = arith.constant 0 : i32
        %dma_wait3A_163 = tpu.memref_slice %arg5[%dma_wait3A_162] : memref<160000xi32, #tpu.memory_space<hbm>> -> memref<128xi32, #tpu.memory_space<hbm>>
        tpu.wait_dma2 semaphore(%arg30 : memref<!tpu.dma_semaphore, #tpu.memory_space<semaphore_mem>>) src(%dma_wait3A_163 : memref<128xi32, #tpu.memory_space<hbm>>) dst(%arg11 : memref<128xi32, #tpu.memory_space<vmem>>)
        %dma_wait3A_164 = arith.constant 0 : i32
        %dma_wait3A_165 = tpu.memref_slice %arg6[%dma_wait3A_164] : memref<160000xi32, #tpu.memory_space<hbm>> -> memref<128xi32, #tpu.memory_space<hbm>>
        %dma_wait3A_166 = arith.constant 0 : i32
        %dma_wait3A_167 = tpu.memref_slice %arg6[%dma_wait3A_166] : memref<160000xi32, #tpu.memory_space<hbm>> -> memref<128xi32, #tpu.memory_space<hbm>>
        tpu.wait_dma2 semaphore(%arg30 : memref<!tpu.dma_semaphore, #tpu.memory_space<semaphore_mem>>) src(%dma_wait3A_167 : memref<128xi32, #tpu.memory_space<hbm>>) dst(%arg14 : memref<128xi32, #tpu.memory_space<vmem>>)
        %dma_wait3A_168 = arith.constant 0 : i32
        %dma_wait3A_169 = arith.constant 0 : i32
        %dma_wait3A_170 = tpu.memref_slice %arg4[%dma_wait3A_168, %dma_wait3A_169] : memref<160000x128xf32, #tpu.memory_space<hbm>> -> memref<128x128xf32, #tpu.memory_space<hbm>>
        %dma_wait3A_171 = arith.constant 0 : i32
        %dma_wait3A_172 = arith.constant 0 : i32
        %dma_wait3A_173 = tpu.memref_slice %arg4[%dma_wait3A_171, %dma_wait3A_172] : memref<160000x128xf32, #tpu.memory_space<hbm>> -> memref<128x128xf32, #tpu.memory_space<hbm>>
        tpu.wait_dma2 semaphore(%arg21 : memref<!tpu.dma_semaphore, #tpu.memory_space<semaphore_mem>>) src(%dma_wait3A_173 : memref<128x128xf32, #tpu.memory_space<hbm>>) dst(%arg17 : memref<128x128xf32, #tpu.memory_space<vmem>>)
        %dma_start3A_174 = arith.constant 0 : i32
        %dma_start3A_175 = arith.constant 0 : i32
        %dma_start3A_176 = tpu.memref_slice %arg2[%dma_start3A_174, %dma_start3A_175] : memref<10000x128xf32, #tpu.memory_space<hbm>> -> memref<10000x128xf32, #tpu.memory_space<hbm>>
        tpu.enqueue_indirect_dma source(%dma_start3A_176 : memref<10000x128xf32, #tpu.memory_space<hbm>>) target(%arg17 : memref<128x128xf32, #tpu.memory_space<vmem>>) offsets(%arg11 : memref<128xi32, #tpu.memory_space<vmem>>) semaphore(%arg24 : memref<!tpu.dma_semaphore, #tpu.memory_space<semaphore_mem>>) {add = true}
        %dma_start3A_177 = arith.constant 0 : i32
        %dma_start3A_178 = arith.constant 0 : i32
        %dma_start3A_179 = tpu.memref_slice %arg3[%dma_start3A_177, %dma_start3A_178] : memref<10000x128xf32, #tpu.memory_space<hbm>> -> memref<10000x128xf32, #tpu.memory_space<hbm>>
        tpu.enqueue_indirect_dma source(%dma_start3A_179 : memref<10000x128xf32, #tpu.memory_space<hbm>>) target(%arg17 : memref<128x128xf32, #tpu.memory_space<vmem>>) offsets(%arg14 : memref<128xi32, #tpu.memory_space<vmem>>) semaphore(%arg24 : memref<!tpu.dma_semaphore, #tpu.memory_space<semaphore_mem>>) {add = true}
      } else {
      }
      %ge3A_116 = arith.constant 1 : i32
      %ge3A_117 = arith.cmpi sge, %add3A_109, %ge3A_116 : i32
      %le3A_118 = arith.cmpi sle, %add3A_109, %add3A_10 : i32
      %and3A_119 = arith.andi %ge3A_117, %le3A_118 : i1
      %convert_element_type3A_120 = arith.extui %and3A_119 : i1 to i32
      %cond3A_121 = arith.constant 0 : i32
      %cond3A_122 = arith.cmpi ne, %convert_element_type3A_120, %cond3A_121 : i32
      scf.if %cond3A_122 {
        %dma_wait3A_160 = arith.constant 0 : i32
        %dma_wait3A_161 = arith.constant 0 : i32
        %dma_wait3A_162 = tpu.memref_slice %arg7[%dma_wait3A_160, %dma_wait3A_161] : memref<160000x128xf32, #tpu.memory_space<hbm>> -> memref<128x128xf32, #tpu.memory_space<hbm>>
        %dma_wait3A_163 = arith.constant 0 : i32
        %dma_wait3A_164 = arith.constant 0 : i32
        %dma_wait3A_165 = tpu.memref_slice %arg7[%dma_wait3A_163, %dma_wait3A_164] : memref<160000x128xf32, #tpu.memory_space<hbm>> -> memref<128x128xf32, #tpu.memory_space<hbm>>
        tpu.wait_dma2 semaphore(%arg25 : memref<!tpu.dma_semaphore, #tpu.memory_space<semaphore_mem>>) src(%arg15 : memref<128x128xf32, #tpu.memory_space<vmem>>) dst(%dma_wait3A_165 : memref<128x128xf32, #tpu.memory_space<hbm>>)
        %dma_wait3A_166 = arith.constant 0 : i32
        %dma_wait3A_167 = arith.constant 0 : i32
        %dma_wait3A_168 = tpu.memref_slice %arg18[%dma_wait3A_166, %dma_wait3A_167] : memref<10112x128xf32, #tpu.memory_space<vmem_shared>> -> memref<10112x128xf32, #tpu.memory_space<vmem_shared>>
        tpu.wait_indirect_dma semaphore(%arg31 : memref<!tpu.dma_semaphore, #tpu.memory_space<semaphore_mem>>) src(%arg15 : memref<128x128xf32, #tpu.memory_space<vmem>>) dst(%dma_wait3A_168 : memref<10112x128xf32, #tpu.memory_space<vmem_shared>>)
      } else {
      }
      %add3A_123 = arith.constant 2 : i32
      %add3A_124 = arith.addi %add3A_109, %add3A_123 : i32
      %lt3A_125 = arith.cmpi slt, %add3A_124, %add3A_10 : i32
      %convert_element_type3A_126 = arith.extui %lt3A_125 : i1 to i32
      %cond3A_127 = arith.constant 0 : i32
      %cond3A_128 = arith.cmpi ne, %convert_element_type3A_126, %cond3A_127 : i32
      scf.if %cond3A_128 {
        %add3A_160 = arith.constant 2 : i32
        %add3A_161 = arith.addi %add3A_109, %add3A_160 : i32
        %add3A_162 = arith.addi %add3A_8, %add3A_161 : i32
        %mul3A_163 = arith.constant 128 : i32
        %mul3A_164 = arith.muli %add3A_162, %mul3A_163 : i32
        %dma_start3A_165 = tpu.memref_slice %arg5[%mul3A_164] : memref<160000xi32, #tpu.memory_space<hbm>> -> memref<128xi32, #tpu.memory_space<hbm>>
        %dma_start3A_166 = tpu.memref_slice %arg5[%mul3A_164] : memref<160000xi32, #tpu.memory_space<hbm>> -> memref<128xi32, #tpu.memory_space<hbm>>
        tpu.enqueue_dma source(%dma_start3A_166 : memref<128xi32, #tpu.memory_space<hbm>>) target(%arg9 : memref<128xi32, #tpu.memory_space<vmem>>) target_semaphore(%arg28 : memref<!tpu.dma_semaphore, #tpu.memory_space<semaphore_mem>>)
        %dma_start3A_167 = tpu.memref_slice %arg6[%mul3A_164] : memref<160000xi32, #tpu.memory_space<hbm>> -> memref<128xi32, #tpu.memory_space<hbm>>
        %dma_start3A_168 = tpu.memref_slice %arg6[%mul3A_164] : memref<160000xi32, #tpu.memory_space<hbm>> -> memref<128xi32, #tpu.memory_space<hbm>>
        tpu.enqueue_dma source(%dma_start3A_168 : memref<128xi32, #tpu.memory_space<hbm>>) target(%arg12 : memref<128xi32, #tpu.memory_space<vmem>>) target_semaphore(%arg28 : memref<!tpu.dma_semaphore, #tpu.memory_space<semaphore_mem>>)
        %add3A_169 = arith.constant 2 : i32
        %add3A_170 = arith.addi %add3A_109, %add3A_169 : i32
        %add3A_171 = arith.addi %add3A_8, %add3A_170 : i32
        %mul3A_172 = arith.constant 128 : i32
        %mul3A_173 = arith.muli %add3A_171, %mul3A_172 : i32
        %dma_start3A_174 = arith.constant 0 : i32
        %dma_start3A_175 = tpu.memref_slice %arg4[%mul3A_173, %dma_start3A_174] : memref<160000x128xf32, #tpu.memory_space<hbm>> -> memref<128x128xf32, #tpu.memory_space<hbm>>
        %dma_start3A_176 = arith.constant 0 : i32
        %dma_start3A_177 = tpu.memref_slice %arg4[%mul3A_173, %dma_start3A_176] : memref<160000x128xf32, #tpu.memory_space<hbm>> -> memref<128x128xf32, #tpu.memory_space<hbm>>
        tpu.enqueue_dma source(%dma_start3A_177 : memref<128x128xf32, #tpu.memory_space<hbm>>) target(%arg15 : memref<128x128xf32, #tpu.memory_space<vmem>>) target_semaphore(%arg19 : memref<!tpu.dma_semaphore, #tpu.memory_space<semaphore_mem>>)
      } else {
      }
      %lt3A_129 = arith.cmpi slt, %add3A_109, %add3A_10 : i32
      %convert_element_type3A_130 = arith.extui %lt3A_129 : i1 to i32
      %cond3A_131 = arith.constant 0 : i32
      %cond3A_132 = arith.cmpi ne, %convert_element_type3A_130, %cond3A_131 : i32
      scf.if %cond3A_132 {
        %dma_wait3A_160 = arith.constant 0 : i32
        %dma_wait3A_161 = arith.constant 0 : i32
        %dma_wait3A_162 = tpu.memref_slice %arg4[%dma_wait3A_160, %dma_wait3A_161] : memref<160000x128xf32, #tpu.memory_space<hbm>> -> memref<128x128xf32, #tpu.memory_space<hbm>>
        %dma_wait3A_163 = arith.constant 0 : i32
        %dma_wait3A_164 = arith.constant 0 : i32
        %dma_wait3A_165 = tpu.memref_slice %arg4[%dma_wait3A_163, %dma_wait3A_164] : memref<160000x128xf32, #tpu.memory_space<hbm>> -> memref<128x128xf32, #tpu.memory_space<hbm>>
        tpu.wait_dma2 semaphore(%arg23 : memref<!tpu.dma_semaphore, #tpu.memory_space<semaphore_mem>>) src(%dma_wait3A_165 : memref<128x128xf32, #tpu.memory_space<hbm>>) dst(%arg16 : memref<128x128xf32, #tpu.memory_space<vmem>>)
        %dma_wait3A_166 = arith.constant 0 : i32
        %dma_wait3A_167 = arith.constant 0 : i32
        %dma_wait3A_168 = tpu.memref_slice %arg4[%dma_wait3A_166, %dma_wait3A_167] : memref<160000x128xf32, #tpu.memory_space<hbm>> -> memref<128x128xf32, #tpu.memory_space<hbm>>
        %dma_wait3A_169 = arith.constant 0 : i32
        %dma_wait3A_170 = arith.constant 0 : i32
        %dma_wait3A_171 = tpu.memref_slice %arg4[%dma_wait3A_169, %dma_wait3A_170] : memref<160000x128xf32, #tpu.memory_space<hbm>> -> memref<128x128xf32, #tpu.memory_space<hbm>>
        tpu.wait_dma2 semaphore(%arg23 : memref<!tpu.dma_semaphore, #tpu.memory_space<semaphore_mem>>) src(%dma_wait3A_171 : memref<128x128xf32, #tpu.memory_space<hbm>>) dst(%arg16 : memref<128x128xf32, #tpu.memory_space<vmem>>)
        %scan3A_172 = arith.constant 0 : i32
        %scan3A_173 = arith.constant 64 : i32
        %scan3A_174 = arith.addi %scan3A_172, %scan3A_173 : i32
        %scan3A_175 = arith.constant 1 : i32
        scf.for %scan3A_187 = %scan3A_172 to %scan3A_174 step %scan3A_175  : i32 {
          %mul3A_188 = arith.constant 2 : i32
          %mul3A_189 = arith.muli %mul3A_188, %scan3A_187 : i32
          %add3A_190 = arith.constant 0 : i32
          %add3A_191 = arith.addi %mul3A_189, %add3A_190 : i32
          %get3A = arith.index_cast %add3A_191 : i32 to index
          %get3A_192 = arith.constant 0 : index
          %get3A_193 = tpu.vector_load %arg16[%get3A, %get3A_192] {strides = array<i32>} : memref<128x128xf32, #tpu.memory_space<vmem>>, vector<1x16xf32>,
          %get3A_194 = vector.shape_cast %get3A_193 : vector<1x16xf32> to vector<16xf32>
          %max3A = arith.constant 0.000000e+00 : f32
          %max3A_195 = vector.broadcast %max3A : f32 to vector<16xf32>
          %max3A_196 = arith.maximumf %get3A_194, %max3A_195 : vector<16xf32>
          %swap3A = arith.index_cast %add3A_191 : i32 to index
          %swap3A_197 = arith.constant 0 : index
          %swap3A_198 = tpu.vector_load %arg16[%swap3A, %swap3A_197] {strides = array<i32>} : memref<128x128xf32, #tpu.memory_space<vmem>>, vector<1x16xf32>,
          %swap3A_199 = vector.shape_cast %swap3A_198 : vector<1x16xf32> to vector<16xf32>
          %swap3A_200 = vector.shape_cast %max3A_196 : vector<16xf32> to vector<1x16xf32>
          tpu.vector_store %arg16[%swap3A, %swap3A_197], %swap3A_200 {strides = array<i32>} : memref<128x128xf32, #tpu.memory_space<vmem>>, vector<1x16xf32>,
          %get3A_201 = arith.index_cast %add3A_191 : i32 to index
          %get3A_202 = arith.constant 16 : index
          %get3A_203 = tpu.vector_load %arg16[%get3A_201, %get3A_202] {strides = array<i32>} : memref<128x128xf32, #tpu.memory_space<vmem>>, vector<1x16xf32>,
          %get3A_204 = vector.shape_cast %get3A_203 : vector<1x16xf32> to vector<16xf32>
          %max3A_205 = arith.constant 0.000000e+00 : f32
          %max3A_206 = vector.broadcast %max3A_205 : f32 to vector<16xf32>
          %max3A_207 = arith.maximumf %get3A_204, %max3A_206 : vector<16xf32>
          %swap3A_208 = arith.index_cast %add3A_191 : i32 to index
          %swap3A_209 = arith.constant 16 : index
          %swap3A_210 = tpu.vector_load %arg16[%swap3A_208, %swap3A_209] {strides = array<i32>} : memref<128x128xf32, #tpu.memory_space<vmem>>, vector<1x16xf32>,
          %swap3A_211 = vector.shape_cast %swap3A_210 : vector<1x16xf32> to vector<16xf32>
          %swap3A_212 = vector.shape_cast %max3A_207 : vector<16xf32> to vector<1x16xf32>
          tpu.vector_store %arg16[%swap3A_208, %swap3A_209], %swap3A_212 {strides = array<i32>} : memref<128x128xf32, #tpu.memory_space<vmem>>, vector<1x16xf32>,
          %get3A_213 = arith.index_cast %add3A_191 : i32 to index
          %get3A_214 = arith.constant 32 : index
          %get3A_215 = tpu.vector_load %arg16[%get3A_213, %get3A_214] {strides = array<i32>} : memref<128x128xf32, #tpu.memory_space<vmem>>, vector<1x16xf32>,
          %get3A_216 = vector.shape_cast %get3A_215 : vector<1x16xf32> to vector<16xf32>
          %max3A_217 = arith.constant 0.000000e+00 : f32
          %max3A_218 = vector.broadcast %max3A_217 : f32 to vector<16xf32>
          %max3A_219 = arith.maximumf %get3A_216, %max3A_218 : vector<16xf32>
          %swap3A_220 = arith.index_cast %add3A_191 : i32 to index
          %swap3A_221 = arith.constant 32 : index
          %swap3A_222 = tpu.vector_load %arg16[%swap3A_220, %swap3A_221] {strides = array<i32>} : memref<128x128xf32, #tpu.memory_space<vmem>>, vector<1x16xf32>,
          %swap3A_223 = vector.shape_cast %swap3A_222 : vector<1x16xf32> to vector<16xf32>
          %swap3A_224 = vector.shape_cast %max3A_219 : vector<16xf32> to vector<1x16xf32>
          tpu.vector_store %arg16[%swap3A_220, %swap3A_221], %swap3A_224 {strides = array<i32>} : memref<128x128xf32, #tpu.memory_space<vmem>>, vector<1x16xf32>,
          %get3A_225 = arith.index_cast %add3A_191 : i32 to index
          %get3A_226 = arith.constant 48 : index
          %get3A_227 = tpu.vector_load %arg16[%get3A_225, %get3A_226] {strides = array<i32>} : memref<128x128xf32, #tpu.memory_space<vmem>>, vector<1x16xf32>,
          %get3A_228 = vector.shape_cast %get3A_227 : vector<1x16xf32> to vector<16xf32>
          %max3A_229 = arith.constant 0.000000e+00 : f32
          %max3A_230 = vector.broadcast %max3A_229 : f32 to vector<16xf32>
          %max3A_231 = arith.maximumf %get3A_228, %max3A_230 : vector<16xf32>
          %swap3A_232 = arith.index_cast %add3A_191 : i32 to index
          %swap3A_233 = arith.constant 48 : index
          %swap3A_234 = tpu.vector_load %arg16[%swap3A_232, %swap3A_233] {strides = array<i32>} : memref<128x128xf32, #tpu.memory_space<vmem>>, vector<1x16xf32>,
          %swap3A_235 = vector.shape_cast %swap3A_234 : vector<1x16xf32> to vector<16xf32>
          %swap3A_236 = vector.shape_cast %max3A_231 : vector<16xf32> to vector<1x16xf32>
          tpu.vector_store %arg16[%swap3A_232, %swap3A_233], %swap3A_236 {strides = array<i32>} : memref<128x128xf32, #tpu.memory_space<vmem>>, vector<1x16xf32>,
          %get3A_237 = arith.index_cast %add3A_191 : i32 to index
          %get3A_238 = arith.constant 64 : index
          %get3A_239 = tpu.vector_load %arg16[%get3A_237, %get3A_238] {strides = array<i32>} : memref<128x128xf32, #tpu.memory_space<vmem>>, vector<1x16xf32>,
          %get3A_240 = vector.shape_cast %get3A_239 : vector<1x16xf32> to vector<16xf32>
          %max3A_241 = arith.constant 0.000000e+00 : f32
          %max3A_242 = vector.broadcast %max3A_241 : f32 to vector<16xf32>
          %max3A_243 = arith.maximumf %get3A_240, %max3A_242 : vector<16xf32>
          %swap3A_244 = arith.index_cast %add3A_191 : i32 to index
          %swap3A_245 = arith.constant 64 : index
          %swap3A_246 = tpu.vector_load %arg16[%swap3A_244, %swap3A_245] {strides = array<i32>} : memref<128x128xf32, #tpu.memory_space<vmem>>, vector<1x16xf32>,
          %swap3A_247 = vector.shape_cast %swap3A_246 : vector<1x16xf32> to vector<16xf32>
          %swap3A_248 = vector.shape_cast %max3A_243 : vector<16xf32> to vector<1x16xf32>
          tpu.vector_store %arg16[%swap3A_244, %swap3A_245], %swap3A_248 {strides = array<i32>} : memref<128x128xf32, #tpu.memory_space<vmem>>, vector<1x16xf32>,
          %get3A_249 = arith.index_cast %add3A_191 : i32 to index
          %get3A_250 = arith.constant 80 : index
          %get3A_251 = tpu.vector_load %arg16[%get3A_249, %get3A_250] {strides = array<i32>} : memref<128x128xf32, #tpu.memory_space<vmem>>, vector<1x16xf32>,
          %get3A_252 = vector.shape_cast %get3A_251 : vector<1x16xf32> to vector<16xf32>
          %max3A_253 = arith.constant 0.000000e+00 : f32
          %max3A_254 = vector.broadcast %max3A_253 : f32 to vector<16xf32>
          %max3A_255 = arith.maximumf %get3A_252, %max3A_254 : vector<16xf32>
          %swap3A_256 = arith.index_cast %add3A_191 : i32 to index
          %swap3A_257 = arith.constant 80 : index
          %swap3A_258 = tpu.vector_load %arg16[%swap3A_256, %swap3A_257] {strides = array<i32>} : memref<128x128xf32, #tpu.memory_space<vmem>>, vector<1x16xf32>,
          %swap3A_259 = vector.shape_cast %swap3A_258 : vector<1x16xf32> to vector<16xf32>
          %swap3A_260 = vector.shape_cast %max3A_255 : vector<16xf32> to vector<1x16xf32>
          tpu.vector_store %arg16[%swap3A_256, %swap3A_257], %swap3A_260 {strides = array<i32>} : memref<128x128xf32, #tpu.memory_space<vmem>>, vector<1x16xf32>,
          %get3A_261 = arith.index_cast %add3A_191 : i32 to index
          %get3A_262 = arith.constant 96 : index
          %get3A_263 = tpu.vector_load %arg16[%get3A_261, %get3A_262] {strides = array<i32>} : memref<128x128xf32, #tpu.memory_space<vmem>>, vector<1x16xf32>,
          %get3A_264 = vector.shape_cast %get3A_263 : vector<1x16xf32> to vector<16xf32>
          %max3A_265 = arith.constant 0.000000e+00 : f32
          %max3A_266 = vector.broadcast %max3A_265 : f32 to vector<16xf32>
          %max3A_267 = arith.maximumf %get3A_264, %max3A_266 : vector<16xf32>
          %swap3A_268 = arith.index_cast %add3A_191 : i32 to index
          %swap3A_269 = arith.constant 96 : index
          %swap3A_270 = tpu.vector_load %arg16[%swap3A_268, %swap3A_269] {strides = array<i32>} : memref<128x128xf32, #tpu.memory_space<vmem>>, vector<1x16xf32>,
          %swap3A_271 = vector.shape_cast %swap3A_270 : vector<1x16xf32> to vector<16xf32>
          %swap3A_272 = vector.shape_cast %max3A_267 : vector<16xf32> to vector<1x16xf32>
          tpu.vector_store %arg16[%swap3A_268, %swap3A_269], %swap3A_272 {strides = array<i32>} : memref<128x128xf32, #tpu.memory_space<vmem>>, vector<1x16xf32>,
          %get3A_273 = arith.index_cast %add3A_191 : i32 to index
          %get3A_274 = arith.constant 112 : index
          %get3A_275 = tpu.vector_load %arg16[%get3A_273, %get3A_274] {strides = array<i32>} : memref<128x128xf32, #tpu.memory_space<vmem>>, vector<1x16xf32>,
          %get3A_276 = vector.shape_cast %get3A_275 : vector<1x16xf32> to vector<16xf32>
          %max3A_277 = arith.constant 0.000000e+00 : f32
          %max3A_278 = vector.broadcast %max3A_277 : f32 to vector<16xf32>
          %max3A_279 = arith.maximumf %get3A_276, %max3A_278 : vector<16xf32>
          %swap3A_280 = arith.index_cast %add3A_191 : i32 to index
          %swap3A_281 = arith.constant 112 : index
          %swap3A_282 = tpu.vector_load %arg16[%swap3A_280, %swap3A_281] {strides = array<i32>} : memref<128x128xf32, #tpu.memory_space<vmem>>, vector<1x16xf32>,
          %swap3A_283 = vector.shape_cast %swap3A_282 : vector<1x16xf32> to vector<16xf32>
          %swap3A_284 = vector.shape_cast %max3A_279 : vector<16xf32> to vector<1x16xf32>
          tpu.vector_store %arg16[%swap3A_280, %swap3A_281], %swap3A_284 {strides = array<i32>} : memref<128x128xf32, #tpu.memory_space<vmem>>, vector<1x16xf32>,
          %mul3A_285 = arith.constant 2 : i32
          %mul3A_286 = arith.muli %mul3A_285, %scan3A_187 : i32
          %add3A_287 = arith.constant 1 : i32
          %add3A_288 = arith.addi %mul3A_286, %add3A_287 : i32
          %get3A_289 = arith.index_cast %add3A_288 : i32 to index
          %get3A_290 = arith.constant 0 : index
          %get3A_291 = tpu.vector_load %arg16[%get3A_289, %get3A_290] {strides = array<i32>} : memref<128x128xf32, #tpu.memory_space<vmem>>, vector<1x16xf32>,
          %get3A_292 = vector.shape_cast %get3A_291 : vector<1x16xf32> to vector<16xf32>
          %max3A_293 = arith.constant 0.000000e+00 : f32
          %max3A_294 = vector.broadcast %max3A_293 : f32 to vector<16xf32>
          %max3A_295 = arith.maximumf %get3A_292, %max3A_294 : vector<16xf32>
          %swap3A_296 = arith.index_cast %add3A_288 : i32 to index
          %swap3A_297 = arith.constant 0 : index
          %swap3A_298 = tpu.vector_load %arg16[%swap3A_296, %swap3A_297] {strides = array<i32>} : memref<128x128xf32, #tpu.memory_space<vmem>>, vector<1x16xf32>,
          %swap3A_299 = vector.shape_cast %swap3A_298 : vector<1x16xf32> to vector<16xf32>
          %swap3A_300 = vector.shape_cast %max3A_295 : vector<16xf32> to vector<1x16xf32>
          tpu.vector_store %arg16[%swap3A_296, %swap3A_297], %swap3A_300 {strides = array<i32>} : memref<128x128xf32, #tpu.memory_space<vmem>>, vector<1x16xf32>,
          %get3A_301 = arith.index_cast %add3A_288 : i32 to index
          %get3A_302 = arith.constant 16 : index
          %get3A_303 = tpu.vector_load %arg16[%get3A_301, %get3A_302] {strides = array<i32>} : memref<128x128xf32, #tpu.memory_space<vmem>>, vector<1x16xf32>,
          %get3A_304 = vector.shape_cast %get3A_303 : vector<1x16xf32> to vector<16xf32>
          %max3A_305 = arith.constant 0.000000e+00 : f32
          %max3A_306 = vector.broadcast %max3A_305 : f32 to vector<16xf32>
          %max3A_307 = arith.maximumf %get3A_304, %max3A_306 : vector<16xf32>
          %swap3A_308 = arith.index_cast %add3A_288 : i32 to index
          %swap3A_309 = arith.constant 16 : index
          %swap3A_310 = tpu.vector_load %arg16[%swap3A_308, %swap3A_309] {strides = array<i32>} : memref<128x128xf32, #tpu.memory_space<vmem>>, vector<1x16xf32>,
          %swap3A_311 = vector.shape_cast %swap3A_310 : vector<1x16xf32> to vector<16xf32>
          %swap3A_312 = vector.shape_cast %max3A_307 : vector<16xf32> to vector<1x16xf32>
          tpu.vector_store %arg16[%swap3A_308, %swap3A_309], %swap3A_312 {strides = array<i32>} : memref<128x128xf32, #tpu.memory_space<vmem>>, vector<1x16xf32>,
          %get3A_313 = arith.index_cast %add3A_288 : i32 to index
          %get3A_314 = arith.constant 32 : index
          %get3A_315 = tpu.vector_load %arg16[%get3A_313, %get3A_314] {strides = array<i32>} : memref<128x128xf32, #tpu.memory_space<vmem>>, vector<1x16xf32>,
          %get3A_316 = vector.shape_cast %get3A_315 : vector<1x16xf32> to vector<16xf32>
          %max3A_317 = arith.constant 0.000000e+00 : f32
          %max3A_318 = vector.broadcast %max3A_317 : f32 to vector<16xf32>
          %max3A_319 = arith.maximumf %get3A_316, %max3A_318 : vector<16xf32>
          %swap3A_320 = arith.index_cast %add3A_288 : i32 to index
          %swap3A_321 = arith.constant 32 : index
          %swap3A_322 = tpu.vector_load %arg16[%swap3A_320, %swap3A_321] {strides = array<i32>} : memref<128x128xf32, #tpu.memory_space<vmem>>, vector<1x16xf32>,
          %swap3A_323 = vector.shape_cast %swap3A_322 : vector<1x16xf32> to vector<16xf32>
          %swap3A_324 = vector.shape_cast %max3A_319 : vector<16xf32> to vector<1x16xf32>
          tpu.vector_store %arg16[%swap3A_320, %swap3A_321], %swap3A_324 {strides = array<i32>} : memref<128x128xf32, #tpu.memory_space<vmem>>, vector<1x16xf32>,
          %get3A_325 = arith.index_cast %add3A_288 : i32 to index
          %get3A_326 = arith.constant 48 : index
          %get3A_327 = tpu.vector_load %arg16[%get3A_325, %get3A_326] {strides = array<i32>} : memref<128x128xf32, #tpu.memory_space<vmem>>, vector<1x16xf32>,
          %get3A_328 = vector.shape_cast %get3A_327 : vector<1x16xf32> to vector<16xf32>
          %max3A_329 = arith.constant 0.000000e+00 : f32
          %max3A_330 = vector.broadcast %max3A_329 : f32 to vector<16xf32>
          %max3A_331 = arith.maximumf %get3A_328, %max3A_330 : vector<16xf32>
          %swap3A_332 = arith.index_cast %add3A_288 : i32 to index
          %swap3A_333 = arith.constant 48 : index
          %swap3A_334 = tpu.vector_load %arg16[%swap3A_332, %swap3A_333] {strides = array<i32>} : memref<128x128xf32, #tpu.memory_space<vmem>>, vector<1x16xf32>,
          %swap3A_335 = vector.shape_cast %swap3A_334 : vector<1x16xf32> to vector<16xf32>
          %swap3A_336 = vector.shape_cast %max3A_331 : vector<16xf32> to vector<1x16xf32>
          tpu.vector_store %arg16[%swap3A_332, %swap3A_333], %swap3A_336 {strides = array<i32>} : memref<128x128xf32, #tpu.memory_space<vmem>>, vector<1x16xf32>,
          %get3A_337 = arith.index_cast %add3A_288 : i32 to index
          %get3A_338 = arith.constant 64 : index
          %get3A_339 = tpu.vector_load %arg16[%get3A_337, %get3A_338] {strides = array<i32>} : memref<128x128xf32, #tpu.memory_space<vmem>>, vector<1x16xf32>,
          %get3A_340 = vector.shape_cast %get3A_339 : vector<1x16xf32> to vector<16xf32>
          %max3A_341 = arith.constant 0.000000e+00 : f32
          %max3A_342 = vector.broadcast %max3A_341 : f32 to vector<16xf32>
          %max3A_343 = arith.maximumf %get3A_340, %max3A_342 : vector<16xf32>
          %swap3A_344 = arith.index_cast %add3A_288 : i32 to index
          %swap3A_345 = arith.constant 64 : index
          %swap3A_346 = tpu.vector_load %arg16[%swap3A_344, %swap3A_345] {strides = array<i32>} : memref<128x128xf32, #tpu.memory_space<vmem>>, vector<1x16xf32>,
          %swap3A_347 = vector.shape_cast %swap3A_346 : vector<1x16xf32> to vector<16xf32>
          %swap3A_348 = vector.shape_cast %max3A_343 : vector<16xf32> to vector<1x16xf32>
          tpu.vector_store %arg16[%swap3A_344, %swap3A_345], %swap3A_348 {strides = array<i32>} : memref<128x128xf32, #tpu.memory_space<vmem>>, vector<1x16xf32>,
          %get3A_349 = arith.index_cast %add3A_288 : i32 to index
          %get3A_350 = arith.constant 80 : index
          %get3A_351 = tpu.vector_load %arg16[%get3A_349, %get3A_350] {strides = array<i32>} : memref<128x128xf32, #tpu.memory_space<vmem>>, vector<1x16xf32>,
          %get3A_352 = vector.shape_cast %get3A_351 : vector<1x16xf32> to vector<16xf32>
          %max3A_353 = arith.constant 0.000000e+00 : f32
          %max3A_354 = vector.broadcast %max3A_353 : f32 to vector<16xf32>
          %max3A_355 = arith.maximumf %get3A_352, %max3A_354 : vector<16xf32>
          %swap3A_356 = arith.index_cast %add3A_288 : i32 to index
          %swap3A_357 = arith.constant 80 : index
          %swap3A_358 = tpu.vector_load %arg16[%swap3A_356, %swap3A_357] {strides = array<i32>} : memref<128x128xf32, #tpu.memory_space<vmem>>, vector<1x16xf32>,
          %swap3A_359 = vector.shape_cast %swap3A_358 : vector<1x16xf32> to vector<16xf32>
          %swap3A_360 = vector.shape_cast %max3A_355 : vector<16xf32> to vector<1x16xf32>
          tpu.vector_store %arg16[%swap3A_356, %swap3A_357], %swap3A_360 {strides = array<i32>} : memref<128x128xf32, #tpu.memory_space<vmem>>, vector<1x16xf32>,
          %get3A_361 = arith.index_cast %add3A_288 : i32 to index
          %get3A_362 = arith.constant 96 : index
          %get3A_363 = tpu.vector_load %arg16[%get3A_361, %get3A_362] {strides = array<i32>} : memref<128x128xf32, #tpu.memory_space<vmem>>, vector<1x16xf32>,
          %get3A_364 = vector.shape_cast %get3A_363 : vector<1x16xf32> to vector<16xf32>
          %max3A_365 = arith.constant 0.000000e+00 : f32
          %max3A_366 = vector.broadcast %max3A_365 : f32 to vector<16xf32>
          %max3A_367 = arith.maximumf %get3A_364, %max3A_366 : vector<16xf32>
          %swap3A_368 = arith.index_cast %add3A_288 : i32 to index
          %swap3A_369 = arith.constant 96 : index
          %swap3A_370 = tpu.vector_load %arg16[%swap3A_368, %swap3A_369] {strides = array<i32>} : memref<128x128xf32, #tpu.memory_space<vmem>>, vector<1x16xf32>,
          %swap3A_371 = vector.shape_cast %swap3A_370 : vector<1x16xf32> to vector<16xf32>
          %swap3A_372 = vector.shape_cast %max3A_367 : vector<16xf32> to vector<1x16xf32>
          tpu.vector_store %arg16[%swap3A_368, %swap3A_369], %swap3A_372 {strides = array<i32>} : memref<128x128xf32, #tpu.memory_space<vmem>>, vector<1x16xf32>,
          %get3A_373 = arith.index_cast %add3A_288 : i32 to index
          %get3A_374 = arith.constant 112 : index
          %get3A_375 = tpu.vector_load %arg16[%get3A_373, %get3A_374] {strides = array<i32>} : memref<128x128xf32, #tpu.memory_space<vmem>>, vector<1x16xf32>,
          %get3A_376 = vector.shape_cast %get3A_375 : vector<1x16xf32> to vector<16xf32>
          %max3A_377 = arith.constant 0.000000e+00 : f32
          %max3A_378 = vector.broadcast %max3A_377 : f32 to vector<16xf32>
          %max3A_379 = arith.maximumf %get3A_376, %max3A_378 : vector<16xf32>
          %swap3A_380 = arith.index_cast %add3A_288 : i32 to index
          %swap3A_381 = arith.constant 112 : index
          %swap3A_382 = tpu.vector_load %arg16[%swap3A_380, %swap3A_381] {strides = array<i32>} : memref<128x128xf32, #tpu.memory_space<vmem>>, vector<1x16xf32>,
          %swap3A_383 = vector.shape_cast %swap3A_382 : vector<1x16xf32> to vector<16xf32>
          %swap3A_384 = vector.shape_cast %max3A_379 : vector<16xf32> to vector<1x16xf32>
          tpu.vector_store %arg16[%swap3A_380, %swap3A_381], %swap3A_384 {strides = array<i32>} : memref<128x128xf32, #tpu.memory_space<vmem>>, vector<1x16xf32>,
        }
        %scan3A_176 = arith.constant 64 : i32
        %add3A_177 = arith.addi %add3A_8, %add3A_109 : i32
        %mul3A_178 = arith.constant 128 : i32
        %mul3A_179 = arith.muli %add3A_177, %mul3A_178 : i32
        %dma_start3A_180 = arith.constant 0 : i32
        %dma_start3A_181 = tpu.memref_slice %arg7[%mul3A_179, %dma_start3A_180] : memref<160000x128xf32, #tpu.memory_space<hbm>> -> memref<128x128xf32, #tpu.memory_space<hbm>>
        %dma_start3A_182 = arith.constant 0 : i32
        %dma_start3A_183 = tpu.memref_slice %arg7[%mul3A_179, %dma_start3A_182] : memref<160000x128xf32, #tpu.memory_space<hbm>> -> memref<128x128xf32, #tpu.memory_space<hbm>>
        tpu.enqueue_dma source(%arg16 : memref<128x128xf32, #tpu.memory_space<vmem>>) target(%dma_start3A_183 : memref<128x128xf32, #tpu.memory_space<hbm>>) target_semaphore(%arg26 : memref<!tpu.dma_semaphore, #tpu.memory_space<semaphore_mem>>)
        %dma_start3A_184 = arith.constant 0 : i32
        %dma_start3A_185 = arith.constant 0 : i32
        %dma_start3A_186 = tpu.memref_slice %arg18[%dma_start3A_184, %dma_start3A_185] : memref<10112x128xf32, #tpu.memory_space<vmem_shared>> -> memref<10112x128xf32, #tpu.memory_space<vmem_shared>>
        tpu.enqueue_indirect_dma source(%arg16 : memref<128x128xf32, #tpu.memory_space<vmem>>) target(%dma_start3A_186 : memref<10112x128xf32, #tpu.memory_space<vmem_shared>>) offsets(%arg10 : memref<128xi32, #tpu.memory_space<vmem>>) semaphore(%arg32 : memref<!tpu.dma_semaphore, #tpu.memory_space<semaphore_mem>>) {add = true}
      } else {
      }
      %mul3A_133 = arith.constant 3 : i32
      %mul3A_134 = arith.muli %mul3A_133, %scan3A_83 : i32
      %add3A_135 = arith.constant 2 : i32
      %add3A_136 = arith.addi %mul3A_134, %add3A_135 : i32
      %add3A_137 = arith.constant 1 : i32
      %add3A_138 = arith.addi %add3A_136, %add3A_137 : i32
      %lt3A_139 = arith.cmpi slt, %add3A_138, %add3A_10 : i32
      %convert_element_type3A_140 = arith.extui %lt3A_139 : i1 to i32
      %cond3A_141 = arith.constant 0 : i32
      %cond3A_142 = arith.cmpi ne, %convert_element_type3A_140, %cond3A_141 : i32
      scf.if %cond3A_142 {
        %dma_wait3A_160 = arith.constant 0 : i32
        %dma_wait3A_161 = tpu.memref_slice %arg5[%dma_wait3A_160] : memref<160000xi32, #tpu.memory_space<hbm>> -> memref<128xi32, #tpu.memory_space<hbm>>
        %dma_wait3A_162 = arith.constant 0 : i32
        %dma_wait3A_163 = tpu.memref_slice %arg5[%dma_wait3A_162] : memref<160000xi32, #tpu.memory_space<hbm>> -> memref<128xi32, #tpu.memory_space<hbm>>
        tpu.wait_dma2 semaphore(%arg28 : memref<!tpu.dma_semaphore, #tpu.memory_space<semaphore_mem>>) src(%dma_wait3A_163 : memref<128xi32, #tpu.memory_space<hbm>>) dst(%arg9 : memref<128xi32, #tpu.memory_space<vmem>>)
        %dma_wait3A_164 = arith.constant 0 : i32
        %dma_wait3A_165 = tpu.memref_slice %arg6[%dma_wait3A_164] : memref<160000xi32, #tpu.memory_space<hbm>> -> memref<128xi32, #tpu.memory_space<hbm>>
        %dma_wait3A_166 = arith.constant 0 : i32
        %dma_wait3A_167 = tpu.memref_slice %arg6[%dma_wait3A_166] : memref<160000xi32, #tpu.memory_space<hbm>> -> memref<128xi32, #tpu.memory_space<hbm>>
        tpu.wait_dma2 semaphore(%arg28 : memref<!tpu.dma_semaphore, #tpu.memory_space<semaphore_mem>>) src(%dma_wait3A_167 : memref<128xi32, #tpu.memory_space<hbm>>) dst(%arg12 : memref<128xi32, #tpu.memory_space<vmem>>)
        %dma_wait3A_168 = arith.constant 0 : i32
        %dma_wait3A_169 = arith.constant 0 : i32
        %dma_wait3A_170 = tpu.memref_slice %arg4[%dma_wait3A_168, %dma_wait3A_169] : memref<160000x128xf32, #tpu.memory_space<hbm>> -> memref<128x128xf32, #tpu.memory_space<hbm>>
        %dma_wait3A_171 = arith.constant 0 : i32
        %dma_wait3A_172 = arith.constant 0 : i32
        %dma_wait3A_173 = tpu.memref_slice %arg4[%dma_wait3A_171, %dma_wait3A_172] : memref<160000x128xf32, #tpu.memory_space<hbm>> -> memref<128x128xf32, #tpu.memory_space<hbm>>
        tpu.wait_dma2 semaphore(%arg19 : memref<!tpu.dma_semaphore, #tpu.memory_space<semaphore_mem>>) src(%dma_wait3A_173 : memref<128x128xf32, #tpu.memory_space<hbm>>) dst(%arg15 : memref<128x128xf32, #tpu.memory_space<vmem>>)
        %dma_start3A_174 = arith.constant 0 : i32
        %dma_start3A_175 = arith.constant 0 : i32
        %dma_start3A_176 = tpu.memref_slice %arg2[%dma_start3A_174, %dma_start3A_175] : memref<10000x128xf32, #tpu.memory_space<hbm>> -> memref<10000x128xf32, #tpu.memory_space<hbm>>
        tpu.enqueue_indirect_dma source(%dma_start3A_176 : memref<10000x128xf32, #tpu.memory_space<hbm>>) target(%arg15 : memref<128x128xf32, #tpu.memory_space<vmem>>) offsets(%arg9 : memref<128xi32, #tpu.memory_space<vmem>>) semaphore(%arg22 : memref<!tpu.dma_semaphore, #tpu.memory_space<semaphore_mem>>) {add = true}
        %dma_start3A_177 = arith.constant 0 : i32
        %dma_start3A_178 = arith.constant 0 : i32
        %dma_start3A_179 = tpu.memref_slice %arg3[%dma_start3A_177, %dma_start3A_178] : memref<10000x128xf32, #tpu.memory_space<hbm>> -> memref<10000x128xf32, #tpu.memory_space<hbm>>
        tpu.enqueue_indirect_dma source(%dma_start3A_179 : memref<10000x128xf32, #tpu.memory_space<hbm>>) target(%arg15 : memref<128x128xf32, #tpu.memory_space<vmem>>) offsets(%arg12 : memref<128xi32, #tpu.memory_space<vmem>>) semaphore(%arg22 : memref<!tpu.dma_semaphore, #tpu.memory_space<semaphore_mem>>) {add = true}
      } else {
      }
      %ge3A_143 = arith.constant 1 : i32
      %ge3A_144 = arith.cmpi sge, %add3A_136, %ge3A_143 : i32
      %le3A_145 = arith.cmpi sle, %add3A_136, %add3A_10 : i32
      %and3A_146 = arith.andi %ge3A_144, %le3A_145 : i1
      %convert_element_type3A_147 = arith.extui %and3A_146 : i1 to i32
      %cond3A_148 = arith.constant 0 : i32
      %cond3A_149 = arith.cmpi ne, %convert_element_type3A_147, %cond3A_148 : i32
      scf.if %cond3A_149 {
        %dma_wait3A_160 = arith.constant 0 : i32
        %dma_wait3A_161 = arith.constant 0 : i32
        %dma_wait3A_162 = tpu.memref_slice %arg7[%dma_wait3A_160, %dma_wait3A_161] : memref<160000x128xf32, #tpu.memory_space<hbm>> -> memref<128x128xf32, #tpu.memory_space<hbm>>
        %dma_wait3A_163 = arith.constant 0 : i32
        %dma_wait3A_164 = arith.constant 0 : i32
        %dma_wait3A_165 = tpu.memref_slice %arg7[%dma_wait3A_163, %dma_wait3A_164] : memref<160000x128xf32, #tpu.memory_space<hbm>> -> memref<128x128xf32, #tpu.memory_space<hbm>>
        tpu.wait_dma2 semaphore(%arg26 : memref<!tpu.dma_semaphore, #tpu.memory_space<semaphore_mem>>) src(%arg16 : memref<128x128xf32, #tpu.memory_space<vmem>>) dst(%dma_wait3A_165 : memref<128x128xf32, #tpu.memory_space<hbm>>)
        %dma_wait3A_166 = arith.constant 0 : i32
        %dma_wait3A_167 = arith.constant 0 : i32
        %dma_wait3A_168 = tpu.memref_slice %arg18[%dma_wait3A_166, %dma_wait3A_167] : memref<10112x128xf32, #tpu.memory_space<vmem_shared>> -> memref<10112x128xf32, #tpu.memory_space<vmem_shared>>
        tpu.wait_indirect_dma semaphore(%arg32 : memref<!tpu.dma_semaphore, #tpu.memory_space<semaphore_mem>>) src(%arg16 : memref<128x128xf32, #tpu.memory_space<vmem>>) dst(%dma_wait3A_168 : memref<10112x128xf32, #tpu.memory_space<vmem_shared>>)
      } else {
      }
      %add3A_150 = arith.constant 2 : i32
      %add3A_151 = arith.addi %add3A_136, %add3A_150 : i32
      %lt3A_152 = arith.cmpi slt, %add3A_151, %add3A_10 : i32
      %convert_element_type3A_153 = arith.extui %lt3A_152 : i1 to i32
      %cond3A_154 = arith.constant 0 : i32
      %cond3A_155 = arith.cmpi ne, %convert_element_type3A_153, %cond3A_154 : i32
      scf.if %cond3A_155 {
        %add3A_160 = arith.constant 2 : i32
        %add3A_161 = arith.addi %add3A_136, %add3A_160 : i32
        %add3A_162 = arith.addi %add3A_8, %add3A_161 : i32
        %mul3A_163 = arith.constant 128 : i32
        %mul3A_164 = arith.muli %add3A_162, %mul3A_163 : i32
        %dma_start3A_165 = tpu.memref_slice %arg5[%mul3A_164] : memref<160000xi32, #tpu.memory_space<hbm>> -> memref<128xi32, #tpu.memory_space<hbm>>
        %dma_start3A_166 = tpu.memref_slice %arg5[%mul3A_164] : memref<160000xi32, #tpu.memory_space<hbm>> -> memref<128xi32, #tpu.memory_space<hbm>>
        tpu.enqueue_dma source(%dma_start3A_166 : memref<128xi32, #tpu.memory_space<hbm>>) target(%arg10 : memref<128xi32, #tpu.memory_space<vmem>>) target_semaphore(%arg29 : memref<!tpu.dma_semaphore, #tpu.memory_space<semaphore_mem>>)
        %dma_start3A_167 = tpu.memref_slice %arg6[%mul3A_164] : memref<160000xi32, #tpu.memory_space<hbm>> -> memref<128xi32, #tpu.memory_space<hbm>>
        %dma_start3A_168 = tpu.memref_slice %arg6[%mul3A_164] : memref<160000xi32, #tpu.memory_space<hbm>> -> memref<128xi32, #tpu.memory_space<hbm>>
        tpu.enqueue_dma source(%dma_start3A_168 : memref<128xi32, #tpu.memory_space<hbm>>) target(%arg13 : memref<128xi32, #tpu.memory_space<vmem>>) target_semaphore(%arg29 : memref<!tpu.dma_semaphore, #tpu.memory_space<semaphore_mem>>)
        %add3A_169 = arith.constant 2 : i32
        %add3A_170 = arith.addi %add3A_136, %add3A_169 : i32
        %add3A_171 = arith.addi %add3A_8, %add3A_170 : i32
        %mul3A_172 = arith.constant 128 : i32
        %mul3A_173 = arith.muli %add3A_171, %mul3A_172 : i32
        %dma_start3A_174 = arith.constant 0 : i32
        %dma_start3A_175 = tpu.memref_slice %arg4[%mul3A_173, %dma_start3A_174] : memref<160000x128xf32, #tpu.memory_space<hbm>> -> memref<128x128xf32, #tpu.memory_space<hbm>>
        %dma_start3A_176 = arith.constant 0 : i32
        %dma_start3A_177 = tpu.memref_slice %arg4[%mul3A_173, %dma_start3A_176] : memref<160000x128xf32, #tpu.memory_space<hbm>> -> memref<128x128xf32, #tpu.memory_space<hbm>>
        tpu.enqueue_dma source(%dma_start3A_177 : memref<128x128xf32, #tpu.memory_space<hbm>>) target(%arg16 : memref<128x128xf32, #tpu.memory_space<vmem>>) target_semaphore(%arg20 : memref<!tpu.dma_semaphore, #tpu.memory_space<semaphore_mem>>)
      } else {
      }
      %lt3A_156 = arith.cmpi slt, %add3A_136, %add3A_10 : i32
      %convert_element_type3A_157 = arith.extui %lt3A_156 : i1 to i32
      %cond3A_158 = arith.constant 0 : i32
      %cond3A_159 = arith.cmpi ne, %convert_element_type3A_157, %cond3A_158 : i32
      scf.if %cond3A_159 {
        %dma_wait3A_160 = arith.constant 0 : i32
        %dma_wait3A_161 = arith.constant 0 : i32
        %dma_wait3A_162 = tpu.memref_slice %arg4[%dma_wait3A_160, %dma_wait3A_161] : memref<160000x128xf32, #tpu.memory_space<hbm>> -> memref<128x128xf32, #tpu.memory_space<hbm>>
        %dma_wait3A_163 = arith.constant 0 : i32
        %dma_wait3A_164 = arith.constant 0 : i32
        %dma_wait3A_165 = tpu.memref_slice %arg4[%dma_wait3A_163, %dma_wait3A_164] : memref<160000x128xf32, #tpu.memory_space<hbm>> -> memref<128x128xf32, #tpu.memory_space<hbm>>
        tpu.wait_dma2 semaphore(%arg24 : memref<!tpu.dma_semaphore, #tpu.memory_space<semaphore_mem>>) src(%dma_wait3A_165 : memref<128x128xf32, #tpu.memory_space<hbm>>) dst(%arg17 : memref<128x128xf32, #tpu.memory_space<vmem>>)
        %dma_wait3A_166 = arith.constant 0 : i32
        %dma_wait3A_167 = arith.constant 0 : i32
        %dma_wait3A_168 = tpu.memref_slice %arg4[%dma_wait3A_166, %dma_wait3A_167] : memref<160000x128xf32, #tpu.memory_space<hbm>> -> memref<128x128xf32, #tpu.memory_space<hbm>>
        %dma_wait3A_169 = arith.constant 0 : i32
        %dma_wait3A_170 = arith.constant 0 : i32
        %dma_wait3A_171 = tpu.memref_slice %arg4[%dma_wait3A_169, %dma_wait3A_170] : memref<160000x128xf32, #tpu.memory_space<hbm>> -> memref<128x128xf32, #tpu.memory_space<hbm>>
        tpu.wait_dma2 semaphore(%arg24 : memref<!tpu.dma_semaphore, #tpu.memory_space<semaphore_mem>>) src(%dma_wait3A_171 : memref<128x128xf32, #tpu.memory_space<hbm>>) dst(%arg17 : memref<128x128xf32, #tpu.memory_space<vmem>>)
        %scan3A_172 = arith.constant 0 : i32
        %scan3A_173 = arith.constant 64 : i32
        %scan3A_174 = arith.addi %scan3A_172, %scan3A_173 : i32
        %scan3A_175 = arith.constant 1 : i32
        scf.for %scan3A_187 = %scan3A_172 to %scan3A_174 step %scan3A_175  : i32 {
          %mul3A_188 = arith.constant 2 : i32
          %mul3A_189 = arith.muli %mul3A_188, %scan3A_187 : i32
          %add3A_190 = arith.constant 0 : i32
          %add3A_191 = arith.addi %mul3A_189, %add3A_190 : i32
          %get3A = arith.index_cast %add3A_191 : i32 to index
          %get3A_192 = arith.constant 0 : index
          %get3A_193 = tpu.vector_load %arg17[%get3A, %get3A_192] {strides = array<i32>} : memref<128x128xf32, #tpu.memory_space<vmem>>, vector<1x16xf32>,
          %get3A_194 = vector.shape_cast %get3A_193 : vector<1x16xf32> to vector<16xf32>
          %max3A = arith.constant 0.000000e+00 : f32
          %max3A_195 = vector.broadcast %max3A : f32 to vector<16xf32>
          %max3A_196 = arith.maximumf %get3A_194, %max3A_195 : vector<16xf32>
          %swap3A = arith.index_cast %add3A_191 : i32 to index
          %swap3A_197 = arith.constant 0 : index
          %swap3A_198 = tpu.vector_load %arg17[%swap3A, %swap3A_197] {strides = array<i32>} : memref<128x128xf32, #tpu.memory_space<vmem>>, vector<1x16xf32>,
          %swap3A_199 = vector.shape_cast %swap3A_198 : vector<1x16xf32> to vector<16xf32>
          %swap3A_200 = vector.shape_cast %max3A_196 : vector<16xf32> to vector<1x16xf32>
          tpu.vector_store %arg17[%swap3A, %swap3A_197], %swap3A_200 {strides = array<i32>} : memref<128x128xf32, #tpu.memory_space<vmem>>, vector<1x16xf32>,
          %get3A_201 = arith.index_cast %add3A_191 : i32 to index
          %get3A_202 = arith.constant 16 : index
          %get3A_203 = tpu.vector_load %arg17[%get3A_201, %get3A_202] {strides = array<i32>} : memref<128x128xf32, #tpu.memory_space<vmem>>, vector<1x16xf32>,
          %get3A_204 = vector.shape_cast %get3A_203 : vector<1x16xf32> to vector<16xf32>
          %max3A_205 = arith.constant 0.000000e+00 : f32
          %max3A_206 = vector.broadcast %max3A_205 : f32 to vector<16xf32>
          %max3A_207 = arith.maximumf %get3A_204, %max3A_206 : vector<16xf32>
          %swap3A_208 = arith.index_cast %add3A_191 : i32 to index
          %swap3A_209 = arith.constant 16 : index
          %swap3A_210 = tpu.vector_load %arg17[%swap3A_208, %swap3A_209] {strides = array<i32>} : memref<128x128xf32, #tpu.memory_space<vmem>>, vector<1x16xf32>,
          %swap3A_211 = vector.shape_cast %swap3A_210 : vector<1x16xf32> to vector<16xf32>
          %swap3A_212 = vector.shape_cast %max3A_207 : vector<16xf32> to vector<1x16xf32>
          tpu.vector_store %arg17[%swap3A_208, %swap3A_209], %swap3A_212 {strides = array<i32>} : memref<128x128xf32, #tpu.memory_space<vmem>>, vector<1x16xf32>,
          %get3A_213 = arith.index_cast %add3A_191 : i32 to index
          %get3A_214 = arith.constant 32 : index
          %get3A_215 = tpu.vector_load %arg17[%get3A_213, %get3A_214] {strides = array<i32>} : memref<128x128xf32, #tpu.memory_space<vmem>>, vector<1x16xf32>,
          %get3A_216 = vector.shape_cast %get3A_215 : vector<1x16xf32> to vector<16xf32>
          %max3A_217 = arith.constant 0.000000e+00 : f32
          %max3A_218 = vector.broadcast %max3A_217 : f32 to vector<16xf32>
          %max3A_219 = arith.maximumf %get3A_216, %max3A_218 : vector<16xf32>
          %swap3A_220 = arith.index_cast %add3A_191 : i32 to index
          %swap3A_221 = arith.constant 32 : index
          %swap3A_222 = tpu.vector_load %arg17[%swap3A_220, %swap3A_221] {strides = array<i32>} : memref<128x128xf32, #tpu.memory_space<vmem>>, vector<1x16xf32>,
          %swap3A_223 = vector.shape_cast %swap3A_222 : vector<1x16xf32> to vector<16xf32>
          %swap3A_224 = vector.shape_cast %max3A_219 : vector<16xf32> to vector<1x16xf32>
          tpu.vector_store %arg17[%swap3A_220, %swap3A_221], %swap3A_224 {strides = array<i32>} : memref<128x128xf32, #tpu.memory_space<vmem>>, vector<1x16xf32>,
          %get3A_225 = arith.index_cast %add3A_191 : i32 to index
          %get3A_226 = arith.constant 48 : index
          %get3A_227 = tpu.vector_load %arg17[%get3A_225, %get3A_226] {strides = array<i32>} : memref<128x128xf32, #tpu.memory_space<vmem>>, vector<1x16xf32>,
          %get3A_228 = vector.shape_cast %get3A_227 : vector<1x16xf32> to vector<16xf32>
          %max3A_229 = arith.constant 0.000000e+00 : f32
          %max3A_230 = vector.broadcast %max3A_229 : f32 to vector<16xf32>
          %max3A_231 = arith.maximumf %get3A_228, %max3A_230 : vector<16xf32>
          %swap3A_232 = arith.index_cast %add3A_191 : i32 to index
          %swap3A_233 = arith.constant 48 : index
          %swap3A_234 = tpu.vector_load %arg17[%swap3A_232, %swap3A_233] {strides = array<i32>} : memref<128x128xf32, #tpu.memory_space<vmem>>, vector<1x16xf32>,
          %swap3A_235 = vector.shape_cast %swap3A_234 : vector<1x16xf32> to vector<16xf32>
          %swap3A_236 = vector.shape_cast %max3A_231 : vector<16xf32> to vector<1x16xf32>
          tpu.vector_store %arg17[%swap3A_232, %swap3A_233], %swap3A_236 {strides = array<i32>} : memref<128x128xf32, #tpu.memory_space<vmem>>, vector<1x16xf32>,
          %get3A_237 = arith.index_cast %add3A_191 : i32 to index
          %get3A_238 = arith.constant 64 : index
          %get3A_239 = tpu.vector_load %arg17[%get3A_237, %get3A_238] {strides = array<i32>} : memref<128x128xf32, #tpu.memory_space<vmem>>, vector<1x16xf32>,
          %get3A_240 = vector.shape_cast %get3A_239 : vector<1x16xf32> to vector<16xf32>
          %max3A_241 = arith.constant 0.000000e+00 : f32
          %max3A_242 = vector.broadcast %max3A_241 : f32 to vector<16xf32>
          %max3A_243 = arith.maximumf %get3A_240, %max3A_242 : vector<16xf32>
          %swap3A_244 = arith.index_cast %add3A_191 : i32 to index
          %swap3A_245 = arith.constant 64 : index
          %swap3A_246 = tpu.vector_load %arg17[%swap3A_244, %swap3A_245] {strides = array<i32>} : memref<128x128xf32, #tpu.memory_space<vmem>>, vector<1x16xf32>,
          %swap3A_247 = vector.shape_cast %swap3A_246 : vector<1x16xf32> to vector<16xf32>
          %swap3A_248 = vector.shape_cast %max3A_243 : vector<16xf32> to vector<1x16xf32>
          tpu.vector_store %arg17[%swap3A_244, %swap3A_245], %swap3A_248 {strides = array<i32>} : memref<128x128xf32, #tpu.memory_space<vmem>>, vector<1x16xf32>,
          %get3A_249 = arith.index_cast %add3A_191 : i32 to index
          %get3A_250 = arith.constant 80 : index
          %get3A_251 = tpu.vector_load %arg17[%get3A_249, %get3A_250] {strides = array<i32>} : memref<128x128xf32, #tpu.memory_space<vmem>>, vector<1x16xf32>,
          %get3A_252 = vector.shape_cast %get3A_251 : vector<1x16xf32> to vector<16xf32>
          %max3A_253 = arith.constant 0.000000e+00 : f32
          %max3A_254 = vector.broadcast %max3A_253 : f32 to vector<16xf32>
          %max3A_255 = arith.maximumf %get3A_252, %max3A_254 : vector<16xf32>
          %swap3A_256 = arith.index_cast %add3A_191 : i32 to index
          %swap3A_257 = arith.constant 80 : index
          %swap3A_258 = tpu.vector_load %arg17[%swap3A_256, %swap3A_257] {strides = array<i32>} : memref<128x128xf32, #tpu.memory_space<vmem>>, vector<1x16xf32>,
          %swap3A_259 = vector.shape_cast %swap3A_258 : vector<1x16xf32> to vector<16xf32>
          %swap3A_260 = vector.shape_cast %max3A_255 : vector<16xf32> to vector<1x16xf32>
          tpu.vector_store %arg17[%swap3A_256, %swap3A_257], %swap3A_260 {strides = array<i32>} : memref<128x128xf32, #tpu.memory_space<vmem>>, vector<1x16xf32>,
          %get3A_261 = arith.index_cast %add3A_191 : i32 to index
          %get3A_262 = arith.constant 96 : index
          %get3A_263 = tpu.vector_load %arg17[%get3A_261, %get3A_262] {strides = array<i32>} : memref<128x128xf32, #tpu.memory_space<vmem>>, vector<1x16xf32>,
          %get3A_264 = vector.shape_cast %get3A_263 : vector<1x16xf32> to vector<16xf32>
          %max3A_265 = arith.constant 0.000000e+00 : f32
          %max3A_266 = vector.broadcast %max3A_265 : f32 to vector<16xf32>
          %max3A_267 = arith.maximumf %get3A_264, %max3A_266 : vector<16xf32>
          %swap3A_268 = arith.index_cast %add3A_191 : i32 to index
          %swap3A_269 = arith.constant 96 : index
          %swap3A_270 = tpu.vector_load %arg17[%swap3A_268, %swap3A_269] {strides = array<i32>} : memref<128x128xf32, #tpu.memory_space<vmem>>, vector<1x16xf32>,
          %swap3A_271 = vector.shape_cast %swap3A_270 : vector<1x16xf32> to vector<16xf32>
          %swap3A_272 = vector.shape_cast %max3A_267 : vector<16xf32> to vector<1x16xf32>
          tpu.vector_store %arg17[%swap3A_268, %swap3A_269], %swap3A_272 {strides = array<i32>} : memref<128x128xf32, #tpu.memory_space<vmem>>, vector<1x16xf32>,
          %get3A_273 = arith.index_cast %add3A_191 : i32 to index
          %get3A_274 = arith.constant 112 : index
          %get3A_275 = tpu.vector_load %arg17[%get3A_273, %get3A_274] {strides = array<i32>} : memref<128x128xf32, #tpu.memory_space<vmem>>, vector<1x16xf32>,
          %get3A_276 = vector.shape_cast %get3A_275 : vector<1x16xf32> to vector<16xf32>
          %max3A_277 = arith.constant 0.000000e+00 : f32
          %max3A_278 = vector.broadcast %max3A_277 : f32 to vector<16xf32>
          %max3A_279 = arith.maximumf %get3A_276, %max3A_278 : vector<16xf32>
          %swap3A_280 = arith.index_cast %add3A_191 : i32 to index
          %swap3A_281 = arith.constant 112 : index
          %swap3A_282 = tpu.vector_load %arg17[%swap3A_280, %swap3A_281] {strides = array<i32>} : memref<128x128xf32, #tpu.memory_space<vmem>>, vector<1x16xf32>,
          %swap3A_283 = vector.shape_cast %swap3A_282 : vector<1x16xf32> to vector<16xf32>
          %swap3A_284 = vector.shape_cast %max3A_279 : vector<16xf32> to vector<1x16xf32>
          tpu.vector_store %arg17[%swap3A_280, %swap3A_281], %swap3A_284 {strides = array<i32>} : memref<128x128xf32, #tpu.memory_space<vmem>>, vector<1x16xf32>,
          %mul3A_285 = arith.constant 2 : i32
          %mul3A_286 = arith.muli %mul3A_285, %scan3A_187 : i32
          %add3A_287 = arith.constant 1 : i32
          %add3A_288 = arith.addi %mul3A_286, %add3A_287 : i32
          %get3A_289 = arith.index_cast %add3A_288 : i32 to index
          %get3A_290 = arith.constant 0 : index
          %get3A_291 = tpu.vector_load %arg17[%get3A_289, %get3A_290] {strides = array<i32>} : memref<128x128xf32, #tpu.memory_space<vmem>>, vector<1x16xf32>,
          %get3A_292 = vector.shape_cast %get3A_291 : vector<1x16xf32> to vector<16xf32>
          %max3A_293 = arith.constant 0.000000e+00 : f32
          %max3A_294 = vector.broadcast %max3A_293 : f32 to vector<16xf32>
          %max3A_295 = arith.maximumf %get3A_292, %max3A_294 : vector<16xf32>
          %swap3A_296 = arith.index_cast %add3A_288 : i32 to index
          %swap3A_297 = arith.constant 0 : index
          %swap3A_298 = tpu.vector_load %arg17[%swap3A_296, %swap3A_297] {strides = array<i32>} : memref<128x128xf32, #tpu.memory_space<vmem>>, vector<1x16xf32>,
          %swap3A_299 = vector.shape_cast %swap3A_298 : vector<1x16xf32> to vector<16xf32>
          %swap3A_300 = vector.shape_cast %max3A_295 : vector<16xf32> to vector<1x16xf32>
          tpu.vector_store %arg17[%swap3A_296, %swap3A_297], %swap3A_300 {strides = array<i32>} : memref<128x128xf32, #tpu.memory_space<vmem>>, vector<1x16xf32>,
          %get3A_301 = arith.index_cast %add3A_288 : i32 to index
          %get3A_302 = arith.constant 16 : index
          %get3A_303 = tpu.vector_load %arg17[%get3A_301, %get3A_302] {strides = array<i32>} : memref<128x128xf32, #tpu.memory_space<vmem>>, vector<1x16xf32>,
          %get3A_304 = vector.shape_cast %get3A_303 : vector<1x16xf32> to vector<16xf32>
          %max3A_305 = arith.constant 0.000000e+00 : f32
          %max3A_306 = vector.broadcast %max3A_305 : f32 to vector<16xf32>
          %max3A_307 = arith.maximumf %get3A_304, %max3A_306 : vector<16xf32>
          %swap3A_308 = arith.index_cast %add3A_288 : i32 to index
          %swap3A_309 = arith.constant 16 : index
          %swap3A_310 = tpu.vector_load %arg17[%swap3A_308, %swap3A_309] {strides = array<i32>} : memref<128x128xf32, #tpu.memory_space<vmem>>, vector<1x16xf32>,
          %swap3A_311 = vector.shape_cast %swap3A_310 : vector<1x16xf32> to vector<16xf32>
          %swap3A_312 = vector.shape_cast %max3A_307 : vector<16xf32> to vector<1x16xf32>
          tpu.vector_store %arg17[%swap3A_308, %swap3A_309], %swap3A_312 {strides = array<i32>} : memref<128x128xf32, #tpu.memory_space<vmem>>, vector<1x16xf32>,
          %get3A_313 = arith.index_cast %add3A_288 : i32 to index
          %get3A_314 = arith.constant 32 : index
          %get3A_315 = tpu.vector_load %arg17[%get3A_313, %get3A_314] {strides = array<i32>} : memref<128x128xf32, #tpu.memory_space<vmem>>, vector<1x16xf32>,
          %get3A_316 = vector.shape_cast %get3A_315 : vector<1x16xf32> to vector<16xf32>
          %max3A_317 = arith.constant 0.000000e+00 : f32
          %max3A_318 = vector.broadcast %max3A_317 : f32 to vector<16xf32>
          %max3A_319 = arith.maximumf %get3A_316, %max3A_318 : vector<16xf32>
          %swap3A_320 = arith.index_cast %add3A_288 : i32 to index
          %swap3A_321 = arith.constant 32 : index
          %swap3A_322 = tpu.vector_load %arg17[%swap3A_320, %swap3A_321] {strides = array<i32>} : memref<128x128xf32, #tpu.memory_space<vmem>>, vector<1x16xf32>,
          %swap3A_323 = vector.shape_cast %swap3A_322 : vector<1x16xf32> to vector<16xf32>
          %swap3A_324 = vector.shape_cast %max3A_319 : vector<16xf32> to vector<1x16xf32>
          tpu.vector_store %arg17[%swap3A_320, %swap3A_321], %swap3A_324 {strides = array<i32>} : memref<128x128xf32, #tpu.memory_space<vmem>>, vector<1x16xf32>,
          %get3A_325 = arith.index_cast %add3A_288 : i32 to index
          %get3A_326 = arith.constant 48 : index
          %get3A_327 = tpu.vector_load %arg17[%get3A_325, %get3A_326] {strides = array<i32>} : memref<128x128xf32, #tpu.memory_space<vmem>>, vector<1x16xf32>,
          %get3A_328 = vector.shape_cast %get3A_327 : vector<1x16xf32> to vector<16xf32>
          %max3A_329 = arith.constant 0.000000e+00 : f32
          %max3A_330 = vector.broadcast %max3A_329 : f32 to vector<16xf32>
          %max3A_331 = arith.maximumf %get3A_328, %max3A_330 : vector<16xf32>
          %swap3A_332 = arith.index_cast %add3A_288 : i32 to index
          %swap3A_333 = arith.constant 48 : index
          %swap3A_334 = tpu.vector_load %arg17[%swap3A_332, %swap3A_333] {strides = array<i32>} : memref<128x128xf32, #tpu.memory_space<vmem>>, vector<1x16xf32>,
          %swap3A_335 = vector.shape_cast %swap3A_334 : vector<1x16xf32> to vector<16xf32>
          %swap3A_336 = vector.shape_cast %max3A_331 : vector<16xf32> to vector<1x16xf32>
          tpu.vector_store %arg17[%swap3A_332, %swap3A_333], %swap3A_336 {strides = array<i32>} : memref<128x128xf32, #tpu.memory_space<vmem>>, vector<1x16xf32>,
          %get3A_337 = arith.index_cast %add3A_288 : i32 to index
          %get3A_338 = arith.constant 64 : index
          %get3A_339 = tpu.vector_load %arg17[%get3A_337, %get3A_338] {strides = array<i32>} : memref<128x128xf32, #tpu.memory_space<vmem>>, vector<1x16xf32>,
          %get3A_340 = vector.shape_cast %get3A_339 : vector<1x16xf32> to vector<16xf32>
          %max3A_341 = arith.constant 0.000000e+00 : f32
          %max3A_342 = vector.broadcast %max3A_341 : f32 to vector<16xf32>
          %max3A_343 = arith.maximumf %get3A_340, %max3A_342 : vector<16xf32>
          %swap3A_344 = arith.index_cast %add3A_288 : i32 to index
          %swap3A_345 = arith.constant 64 : index
          %swap3A_346 = tpu.vector_load %arg17[%swap3A_344, %swap3A_345] {strides = array<i32>} : memref<128x128xf32, #tpu.memory_space<vmem>>, vector<1x16xf32>,
          %swap3A_347 = vector.shape_cast %swap3A_346 : vector<1x16xf32> to vector<16xf32>
          %swap3A_348 = vector.shape_cast %max3A_343 : vector<16xf32> to vector<1x16xf32>
          tpu.vector_store %arg17[%swap3A_344, %swap3A_345], %swap3A_348 {strides = array<i32>} : memref<128x128xf32, #tpu.memory_space<vmem>>, vector<1x16xf32>,
          %get3A_349 = arith.index_cast %add3A_288 : i32 to index
          %get3A_350 = arith.constant 80 : index
          %get3A_351 = tpu.vector_load %arg17[%get3A_349, %get3A_350] {strides = array<i32>} : memref<128x128xf32, #tpu.memory_space<vmem>>, vector<1x16xf32>,
          %get3A_352 = vector.shape_cast %get3A_351 : vector<1x16xf32> to vector<16xf32>
          %max3A_353 = arith.constant 0.000000e+00 : f32
          %max3A_354 = vector.broadcast %max3A_353 : f32 to vector<16xf32>
          %max3A_355 = arith.maximumf %get3A_352, %max3A_354 : vector<16xf32>
          %swap3A_356 = arith.index_cast %add3A_288 : i32 to index
          %swap3A_357 = arith.constant 80 : index
          %swap3A_358 = tpu.vector_load %arg17[%swap3A_356, %swap3A_357] {strides = array<i32>} : memref<128x128xf32, #tpu.memory_space<vmem>>, vector<1x16xf32>,
          %swap3A_359 = vector.shape_cast %swap3A_358 : vector<1x16xf32> to vector<16xf32>
          %swap3A_360 = vector.shape_cast %max3A_355 : vector<16xf32> to vector<1x16xf32>
          tpu.vector_store %arg17[%swap3A_356, %swap3A_357], %swap3A_360 {strides = array<i32>} : memref<128x128xf32, #tpu.memory_space<vmem>>, vector<1x16xf32>,
          %get3A_361 = arith.index_cast %add3A_288 : i32 to index
          %get3A_362 = arith.constant 96 : index
          %get3A_363 = tpu.vector_load %arg17[%get3A_361, %get3A_362] {strides = array<i32>} : memref<128x128xf32, #tpu.memory_space<vmem>>, vector<1x16xf32>,
          %get3A_364 = vector.shape_cast %get3A_363 : vector<1x16xf32> to vector<16xf32>
          %max3A_365 = arith.constant 0.000000e+00 : f32
          %max3A_366 = vector.broadcast %max3A_365 : f32 to vector<16xf32>
          %max3A_367 = arith.maximumf %get3A_364, %max3A_366 : vector<16xf32>
          %swap3A_368 = arith.index_cast %add3A_288 : i32 to index
          %swap3A_369 = arith.constant 96 : index
          %swap3A_370 = tpu.vector_load %arg17[%swap3A_368, %swap3A_369] {strides = array<i32>} : memref<128x128xf32, #tpu.memory_space<vmem>>, vector<1x16xf32>,
          %swap3A_371 = vector.shape_cast %swap3A_370 : vector<1x16xf32> to vector<16xf32>
          %swap3A_372 = vector.shape_cast %max3A_367 : vector<16xf32> to vector<1x16xf32>
          tpu.vector_store %arg17[%swap3A_368, %swap3A_369], %swap3A_372 {strides = array<i32>} : memref<128x128xf32, #tpu.memory_space<vmem>>, vector<1x16xf32>,
          %get3A_373 = arith.index_cast %add3A_288 : i32 to index
          %get3A_374 = arith.constant 112 : index
          %get3A_375 = tpu.vector_load %arg17[%get3A_373, %get3A_374] {strides = array<i32>} : memref<128x128xf32, #tpu.memory_space<vmem>>, vector<1x16xf32>,
          %get3A_376 = vector.shape_cast %get3A_375 : vector<1x16xf32> to vector<16xf32>
          %max3A_377 = arith.constant 0.000000e+00 : f32
          %max3A_378 = vector.broadcast %max3A_377 : f32 to vector<16xf32>
          %max3A_379 = arith.maximumf %get3A_376, %max3A_378 : vector<16xf32>
          %swap3A_380 = arith.index_cast %add3A_288 : i32 to index
          %swap3A_381 = arith.constant 112 : index
          %swap3A_382 = tpu.vector_load %arg17[%swap3A_380, %swap3A_381] {strides = array<i32>} : memref<128x128xf32, #tpu.memory_space<vmem>>, vector<1x16xf32>,
          %swap3A_383 = vector.shape_cast %swap3A_382 : vector<1x16xf32> to vector<16xf32>
          %swap3A_384 = vector.shape_cast %max3A_379 : vector<16xf32> to vector<1x16xf32>
          tpu.vector_store %arg17[%swap3A_380, %swap3A_381], %swap3A_384 {strides = array<i32>} : memref<128x128xf32, #tpu.memory_space<vmem>>, vector<1x16xf32>,
        }
        %scan3A_176 = arith.constant 64 : i32
        %add3A_177 = arith.addi %add3A_8, %add3A_136 : i32
        %mul3A_178 = arith.constant 128 : i32
        %mul3A_179 = arith.muli %add3A_177, %mul3A_178 : i32
        %dma_start3A_180 = arith.constant 0 : i32
        %dma_start3A_181 = tpu.memref_slice %arg7[%mul3A_179, %dma_start3A_180] : memref<160000x128xf32, #tpu.memory_space<hbm>> -> memref<128x128xf32, #tpu.memory_space<hbm>>
        %dma_start3A_182 = arith.constant 0 : i32
        %dma_start3A_183 = tpu.memref_slice %arg7[%mul3A_179, %dma_start3A_182] : memref<160000x128xf32, #tpu.memory_space<hbm>> -> memref<128x128xf32, #tpu.memory_space<hbm>>
        tpu.enqueue_dma source(%arg17 : memref<128x128xf32, #tpu.memory_space<vmem>>) target(%dma_start3A_183 : memref<128x128xf32, #tpu.memory_space<hbm>>) target_semaphore(%arg27 : memref<!tpu.dma_semaphore, #tpu.memory_space<semaphore_mem>>)
        %dma_start3A_184 = arith.constant 0 : i32
        %dma_start3A_185 = arith.constant 0 : i32
        %dma_start3A_186 = tpu.memref_slice %arg18[%dma_start3A_184, %dma_start3A_185] : memref<10112x128xf32, #tpu.memory_space<vmem_shared>> -> memref<10112x128xf32, #tpu.memory_space<vmem_shared>>
        tpu.enqueue_indirect_dma source(%arg17 : memref<128x128xf32, #tpu.memory_space<vmem>>) target(%dma_start3A_186 : memref<10112x128xf32, #tpu.memory_space<vmem_shared>>) offsets(%arg11 : memref<128xi32, #tpu.memory_space<vmem>>) semaphore(%arg33 : memref<!tpu.dma_semaphore, #tpu.memory_space<semaphore_mem>>) {add = true}
      } else {
      }
    }
    %scan3A_81 = arith.constant 14 : i32
    %barrier3A_82 = arith.constant 0 : index
    tpu.barrier barrier_id(%barrier3A_82)
    "tpu.region"() ({
      %run_scoped3A = tpu.sem_alloc : memref<!tpu.dma_semaphore, #tpu.memory_space<semaphore_mem>>
      %dma_start3A_83 = arith.constant 0 : i32
      %dma_start3A_84 = tpu.memref_slice %arg8[%arg0, %mul3A_2, %dma_start3A_83] : memref<2x10112x128xf32, #tpu.memory_space<hbm>> -> memref<1x632x128xf32, #tpu.memory_space<hbm>>
      %dma_start3A_85 = tpu.memref_squeeze %dma_start3A_84 : memref<1x632x128xf32, #tpu.memory_space<hbm>> -> memref<632x128xf32, #tpu.memory_space<hbm>>
      %dma_start3A_86 = arith.constant 0 : i32
      %dma_start3A_87 = tpu.memref_slice %arg18[%mul3A_2, %dma_start3A_86] : memref<10112x128xf32, #tpu.memory_space<vmem_shared>> -> memref<632x128xf32, #tpu.memory_space<vmem_shared>>
      tpu.enqueue_dma source(%dma_start3A_87 : memref<632x128xf32, #tpu.memory_space<vmem_shared>>) target(%dma_start3A_85 : memref<632x128xf32, #tpu.memory_space<hbm>>) target_semaphore(%run_scoped3A : memref<!tpu.dma_semaphore, #tpu.memory_space<semaphore_mem>>)
      %dma_wait3A_88 = arith.constant 0 : i32
      %dma_wait3A_89 = tpu.memref_slice %arg8[%arg0, %mul3A_2, %dma_wait3A_88] : memref<2x10112x128xf32, #tpu.memory_space<hbm>> -> memref<1x632x128xf32, #tpu.memory_space<hbm>>
      %dma_wait3A_90 = tpu.memref_squeeze %dma_wait3A_89 : memref<1x632x128xf32, #tpu.memory_space<hbm>> -> memref<632x128xf32, #tpu.memory_space<hbm>>
      %dma_wait3A_91 = arith.constant 0 : i32
      %dma_wait3A_92 = tpu.memref_slice %arg18[%mul3A_2, %dma_wait3A_91] : memref<10112x128xf32, #tpu.memory_space<vmem_shared>> -> memref<632x128xf32, #tpu.memory_space<vmem_shared>>
      tpu.wait_dma2 semaphore(%run_scoped3A : memref<!tpu.dma_semaphore, #tpu.memory_space<semaphore_mem>>) src(%dma_wait3A_92 : memref<632x128xf32, #tpu.memory_space<vmem_shared>>) dst(%dma_wait3A_90 : memref<632x128xf32, #tpu.memory_space<hbm>>)
      tpu.yield
    }) : () -> ()
    return
  }
}

#map = affine_map<(d0, d1) -> (0, 0)>
#map1 = affine_map<(d0, d1) -> (0)>
#map2 = affine_map<(d0, d1) -> (0, 0, 0)>
module attributes {stable_mosaic.version = 14 : i64} {
  func.func @_recv_sc_body(%arg0: i32, %arg1: i32, %arg2: memref<160000x128xf32, #tpu.memory_space<hbm>>, %arg3: memref<160000xi32, #tpu.memory_space<hbm>>, %arg4: memref<2x10112x128xf32, #tpu.memory_space<hbm>>, %arg5: memref<128xi32, #tpu.memory_space<vmem>>, %arg6: memref<128xi32, #tpu.memory_space<vmem>>, %arg7: memref<128x128xf32, #tpu.memory_space<vmem>>, %arg8: memref<128x128xf32, #tpu.memory_space<vmem>>, %arg9: memref<10112x128xf32, #tpu.memory_space<vmem_shared>>, %arg10: memref<!tpu.dma_semaphore, #tpu.memory_space<semaphore_mem>>, %arg11: memref<!tpu.dma_semaphore, #tpu.memory_space<semaphore_mem>>, %arg12: memref<!tpu.dma_semaphore, #tpu.memory_space<semaphore_mem>>, %arg13: memref<!tpu.dma_semaphore, #tpu.memory_space<semaphore_mem>>) attributes {dimension_semantics = [#tpu.dimension_semantics<core_parallel>, #tpu.dimension_semantics<subcore_parallel>], iteration_bounds = array<i64: 2, 16>, scalar_prefetch = 0 : i64, scratch_operands = 9 : i64, tpu.core_type = #tpu.core_type<sc_vector_subcore>, window_params = [{transform_indices = #map}, {transform_indices = #map1}, {transform_indices = #map2}]} {
    %mul3A = arith.constant 16 : i32
    %mul3A_0 = arith.muli %arg0, %mul3A : i32
    %add3A = arith.addi %mul3A_0, %arg1 : i32
    %mul3A_1 = arith.constant 632 : i32
    %mul3A_2 = arith.muli %arg1, %mul3A_1 : i32
    %lt3A = arith.constant 2 : i32
    %lt3A_3 = arith.cmpi slt, %add3A, %lt3A : i32
    %jit3A = arith.constant 1 : i32
    %jit3A_4 = arith.constant 0 : i32
    %select_n3A = arith.select %lt3A_3, %jit3A, %jit3A_4 : i32
    %mul3A_5 = arith.constant 39 : i32
    %mul3A_6 = arith.muli %add3A, %mul3A_5 : i32
    %min3A = arith.constant 2 : i32
    %min3A_7 = arith.minsi %add3A, %min3A : i32
    %add3A_8 = arith.addi %mul3A_6, %min3A_7 : i32
    %add3A_9 = arith.constant 39 : i32
    %add3A_10 = arith.addi %add3A_9, %select_n3A : i32
    %mul3A_11 = arith.constant 632 : i32
    %mul3A_12 = arith.muli %arg1, %mul3A_11 : i32
    %scan3A = arith.constant 0 : i32
    %scan3A_13 = arith.constant 128 : i32
    %scan3A_14 = arith.addi %scan3A, %scan3A_13 : i32
    %scan3A_15 = arith.constant 1 : i32
    scf.for %scan3A_42 = %scan3A to %scan3A_14 step %scan3A_15  : i32 {
      %broadcast_in_dim3A = arith.constant 0.000000e+00 : f32
      %broadcast_in_dim3A_43 = vector.broadcast %broadcast_in_dim3A : f32 to vector<16xf32>
      %swap3A = arith.index_cast %scan3A_42 : i32 to index
      %swap3A_44 = arith.constant 0 : index
      %swap3A_45 = tpu.vector_load %arg7[%swap3A, %swap3A_44] {strides = array<i32>} : memref<128x128xf32, #tpu.memory_space<vmem>>, vector<1x16xf32>,
      %swap3A_46 = vector.shape_cast %swap3A_45 : vector<1x16xf32> to vector<16xf32>
      %swap3A_47 = vector.shape_cast %broadcast_in_dim3A_43 : vector<16xf32> to vector<1x16xf32>
      tpu.vector_store %arg7[%swap3A, %swap3A_44], %swap3A_47 {strides = array<i32>} : memref<128x128xf32, #tpu.memory_space<vmem>>, vector<1x16xf32>,
      %broadcast_in_dim3A_48 = arith.constant 0.000000e+00 : f32
      %broadcast_in_dim3A_49 = vector.broadcast %broadcast_in_dim3A_48 : f32 to vector<16xf32>
      %swap3A_50 = arith.index_cast %scan3A_42 : i32 to index
      %swap3A_51 = arith.constant 16 : index
      %swap3A_52 = tpu.vector_load %arg7[%swap3A_50, %swap3A_51] {strides = array<i32>} : memref<128x128xf32, #tpu.memory_space<vmem>>, vector<1x16xf32>,
      %swap3A_53 = vector.shape_cast %swap3A_52 : vector<1x16xf32> to vector<16xf32>
      %swap3A_54 = vector.shape_cast %broadcast_in_dim3A_49 : vector<16xf32> to vector<1x16xf32>
      tpu.vector_store %arg7[%swap3A_50, %swap3A_51], %swap3A_54 {strides = array<i32>} : memref<128x128xf32, #tpu.memory_space<vmem>>, vector<1x16xf32>,
      %broadcast_in_dim3A_55 = arith.constant 0.000000e+00 : f32
      %broadcast_in_dim3A_56 = vector.broadcast %broadcast_in_dim3A_55 : f32 to vector<16xf32>
      %swap3A_57 = arith.index_cast %scan3A_42 : i32 to index
      %swap3A_58 = arith.constant 32 : index
      %swap3A_59 = tpu.vector_load %arg7[%swap3A_57, %swap3A_58] {strides = array<i32>} : memref<128x128xf32, #tpu.memory_space<vmem>>, vector<1x16xf32>,
      %swap3A_60 = vector.shape_cast %swap3A_59 : vector<1x16xf32> to vector<16xf32>
      %swap3A_61 = vector.shape_cast %broadcast_in_dim3A_56 : vector<16xf32> to vector<1x16xf32>
      tpu.vector_store %arg7[%swap3A_57, %swap3A_58], %swap3A_61 {strides = array<i32>} : memref<128x128xf32, #tpu.memory_space<vmem>>, vector<1x16xf32>,
      %broadcast_in_dim3A_62 = arith.constant 0.000000e+00 : f32
      %broadcast_in_dim3A_63 = vector.broadcast %broadcast_in_dim3A_62 : f32 to vector<16xf32>
      %swap3A_64 = arith.index_cast %scan3A_42 : i32 to index
      %swap3A_65 = arith.constant 48 : index
      %swap3A_66 = tpu.vector_load %arg7[%swap3A_64, %swap3A_65] {strides = array<i32>} : memref<128x128xf32, #tpu.memory_space<vmem>>, vector<1x16xf32>,
      %swap3A_67 = vector.shape_cast %swap3A_66 : vector<1x16xf32> to vector<16xf32>
      %swap3A_68 = vector.shape_cast %broadcast_in_dim3A_63 : vector<16xf32> to vector<1x16xf32>
      tpu.vector_store %arg7[%swap3A_64, %swap3A_65], %swap3A_68 {strides = array<i32>} : memref<128x128xf32, #tpu.memory_space<vmem>>, vector<1x16xf32>,
      %broadcast_in_dim3A_69 = arith.constant 0.000000e+00 : f32
      %broadcast_in_dim3A_70 = vector.broadcast %broadcast_in_dim3A_69 : f32 to vector<16xf32>
      %swap3A_71 = arith.index_cast %scan3A_42 : i32 to index
      %swap3A_72 = arith.constant 64 : index
      %swap3A_73 = tpu.vector_load %arg7[%swap3A_71, %swap3A_72] {strides = array<i32>} : memref<128x128xf32, #tpu.memory_space<vmem>>, vector<1x16xf32>,
      %swap3A_74 = vector.shape_cast %swap3A_73 : vector<1x16xf32> to vector<16xf32>
      %swap3A_75 = vector.shape_cast %broadcast_in_dim3A_70 : vector<16xf32> to vector<1x16xf32>
      tpu.vector_store %arg7[%swap3A_71, %swap3A_72], %swap3A_75 {strides = array<i32>} : memref<128x128xf32, #tpu.memory_space<vmem>>, vector<1x16xf32>,
      %broadcast_in_dim3A_76 = arith.constant 0.000000e+00 : f32
      %broadcast_in_dim3A_77 = vector.broadcast %broadcast_in_dim3A_76 : f32 to vector<16xf32>
      %swap3A_78 = arith.index_cast %scan3A_42 : i32 to index
      %swap3A_79 = arith.constant 80 : index
      %swap3A_80 = tpu.vector_load %arg7[%swap3A_78, %swap3A_79] {strides = array<i32>} : memref<128x128xf32, #tpu.memory_space<vmem>>, vector<1x16xf32>,
      %swap3A_81 = vector.shape_cast %swap3A_80 : vector<1x16xf32> to vector<16xf32>
      %swap3A_82 = vector.shape_cast %broadcast_in_dim3A_77 : vector<16xf32> to vector<1x16xf32>
      tpu.vector_store %arg7[%swap3A_78, %swap3A_79], %swap3A_82 {strides = array<i32>} : memref<128x128xf32, #tpu.memory_space<vmem>>, vector<1x16xf32>,
      %broadcast_in_dim3A_83 = arith.constant 0.000000e+00 : f32
      %broadcast_in_dim3A_84 = vector.broadcast %broadcast_in_dim3A_83 : f32 to vector<16xf32>
      %swap3A_85 = arith.index_cast %scan3A_42 : i32 to index
      %swap3A_86 = arith.constant 96 : index
      %swap3A_87 = tpu.vector_load %arg7[%swap3A_85, %swap3A_86] {strides = array<i32>} : memref<128x128xf32, #tpu.memory_space<vmem>>, vector<1x16xf32>,
      %swap3A_88 = vector.shape_cast %swap3A_87 : vector<1x16xf32> to vector<16xf32>
      %swap3A_89 = vector.shape_cast %broadcast_in_dim3A_84 : vector<16xf32> to vector<1x16xf32>
      tpu.vector_store %arg7[%swap3A_85, %swap3A_86], %swap3A_89 {strides = array<i32>} : memref<128x128xf32, #tpu.memory_space<vmem>>, vector<1x16xf32>,
      %broadcast_in_dim3A_90 = arith.constant 0.000000e+00 : f32
      %broadcast_in_dim3A_91 = vector.broadcast %broadcast_in_dim3A_90 : f32 to vector<16xf32>
      %swap3A_92 = arith.index_cast %scan3A_42 : i32 to index
      %swap3A_93 = arith.constant 112 : index
      %swap3A_94 = tpu.vector_load %arg7[%swap3A_92, %swap3A_93] {strides = array<i32>} : memref<128x128xf32, #tpu.memory_space<vmem>>, vector<1x16xf32>,
      %swap3A_95 = vector.shape_cast %swap3A_94 : vector<1x16xf32> to vector<16xf32>
      %swap3A_96 = vector.shape_cast %broadcast_in_dim3A_91 : vector<16xf32> to vector<1x16xf32>
      tpu.vector_store %arg7[%swap3A_92, %swap3A_93], %swap3A_96 {strides = array<i32>} : memref<128x128xf32, #tpu.memory_space<vmem>>, vector<1x16xf32>,
    }
    %scan3A_16 = arith.constant 128 : i32
    %add3A_17 = arith.constant 0 : i32
    %add3A_18 = arith.addi %mul3A_12, %add3A_17 : i32
    "tpu.region"() ({
      %run_scoped3A = tpu.sem_alloc : memref<!tpu.dma_semaphore, #tpu.memory_space<semaphore_mem>>
      %dma_start3A_42 = arith.constant 0 : i32
      %dma_start3A_43 = tpu.memref_slice %arg9[%add3A_18, %dma_start3A_42] : memref<10112x128xf32, #tpu.memory_space<vmem_shared>> -> memref<128x128xf32, #tpu.memory_space<vmem_shared>>
      %dma_start3A_44 = arith.constant 0 : i32
      %dma_start3A_45 = tpu.memref_slice %arg9[%add3A_18, %dma_start3A_44] : memref<10112x128xf32, #tpu.memory_space<vmem_shared>> -> memref<128x128xf32, #tpu.memory_space<vmem_shared>>
      tpu.enqueue_dma source(%arg7 : memref<128x128xf32, #tpu.memory_space<vmem>>) target(%dma_start3A_45 : memref<128x128xf32, #tpu.memory_space<vmem_shared>>) target_semaphore(%run_scoped3A : memref<!tpu.dma_semaphore, #tpu.memory_space<semaphore_mem>>)
      %dma_wait3A = arith.constant 0 : i32
      %dma_wait3A_46 = tpu.memref_slice %arg9[%add3A_18, %dma_wait3A] : memref<10112x128xf32, #tpu.memory_space<vmem_shared>> -> memref<128x128xf32, #tpu.memory_space<vmem_shared>>
      %dma_wait3A_47 = arith.constant 0 : i32
      %dma_wait3A_48 = tpu.memref_slice %arg9[%add3A_18, %dma_wait3A_47] : memref<10112x128xf32, #tpu.memory_space<vmem_shared>> -> memref<128x128xf32, #tpu.memory_space<vmem_shared>>
      tpu.wait_dma2 semaphore(%run_scoped3A : memref<!tpu.dma_semaphore, #tpu.memory_space<semaphore_mem>>) src(%arg7 : memref<128x128xf32, #tpu.memory_space<vmem>>) dst(%dma_wait3A_48 : memref<128x128xf32, #tpu.memory_space<vmem_shared>>)
      tpu.yield
    }) : () -> ()
    %add3A_19 = arith.constant 128 : i32
    %add3A_20 = arith.addi %mul3A_12, %add3A_19 : i32
    "tpu.region"() ({
      %run_scoped3A = tpu.sem_alloc : memref<!tpu.dma_semaphore, #tpu.memory_space<semaphore_mem>>
      %dma_start3A_42 = arith.constant 0 : i32
      %dma_start3A_43 = tpu.memref_slice %arg9[%add3A_20, %dma_start3A_42] : memref<10112x128xf32, #tpu.memory_space<vmem_shared>> -> memref<128x128xf32, #tpu.memory_space<vmem_shared>>
      %dma_start3A_44 = arith.constant 0 : i32
      %dma_start3A_45 = tpu.memref_slice %arg9[%add3A_20, %dma_start3A_44] : memref<10112x128xf32, #tpu.memory_space<vmem_shared>> -> memref<128x128xf32, #tpu.memory_space<vmem_shared>>
      tpu.enqueue_dma source(%arg7 : memref<128x128xf32, #tpu.memory_space<vmem>>) target(%dma_start3A_45 : memref<128x128xf32, #tpu.memory_space<vmem_shared>>) target_semaphore(%run_scoped3A : memref<!tpu.dma_semaphore, #tpu.memory_space<semaphore_mem>>)
      %dma_wait3A = arith.constant 0 : i32
      %dma_wait3A_46 = tpu.memref_slice %arg9[%add3A_20, %dma_wait3A] : memref<10112x128xf32, #tpu.memory_space<vmem_shared>> -> memref<128x128xf32, #tpu.memory_space<vmem_shared>>
      %dma_wait3A_47 = arith.constant 0 : i32
      %dma_wait3A_48 = tpu.memref_slice %arg9[%add3A_20, %dma_wait3A_47] : memref<10112x128xf32, #tpu.memory_space<vmem_shared>> -> memref<128x128xf32, #tpu.memory_space<vmem_shared>>
      tpu.wait_dma2 semaphore(%run_scoped3A : memref<!tpu.dma_semaphore, #tpu.memory_space<semaphore_mem>>) src(%arg7 : memref<128x128xf32, #tpu.memory_space<vmem>>) dst(%dma_wait3A_48 : memref<128x128xf32, #tpu.memory_space<vmem_shared>>)
      tpu.yield
    }) : () -> ()
    %add3A_21 = arith.constant 256 : i32
    %add3A_22 = arith.addi %mul3A_12, %add3A_21 : i32
    "tpu.region"() ({
      %run_scoped3A = tpu.sem_alloc : memref<!tpu.dma_semaphore, #tpu.memory_space<semaphore_mem>>
      %dma_start3A_42 = arith.constant 0 : i32
      %dma_start3A_43 = tpu.memref_slice %arg9[%add3A_22, %dma_start3A_42] : memref<10112x128xf32, #tpu.memory_space<vmem_shared>> -> memref<128x128xf32, #tpu.memory_space<vmem_shared>>
      %dma_start3A_44 = arith.constant 0 : i32
      %dma_start3A_45 = tpu.memref_slice %arg9[%add3A_22, %dma_start3A_44] : memref<10112x128xf32, #tpu.memory_space<vmem_shared>> -> memref<128x128xf32, #tpu.memory_space<vmem_shared>>
      tpu.enqueue_dma source(%arg7 : memref<128x128xf32, #tpu.memory_space<vmem>>) target(%dma_start3A_45 : memref<128x128xf32, #tpu.memory_space<vmem_shared>>) target_semaphore(%run_scoped3A : memref<!tpu.dma_semaphore, #tpu.memory_space<semaphore_mem>>)
      %dma_wait3A = arith.constant 0 : i32
      %dma_wait3A_46 = tpu.memref_slice %arg9[%add3A_22, %dma_wait3A] : memref<10112x128xf32, #tpu.memory_space<vmem_shared>> -> memref<128x128xf32, #tpu.memory_space<vmem_shared>>
      %dma_wait3A_47 = arith.constant 0 : i32
      %dma_wait3A_48 = tpu.memref_slice %arg9[%add3A_22, %dma_wait3A_47] : memref<10112x128xf32, #tpu.memory_space<vmem_shared>> -> memref<128x128xf32, #tpu.memory_space<vmem_shared>>
      tpu.wait_dma2 semaphore(%run_scoped3A : memref<!tpu.dma_semaphore, #tpu.memory_space<semaphore_mem>>) src(%arg7 : memref<128x128xf32, #tpu.memory_space<vmem>>) dst(%dma_wait3A_48 : memref<128x128xf32, #tpu.memory_space<vmem_shared>>)
      tpu.yield
    }) : () -> ()
    %add3A_23 = arith.constant 384 : i32
    %add3A_24 = arith.addi %mul3A_12, %add3A_23 : i32
    "tpu.region"() ({
      %run_scoped3A = tpu.sem_alloc : memref<!tpu.dma_semaphore, #tpu.memory_space<semaphore_mem>>
      %dma_start3A_42 = arith.constant 0 : i32
      %dma_start3A_43 = tpu.memref_slice %arg9[%add3A_24, %dma_start3A_42] : memref<10112x128xf32, #tpu.memory_space<vmem_shared>> -> memref<128x128xf32, #tpu.memory_space<vmem_shared>>
      %dma_start3A_44 = arith.constant 0 : i32
      %dma_start3A_45 = tpu.memref_slice %arg9[%add3A_24, %dma_start3A_44] : memref<10112x128xf32, #tpu.memory_space<vmem_shared>> -> memref<128x128xf32, #tpu.memory_space<vmem_shared>>
      tpu.enqueue_dma source(%arg7 : memref<128x128xf32, #tpu.memory_space<vmem>>) target(%dma_start3A_45 : memref<128x128xf32, #tpu.memory_space<vmem_shared>>) target_semaphore(%run_scoped3A : memref<!tpu.dma_semaphore, #tpu.memory_space<semaphore_mem>>)
      %dma_wait3A = arith.constant 0 : i32
      %dma_wait3A_46 = tpu.memref_slice %arg9[%add3A_24, %dma_wait3A] : memref<10112x128xf32, #tpu.memory_space<vmem_shared>> -> memref<128x128xf32, #tpu.memory_space<vmem_shared>>
      %dma_wait3A_47 = arith.constant 0 : i32
      %dma_wait3A_48 = tpu.memref_slice %arg9[%add3A_24, %dma_wait3A_47] : memref<10112x128xf32, #tpu.memory_space<vmem_shared>> -> memref<128x128xf32, #tpu.memory_space<vmem_shared>>
      tpu.wait_dma2 semaphore(%run_scoped3A : memref<!tpu.dma_semaphore, #tpu.memory_space<semaphore_mem>>) src(%arg7 : memref<128x128xf32, #tpu.memory_space<vmem>>) dst(%dma_wait3A_48 : memref<128x128xf32, #tpu.memory_space<vmem_shared>>)
      tpu.yield
    }) : () -> ()
    %add3A_25 = arith.constant 512 : i32
    %add3A_26 = arith.addi %mul3A_12, %add3A_25 : i32
    "tpu.region"() ({
      %run_scoped3A = tpu.sem_alloc : memref<!tpu.dma_semaphore, #tpu.memory_space<semaphore_mem>>
      %dma_start3A_42 = arith.constant 0 : i32
      %dma_start3A_43 = arith.constant 0 : i32
      %dma_start3A_44 = tpu.memref_slice %arg7[%dma_start3A_42, %dma_start3A_43] : memref<128x128xf32, #tpu.memory_space<vmem>> -> memref<120x128xf32, #tpu.memory_space<vmem>>
      %dma_start3A_45 = arith.constant 0 : i32
      %dma_start3A_46 = tpu.memref_slice %arg9[%add3A_26, %dma_start3A_45] : memref<10112x128xf32, #tpu.memory_space<vmem_shared>> -> memref<120x128xf32, #tpu.memory_space<vmem_shared>>
      %dma_start3A_47 = arith.constant 0 : i32
      %dma_start3A_48 = tpu.memref_slice %arg9[%add3A_26, %dma_start3A_47] : memref<10112x128xf32, #tpu.memory_space<vmem_shared>> -> memref<120x128xf32, #tpu.memory_space<vmem_shared>>
      %dma_start3A_49 = arith.constant 0 : i32
      %dma_start3A_50 = arith.constant 0 : i32
      %dma_start3A_51 = tpu.memref_slice %arg7[%dma_start3A_49, %dma_start3A_50] : memref<128x128xf32, #tpu.memory_space<vmem>> -> memref<120x128xf32, #tpu.memory_space<vmem>>
      tpu.enqueue_dma source(%dma_start3A_51 : memref<120x128xf32, #tpu.memory_space<vmem>>) target(%dma_start3A_48 : memref<120x128xf32, #tpu.memory_space<vmem_shared>>) target_semaphore(%run_scoped3A : memref<!tpu.dma_semaphore, #tpu.memory_space<semaphore_mem>>)
      %dma_wait3A = arith.constant 0 : i32
      %dma_wait3A_52 = arith.constant 0 : i32
      %dma_wait3A_53 = tpu.memref_slice %arg7[%dma_wait3A, %dma_wait3A_52] : memref<128x128xf32, #tpu.memory_space<vmem>> -> memref<120x128xf32, #tpu.memory_space<vmem>>
      %dma_wait3A_54 = arith.constant 0 : i32
      %dma_wait3A_55 = tpu.memref_slice %arg9[%add3A_26, %dma_wait3A_54] : memref<10112x128xf32, #tpu.memory_space<vmem_shared>> -> memref<120x128xf32, #tpu.memory_space<vmem_shared>>
      %dma_wait3A_56 = arith.constant 0 : i32
      %dma_wait3A_57 = tpu.memref_slice %arg9[%add3A_26, %dma_wait3A_56] : memref<10112x128xf32, #tpu.memory_space<vmem_shared>> -> memref<120x128xf32, #tpu.memory_space<vmem_shared>>
      %dma_wait3A_58 = arith.constant 0 : i32
      %dma_wait3A_59 = arith.constant 0 : i32
      %dma_wait3A_60 = tpu.memref_slice %arg7[%dma_wait3A_58, %dma_wait3A_59] : memref<128x128xf32, #tpu.memory_space<vmem>> -> memref<120x128xf32, #tpu.memory_space<vmem>>
      tpu.wait_dma2 semaphore(%run_scoped3A : memref<!tpu.dma_semaphore, #tpu.memory_space<semaphore_mem>>) src(%dma_wait3A_60 : memref<120x128xf32, #tpu.memory_space<vmem>>) dst(%dma_wait3A_57 : memref<120x128xf32, #tpu.memory_space<vmem_shared>>)
      tpu.yield
    }) : () -> ()
    %add3A_27 = arith.constant 0 : i32
    %add3A_28 = arith.addi %add3A_8, %add3A_27 : i32
    %mul3A_29 = arith.constant 128 : i32
    %mul3A_30 = arith.muli %add3A_28, %mul3A_29 : i32
    %dma_start3A = tpu.memref_slice %arg3[%mul3A_30] : memref<160000xi32, #tpu.memory_space<hbm>> -> memref<128xi32, #tpu.memory_space<hbm>>
    %dma_start3A_31 = tpu.memref_slice %arg3[%mul3A_30] : memref<160000xi32, #tpu.memory_space<hbm>> -> memref<128xi32, #tpu.memory_space<hbm>>
    tpu.enqueue_dma source(%dma_start3A_31 : memref<128xi32, #tpu.memory_space<hbm>>) target(%arg5 : memref<128xi32, #tpu.memory_space<vmem>>) target_semaphore(%arg10 : memref<!tpu.dma_semaphore, #tpu.memory_space<semaphore_mem>>)
    %dma_start3A_32 = arith.constant 0 : i32
    %dma_start3A_33 = tpu.memref_slice %arg2[%mul3A_30, %dma_start3A_32] : memref<160000x128xf32, #tpu.memory_space<hbm>> -> memref<128x128xf32, #tpu.memory_space<hbm>>
    %dma_start3A_34 = arith.constant 0 : i32
    %dma_start3A_35 = tpu.memref_slice %arg2[%mul3A_30, %dma_start3A_34] : memref<160000x128xf32, #tpu.memory_space<hbm>> -> memref<128x128xf32, #tpu.memory_space<hbm>>
    tpu.enqueue_dma source(%dma_start3A_35 : memref<128x128xf32, #tpu.memory_space<hbm>>) target(%arg7 : memref<128x128xf32, #tpu.memory_space<vmem>>) target_semaphore(%arg10 : memref<!tpu.dma_semaphore, #tpu.memory_space<semaphore_mem>>)
    %barrier3A = arith.constant 0 : index
    tpu.barrier barrier_id(%barrier3A)
    %scan3A_36 = arith.constant 0 : i32
    %scan3A_37 = arith.constant 21 : i32
    %scan3A_38 = arith.addi %scan3A_36, %scan3A_37 : i32
    %scan3A_39 = arith.constant 1 : i32
    scf.for %scan3A_42 = %scan3A_36 to %scan3A_38 step %scan3A_39  : i32 {
      %mul3A_43 = arith.constant 2 : i32
      %mul3A_44 = arith.muli %mul3A_43, %scan3A_42 : i32
      %add3A_45 = arith.constant 0 : i32
      %add3A_46 = arith.addi %mul3A_44, %add3A_45 : i32
      %ge3A = arith.constant 1 : i32
      %ge3A_47 = arith.cmpi sge, %add3A_46, %ge3A : i32
      %le3A = arith.cmpi sle, %add3A_46, %add3A_10 : i32
      %and3A = arith.andi %ge3A_47, %le3A : i1
      %convert_element_type3A = arith.extui %and3A : i1 to i32
      %cond3A = arith.constant 0 : i32
      %cond3A_48 = arith.cmpi ne, %convert_element_type3A, %cond3A : i32
      scf.if %cond3A_48 {
        %dma_wait3A = arith.constant 0 : i32
        %dma_wait3A_80 = arith.constant 0 : i32
        %dma_wait3A_81 = tpu.memref_slice %arg9[%dma_wait3A, %dma_wait3A_80] : memref<10112x128xf32, #tpu.memory_space<vmem_shared>> -> memref<10112x128xf32, #tpu.memory_space<vmem_shared>>
        tpu.wait_indirect_dma semaphore(%arg13 : memref<!tpu.dma_semaphore, #tpu.memory_space<semaphore_mem>>) src(%arg8 : memref<128x128xf32, #tpu.memory_space<vmem>>) dst(%dma_wait3A_81 : memref<10112x128xf32, #tpu.memory_space<vmem_shared>>)
      } else {
      }
      %add3A_49 = arith.constant 1 : i32
      %add3A_50 = arith.addi %add3A_46, %add3A_49 : i32
      %lt3A_51 = arith.cmpi slt, %add3A_50, %add3A_10 : i32
      %convert_element_type3A_52 = arith.extui %lt3A_51 : i1 to i32
      %cond3A_53 = arith.constant 0 : i32
      %cond3A_54 = arith.cmpi ne, %convert_element_type3A_52, %cond3A_53 : i32
      scf.if %cond3A_54 {
        %add3A_80 = arith.constant 1 : i32
        %add3A_81 = arith.addi %add3A_46, %add3A_80 : i32
        %add3A_82 = arith.addi %add3A_8, %add3A_81 : i32
        %mul3A_83 = arith.constant 128 : i32
        %mul3A_84 = arith.muli %add3A_82, %mul3A_83 : i32
        %dma_start3A_85 = tpu.memref_slice %arg3[%mul3A_84] : memref<160000xi32, #tpu.memory_space<hbm>> -> memref<128xi32, #tpu.memory_space<hbm>>
        %dma_start3A_86 = tpu.memref_slice %arg3[%mul3A_84] : memref<160000xi32, #tpu.memory_space<hbm>> -> memref<128xi32, #tpu.memory_space<hbm>>
        tpu.enqueue_dma source(%dma_start3A_86 : memref<128xi32, #tpu.memory_space<hbm>>) target(%arg6 : memref<128xi32, #tpu.memory_space<vmem>>) target_semaphore(%arg11 : memref<!tpu.dma_semaphore, #tpu.memory_space<semaphore_mem>>)
        %dma_start3A_87 = arith.constant 0 : i32
        %dma_start3A_88 = tpu.memref_slice %arg2[%mul3A_84, %dma_start3A_87] : memref<160000x128xf32, #tpu.memory_space<hbm>> -> memref<128x128xf32, #tpu.memory_space<hbm>>
        %dma_start3A_89 = arith.constant 0 : i32
        %dma_start3A_90 = tpu.memref_slice %arg2[%mul3A_84, %dma_start3A_89] : memref<160000x128xf32, #tpu.memory_space<hbm>> -> memref<128x128xf32, #tpu.memory_space<hbm>>
        tpu.enqueue_dma source(%dma_start3A_90 : memref<128x128xf32, #tpu.memory_space<hbm>>) target(%arg8 : memref<128x128xf32, #tpu.memory_space<vmem>>) target_semaphore(%arg11 : memref<!tpu.dma_semaphore, #tpu.memory_space<semaphore_mem>>)
      } else {
      }
      %lt3A_55 = arith.cmpi slt, %add3A_46, %add3A_10 : i32
      %convert_element_type3A_56 = arith.extui %lt3A_55 : i1 to i32
      %cond3A_57 = arith.constant 0 : i32
      %cond3A_58 = arith.cmpi ne, %convert_element_type3A_56, %cond3A_57 : i32
      scf.if %cond3A_58 {
        %dma_wait3A = arith.constant 0 : i32
        %dma_wait3A_80 = tpu.memref_slice %arg3[%dma_wait3A] : memref<160000xi32, #tpu.memory_space<hbm>> -> memref<128xi32, #tpu.memory_space<hbm>>
        %dma_wait3A_81 = arith.constant 0 : i32
        %dma_wait3A_82 = tpu.memref_slice %arg3[%dma_wait3A_81] : memref<160000xi32, #tpu.memory_space<hbm>> -> memref<128xi32, #tpu.memory_space<hbm>>
        tpu.wait_dma2 semaphore(%arg10 : memref<!tpu.dma_semaphore, #tpu.memory_space<semaphore_mem>>) src(%dma_wait3A_82 : memref<128xi32, #tpu.memory_space<hbm>>) dst(%arg5 : memref<128xi32, #tpu.memory_space<vmem>>)
        %dma_wait3A_83 = arith.constant 0 : i32
        %dma_wait3A_84 = arith.constant 0 : i32
        %dma_wait3A_85 = tpu.memref_slice %arg2[%dma_wait3A_83, %dma_wait3A_84] : memref<160000x128xf32, #tpu.memory_space<hbm>> -> memref<128x128xf32, #tpu.memory_space<hbm>>
        %dma_wait3A_86 = arith.constant 0 : i32
        %dma_wait3A_87 = arith.constant 0 : i32
        %dma_wait3A_88 = tpu.memref_slice %arg2[%dma_wait3A_86, %dma_wait3A_87] : memref<160000x128xf32, #tpu.memory_space<hbm>> -> memref<128x128xf32, #tpu.memory_space<hbm>>
        tpu.wait_dma2 semaphore(%arg10 : memref<!tpu.dma_semaphore, #tpu.memory_space<semaphore_mem>>) src(%dma_wait3A_88 : memref<128x128xf32, #tpu.memory_space<hbm>>) dst(%arg7 : memref<128x128xf32, #tpu.memory_space<vmem>>)
        %dma_start3A_89 = arith.constant 0 : i32
        %dma_start3A_90 = arith.constant 0 : i32
        %dma_start3A_91 = tpu.memref_slice %arg9[%dma_start3A_89, %dma_start3A_90] : memref<10112x128xf32, #tpu.memory_space<vmem_shared>> -> memref<10112x128xf32, #tpu.memory_space<vmem_shared>>
        tpu.enqueue_indirect_dma source(%arg7 : memref<128x128xf32, #tpu.memory_space<vmem>>) target(%dma_start3A_91 : memref<10112x128xf32, #tpu.memory_space<vmem_shared>>) offsets(%arg5 : memref<128xi32, #tpu.memory_space<vmem>>) semaphore(%arg12 : memref<!tpu.dma_semaphore, #tpu.memory_space<semaphore_mem>>) {add = true}
      } else {
      }
      %mul3A_59 = arith.constant 2 : i32
      %mul3A_60 = arith.muli %mul3A_59, %scan3A_42 : i32
      %add3A_61 = arith.constant 1 : i32
      %add3A_62 = arith.addi %mul3A_60, %add3A_61 : i32
      %ge3A_63 = arith.constant 1 : i32
      %ge3A_64 = arith.cmpi sge, %add3A_62, %ge3A_63 : i32
      %le3A_65 = arith.cmpi sle, %add3A_62, %add3A_10 : i32
      %and3A_66 = arith.andi %ge3A_64, %le3A_65 : i1
      %convert_element_type3A_67 = arith.extui %and3A_66 : i1 to i32
      %cond3A_68 = arith.constant 0 : i32
      %cond3A_69 = arith.cmpi ne, %convert_element_type3A_67, %cond3A_68 : i32
      scf.if %cond3A_69 {
        %dma_wait3A = arith.constant 0 : i32
        %dma_wait3A_80 = arith.constant 0 : i32
        %dma_wait3A_81 = tpu.memref_slice %arg9[%dma_wait3A, %dma_wait3A_80] : memref<10112x128xf32, #tpu.memory_space<vmem_shared>> -> memref<10112x128xf32, #tpu.memory_space<vmem_shared>>
        tpu.wait_indirect_dma semaphore(%arg12 : memref<!tpu.dma_semaphore, #tpu.memory_space<semaphore_mem>>) src(%arg7 : memref<128x128xf32, #tpu.memory_space<vmem>>) dst(%dma_wait3A_81 : memref<10112x128xf32, #tpu.memory_space<vmem_shared>>)
      } else {
      }
      %add3A_70 = arith.constant 1 : i32
      %add3A_71 = arith.addi %add3A_62, %add3A_70 : i32
      %lt3A_72 = arith.cmpi slt, %add3A_71, %add3A_10 : i32
      %convert_element_type3A_73 = arith.extui %lt3A_72 : i1 to i32
      %cond3A_74 = arith.constant 0 : i32
      %cond3A_75 = arith.cmpi ne, %convert_element_type3A_73, %cond3A_74 : i32
      scf.if %cond3A_75 {
        %add3A_80 = arith.constant 1 : i32
        %add3A_81 = arith.addi %add3A_62, %add3A_80 : i32
        %add3A_82 = arith.addi %add3A_8, %add3A_81 : i32
        %mul3A_83 = arith.constant 128 : i32
        %mul3A_84 = arith.muli %add3A_82, %mul3A_83 : i32
        %dma_start3A_85 = tpu.memref_slice %arg3[%mul3A_84] : memref<160000xi32, #tpu.memory_space<hbm>> -> memref<128xi32, #tpu.memory_space<hbm>>
        %dma_start3A_86 = tpu.memref_slice %arg3[%mul3A_84] : memref<160000xi32, #tpu.memory_space<hbm>> -> memref<128xi32, #tpu.memory_space<hbm>>
        tpu.enqueue_dma source(%dma_start3A_86 : memref<128xi32, #tpu.memory_space<hbm>>) target(%arg5 : memref<128xi32, #tpu.memory_space<vmem>>) target_semaphore(%arg10 : memref<!tpu.dma_semaphore, #tpu.memory_space<semaphore_mem>>)
        %dma_start3A_87 = arith.constant 0 : i32
        %dma_start3A_88 = tpu.memref_slice %arg2[%mul3A_84, %dma_start3A_87] : memref<160000x128xf32, #tpu.memory_space<hbm>> -> memref<128x128xf32, #tpu.memory_space<hbm>>
        %dma_start3A_89 = arith.constant 0 : i32
        %dma_start3A_90 = tpu.memref_slice %arg2[%mul3A_84, %dma_start3A_89] : memref<160000x128xf32, #tpu.memory_space<hbm>> -> memref<128x128xf32, #tpu.memory_space<hbm>>
        tpu.enqueue_dma source(%dma_start3A_90 : memref<128x128xf32, #tpu.memory_space<hbm>>) target(%arg7 : memref<128x128xf32, #tpu.memory_space<vmem>>) target_semaphore(%arg10 : memref<!tpu.dma_semaphore, #tpu.memory_space<semaphore_mem>>)
      } else {
      }
      %lt3A_76 = arith.cmpi slt, %add3A_62, %add3A_10 : i32
      %convert_element_type3A_77 = arith.extui %lt3A_76 : i1 to i32
      %cond3A_78 = arith.constant 0 : i32
      %cond3A_79 = arith.cmpi ne, %convert_element_type3A_77, %cond3A_78 : i32
      scf.if %cond3A_79 {
        %dma_wait3A = arith.constant 0 : i32
        %dma_wait3A_80 = tpu.memref_slice %arg3[%dma_wait3A] : memref<160000xi32, #tpu.memory_space<hbm>> -> memref<128xi32, #tpu.memory_space<hbm>>
        %dma_wait3A_81 = arith.constant 0 : i32
        %dma_wait3A_82 = tpu.memref_slice %arg3[%dma_wait3A_81] : memref<160000xi32, #tpu.memory_space<hbm>> -> memref<128xi32, #tpu.memory_space<hbm>>
        tpu.wait_dma2 semaphore(%arg11 : memref<!tpu.dma_semaphore, #tpu.memory_space<semaphore_mem>>) src(%dma_wait3A_82 : memref<128xi32, #tpu.memory_space<hbm>>) dst(%arg6 : memref<128xi32, #tpu.memory_space<vmem>>)
        %dma_wait3A_83 = arith.constant 0 : i32
        %dma_wait3A_84 = arith.constant 0 : i32
        %dma_wait3A_85 = tpu.memref_slice %arg2[%dma_wait3A_83, %dma_wait3A_84] : memref<160000x128xf32, #tpu.memory_space<hbm>> -> memref<128x128xf32, #tpu.memory_space<hbm>>
        %dma_wait3A_86 = arith.constant 0 : i32
        %dma_wait3A_87 = arith.constant 0 : i32
        %dma_wait3A_88 = tpu.memref_slice %arg2[%dma_wait3A_86, %dma_wait3A_87] : memref<160000x128xf32, #tpu.memory_space<hbm>> -> memref<128x128xf32, #tpu.memory_space<hbm>>
        tpu.wait_dma2 semaphore(%arg11 : memref<!tpu.dma_semaphore, #tpu.memory_space<semaphore_mem>>) src(%dma_wait3A_88 : memref<128x128xf32, #tpu.memory_space<hbm>>) dst(%arg8 : memref<128x128xf32, #tpu.memory_space<vmem>>)
        %dma_start3A_89 = arith.constant 0 : i32
        %dma_start3A_90 = arith.constant 0 : i32
        %dma_start3A_91 = tpu.memref_slice %arg9[%dma_start3A_89, %dma_start3A_90] : memref<10112x128xf32, #tpu.memory_space<vmem_shared>> -> memref<10112x128xf32, #tpu.memory_space<vmem_shared>>
        tpu.enqueue_indirect_dma source(%arg8 : memref<128x128xf32, #tpu.memory_space<vmem>>) target(%dma_start3A_91 : memref<10112x128xf32, #tpu.memory_space<vmem_shared>>) offsets(%arg6 : memref<128xi32, #tpu.memory_space<vmem>>) semaphore(%arg13 : memref<!tpu.dma_semaphore, #tpu.memory_space<semaphore_mem>>) {add = true}
      } else {
      }
    }
    %scan3A_40 = arith.constant 21 : i32
    %barrier3A_41 = arith.constant 0 : index
    tpu.barrier barrier_id(%barrier3A_41)
    "tpu.region"() ({
      %run_scoped3A = tpu.sem_alloc : memref<!tpu.dma_semaphore, #tpu.memory_space<semaphore_mem>>
      %dma_start3A_42 = arith.constant 0 : i32
      %dma_start3A_43 = tpu.memref_slice %arg4[%arg0, %mul3A_2, %dma_start3A_42] : memref<2x10112x128xf32, #tpu.memory_space<hbm>> -> memref<1x632x128xf32, #tpu.memory_space<hbm>>
      %dma_start3A_44 = tpu.memref_squeeze %dma_start3A_43 : memref<1x632x128xf32, #tpu.memory_space<hbm>> -> memref<632x128xf32, #tpu.memory_space<hbm>>
      %dma_start3A_45 = arith.constant 0 : i32
      %dma_start3A_46 = tpu.memref_slice %arg9[%mul3A_2, %dma_start3A_45] : memref<10112x128xf32, #tpu.memory_space<vmem_shared>> -> memref<632x128xf32, #tpu.memory_space<vmem_shared>>
      tpu.enqueue_dma source(%dma_start3A_46 : memref<632x128xf32, #tpu.memory_space<vmem_shared>>) target(%dma_start3A_44 : memref<632x128xf32, #tpu.memory_space<hbm>>) target_semaphore(%run_scoped3A : memref<!tpu.dma_semaphore, #tpu.memory_space<semaphore_mem>>)
      %dma_wait3A = arith.constant 0 : i32
      %dma_wait3A_47 = tpu.memref_slice %arg4[%arg0, %mul3A_2, %dma_wait3A] : memref<2x10112x128xf32, #tpu.memory_space<hbm>> -> memref<1x632x128xf32, #tpu.memory_space<hbm>>
      %dma_wait3A_48 = tpu.memref_squeeze %dma_wait3A_47 : memref<1x632x128xf32, #tpu.memory_space<hbm>> -> memref<632x128xf32, #tpu.memory_space<hbm>>
      %dma_wait3A_49 = arith.constant 0 : i32
      %dma_wait3A_50 = tpu.memref_slice %arg9[%mul3A_2, %dma_wait3A_49] : memref<10112x128xf32, #tpu.memory_space<vmem_shared>> -> memref<632x128xf32, #tpu.memory_space<vmem_shared>>
      tpu.wait_dma2 semaphore(%run_scoped3A : memref<!tpu.dma_semaphore, #tpu.memory_space<semaphore_mem>>) src(%dma_wait3A_50 : memref<632x128xf32, #tpu.memory_space<vmem_shared>>) dst(%dma_wait3A_48 : memref<632x128xf32, #tpu.memory_space<hbm>>)
      tpu.yield
    }) : () -> ()
    return
  }
}

module attributes {stable_mosaic.version = 14 : i64} {
  func.func @_edge_pre_kernel(%arg0: i32, %arg1: memref<16x16000xf32, #tpu.memory_space<vmem>>, %arg2: memref<16x128xf32, #tpu.memory_space<vmem>>, %arg3: memref<1x128xf32, #tpu.memory_space<vmem>>, %arg4: memref<128x128xf32, #tpu.memory_space<vmem>>, %arg5: memref<1x128xf32, #tpu.memory_space<vmem>>, %arg6: memref<10000x128xf32, #tpu.memory_space<vmem>>, %arg7: memref<128x128xf32, #tpu.memory_space<vmem>>, %arg8: memref<128x128xf32, #tpu.memory_space<vmem>>, %arg9: memref<16000x128xf32, #tpu.memory_space<vmem>>, %arg10: memref<10000x128xf32, #tpu.memory_space<vmem>>, %arg11: memref<10000x128xf32, #tpu.memory_space<vmem>>) attributes {dimension_semantics = [#tpu.dimension_semantics<arbitrary>], iteration_bounds = array<i64: 10>, scalar_prefetch = 0 : i64, scratch_operands = 0 : i64, tpu.core_type = #tpu.core_type<tc>, window_params = [{transform_indices = @transform_0, window_bounds = array<i64: 16, 16000>}, {pipeline_mode = #tpu.pipeline_mode<synchronous>, transform_indices = @transform_1, window_bounds = array<i64: 16, 128>}, {pipeline_mode = #tpu.pipeline_mode<synchronous>, transform_indices = @transform_2, window_bounds = array<i64: 1, 128>}, {pipeline_mode = #tpu.pipeline_mode<synchronous>, transform_indices = @transform_3, window_bounds = array<i64: 128, 128>}, {pipeline_mode = #tpu.pipeline_mode<synchronous>, transform_indices = @transform_4, window_bounds = array<i64: 1, 128>}, {pipeline_mode = #tpu.pipeline_mode<synchronous>, transform_indices = @transform_5, window_bounds = array<i64: 10000, 128>}, {pipeline_mode = #tpu.pipeline_mode<synchronous>, transform_indices = @transform_6, window_bounds = array<i64: 128, 128>}, {pipeline_mode = #tpu.pipeline_mode<synchronous>, transform_indices = @transform_7, window_bounds = array<i64: 128, 128>}, {transform_indices = @transform_8, window_bounds = array<i64: 16000, 128>}, {pipeline_mode = #tpu.pipeline_mode<synchronous>, transform_indices = @transform_9, window_bounds = array<i64: 10000, 128>}, {pipeline_mode = #tpu.pipeline_mode<synchronous>, transform_indices = @transform_10, window_bounds = array<i64: 10000, 128>}]} {
    %get3A = arith.constant 0 : index
    %get3A_0 = arith.constant 0 : index
    %get3A_1 = vector.load %arg3[%get3A, %get3A_0] : memref<1x128xf32, #tpu.memory_space<vmem>>, vector<1x128xf32>
    %get3A_2 = arith.constant 0 : index
    %get3A_3 = arith.constant 0 : index
    %get3A_4 = vector.load %arg4[%get3A_2, %get3A_3] : memref<128x128xf32, #tpu.memory_space<vmem>>, vector<128x128xf32>
    %dot_general3A = arith.constant dense<0.000000e+00> : vector<1x128xf32>
    %dot_general3A_5 = tpu.matmul %get3A_1, %get3A_4, %dot_general3A {dimension_numbers = #tpu.dot_dimension_numbers<[1], [0], [0], [1], [0, 0, 1, 1], [], []>, transpose_lhs_hint = false} : vector<1x128xf32>, vector<128x128xf32>, vector<1x128xf32> -> vector<1x128xf32>
    %get3A_6 = arith.constant 0 : index
    %get3A_7 = arith.constant 0 : index
    %get3A_8 = vector.load %arg5[%get3A_6, %get3A_7] : memref<1x128xf32, #tpu.memory_space<vmem>>, vector<1x128xf32>
    %add3A = arith.addf %dot_general3A_5, %get3A_8 : vector<1x128xf32>
    %get3A_9 = arith.constant 0 : index
    %get3A_10 = arith.constant 0 : index
    %get3A_11 = vector.load %arg1[%get3A_9, %get3A_10] : memref<16x16000xf32, #tpu.memory_space<vmem>>, vector<16x16000xf32>
    %get3A_12 = arith.constant 0 : index
    %get3A_13 = arith.constant 0 : index
    %get3A_14 = vector.load %arg2[%get3A_12, %get3A_13] : memref<16x128xf32, #tpu.memory_space<vmem>>, vector<16x128xf32>
    %dot_general3A_15 = arith.constant dense<0.000000e+00> : vector<16000x128xf32>
    %dot_general3A_16 = tpu.matmul %get3A_11, %get3A_14, %dot_general3A_15 {dimension_numbers = #tpu.dot_dimension_numbers<[0], [0], [1], [1], [0, 1, 1, 1], [], []>, transpose_lhs_hint = false} : vector<16x16000xf32>, vector<16x128xf32>, vector<16000x128xf32> -> vector<16000x128xf32>
    %add3A_17 = vector.broadcast %add3A : vector<1x128xf32> to vector<16000x128xf32>
    %add3A_18 = arith.addf %dot_general3A_16, %add3A_17 : vector<16000x128xf32>
    %swap3A = arith.constant 0 : index
    %swap3A_19 = arith.constant 0 : index
    %swap3A_20 = vector.load %arg9[%swap3A, %swap3A_19] : memref<16000x128xf32, #tpu.memory_space<vmem>>, vector<16000x128xf32>
    tpu.vector_store %arg9[%swap3A, %swap3A_19], %add3A_18 {strides = array<i32>} : memref<16000x128xf32, #tpu.memory_space<vmem>>, vector<16000x128xf32>,
    %eq3A = arith.constant 0 : i32
    %eq3A_21 = arith.cmpi eq, %arg0, %eq3A : i32
    %convert_element_type3A = arith.extui %eq3A_21 : i1 to i32
    %cond3A = arith.constant 0 : i32
    %cond3A_22 = arith.cmpi ne, %convert_element_type3A, %cond3A : i32
    scf.if %cond3A_22 {
      %get3A_23 = arith.constant 0 : index
      %get3A_24 = arith.constant 0 : index
      %get3A_25 = vector.load %arg6[%get3A_23, %get3A_24] : memref<10000x128xf32, #tpu.memory_space<vmem>>, vector<10000x128xf32>
      %get3A_26 = arith.constant 0 : index
      %get3A_27 = arith.constant 0 : index
      %get3A_28 = vector.load %arg7[%get3A_26, %get3A_27] : memref<128x128xf32, #tpu.memory_space<vmem>>, vector<128x128xf32>
      %dot_general3A_29 = arith.constant dense<0.000000e+00> : vector<10000x128xf32>
      %dot_general3A_30 = tpu.matmul %get3A_25, %get3A_28, %dot_general3A_29 {dimension_numbers = #tpu.dot_dimension_numbers<[1], [0], [0], [1], [0, 0, 1, 1], [], []>, transpose_lhs_hint = false} : vector<10000x128xf32>, vector<128x128xf32>, vector<10000x128xf32> -> vector<10000x128xf32>
      %swap3A_31 = arith.constant 0 : index
      %swap3A_32 = arith.constant 0 : index
      %swap3A_33 = vector.load %arg10[%swap3A_31, %swap3A_32] : memref<10000x128xf32, #tpu.memory_space<vmem>>, vector<10000x128xf32>
      tpu.vector_store %arg10[%swap3A_31, %swap3A_32], %dot_general3A_30 {strides = array<i32>} : memref<10000x128xf32, #tpu.memory_space<vmem>>, vector<10000x128xf32>,
      %get3A_34 = arith.constant 0 : index
      %get3A_35 = arith.constant 0 : index
      %get3A_36 = vector.load %arg8[%get3A_34, %get3A_35] : memref<128x128xf32, #tpu.memory_space<vmem>>, vector<128x128xf32>
      %dot_general3A_37 = arith.constant dense<0.000000e+00> : vector<10000x128xf32>
      %dot_general3A_38 = tpu.matmul %get3A_25, %get3A_36, %dot_general3A_37 {dimension_numbers = #tpu.dot_dimension_numbers<[1], [0], [0], [1], [0, 0, 1, 1], [], []>, transpose_lhs_hint = false} : vector<10000x128xf32>, vector<128x128xf32>, vector<10000x128xf32> -> vector<10000x128xf32>
      %swap3A_39 = arith.constant 0 : index
      %swap3A_40 = arith.constant 0 : index
      %swap3A_41 = vector.load %arg11[%swap3A_39, %swap3A_40] : memref<10000x128xf32, #tpu.memory_space<vmem>>, vector<10000x128xf32>
      tpu.vector_store %arg11[%swap3A_39, %swap3A_40], %dot_general3A_38 {strides = array<i32>} : memref<10000x128xf32, #tpu.memory_space<vmem>>, vector<10000x128xf32>,
    } else {
    }
    return
  }
  func.func @transform_0(%arg0: i32) -> (i32, i32) {
    %c0_i32 = arith.constant 0 : i32
    %c0_i32_0 = arith.constant 0 : i32
    return %c0_i32, %arg0 : i32, i32
  }
  func.func @transform_1(%arg0: i32) -> (i32, i32) {
    %c0_i32 = arith.constant 0 : i32
    %c0_i32_0 = arith.constant 0 : i32
    %c0_i32_1 = arith.constant 0 : i32
    return %c0_i32, %c0_i32_0 : i32, i32
  }
  func.func @transform_2(%arg0: i32) -> (i32, i32) {
    %c0_i32 = arith.constant 0 : i32
    %c0_i32_0 = arith.constant 0 : i32
    %c0_i32_1 = arith.constant 0 : i32
    return %c0_i32, %c0_i32_0 : i32, i32
  }
  func.func @transform_3(%arg0: i32) -> (i32, i32) {
    %c0_i32 = arith.constant 0 : i32
    %c0_i32_0 = arith.constant 0 : i32
    %c0_i32_1 = arith.constant 0 : i32
    return %c0_i32, %c0_i32_0 : i32, i32
  }
  func.func @transform_4(%arg0: i32) -> (i32, i32) {
    %c0_i32 = arith.constant 0 : i32
    %c0_i32_0 = arith.constant 0 : i32
    %c0_i32_1 = arith.constant 0 : i32
    return %c0_i32, %c0_i32_0 : i32, i32
  }
  func.func @transform_5(%arg0: i32) -> (i32, i32) {
    %c0_i32 = arith.constant 0 : i32
    %c0_i32_0 = arith.constant 0 : i32
    %c0_i32_1 = arith.constant 0 : i32
    return %c0_i32, %c0_i32_0 : i32, i32
  }
  func.func @transform_6(%arg0: i32) -> (i32, i32) {
    %c0_i32 = arith.constant 0 : i32
    %c0_i32_0 = arith.constant 0 : i32
    %c0_i32_1 = arith.constant 0 : i32
    return %c0_i32, %c0_i32_0 : i32, i32
  }
  func.func @transform_7(%arg0: i32) -> (i32, i32) {
    %c0_i32 = arith.constant 0 : i32
    %c0_i32_0 = arith.constant 0 : i32
    %c0_i32_1 = arith.constant 0 : i32
    return %c0_i32, %c0_i32_0 : i32, i32
  }
  func.func @transform_8(%arg0: i32) -> (i32, i32) {
    %c0_i32 = arith.constant 0 : i32
    %c0_i32_0 = arith.constant 0 : i32
    return %arg0, %c0_i32 : i32, i32
  }
  func.func @transform_9(%arg0: i32) -> (i32, i32) {
    %c0_i32 = arith.constant 0 : i32
    %c0_i32_0 = arith.constant 0 : i32
    %c0_i32_1 = arith.constant 0 : i32
    return %c0_i32, %c0_i32_0 : i32, i32
  }
  func.func @transform_10(%arg0: i32) -> (i32, i32) {
    %c0_i32 = arith.constant 0 : i32
    %c0_i32_0 = arith.constant 0 : i32
    %c0_i32_1 = arith.constant 0 : i32
    return %c0_i32, %c0_i32_0 : i32, i32
  }
}

module attributes {stable_mosaic.version = 14 : i64} {
  func.func @_node_glob_kernel(%arg0: i32, %arg1: memref<1000x128xf32, #tpu.memory_space<vmem>>, %arg2: memref<2x1000x128xf32, #tpu.memory_space<vmem>>, %arg3: memref<2x1000x128xf32, #tpu.memory_space<vmem>>, %arg4: memref<1x128xf32, #tpu.memory_space<vmem>>, %arg5: memref<128x128xf32, #tpu.memory_space<vmem>>, %arg6: memref<128x128xf32, #tpu.memory_space<vmem>>, %arg7: memref<128x128xf32, #tpu.memory_space<vmem>>, %arg8: memref<128x128xf32, #tpu.memory_space<vmem>>, %arg9: memref<1x128xf32, #tpu.memory_space<vmem>>, %arg10: memref<128x128xf32, #tpu.memory_space<vmem>>, %arg11: memref<128x128xf32, #tpu.memory_space<vmem>>, %arg12: memref<128x128xf32, #tpu.memory_space<vmem>>, %arg13: memref<1x128xf32, #tpu.memory_space<vmem>>, %arg14: memref<1000x128xf32, #tpu.memory_space<vmem>>, %arg15: memref<1x128xf32, #tpu.memory_space<vmem>>, %arg16: memref<1x128xf32, #tpu.memory_space<vmem>>, %arg17: memref<1x128xf32, #tpu.memory_space<vmem>>) attributes {dimension_semantics = [#tpu.dimension_semantics<arbitrary>], iteration_bounds = array<i64: 10>, scalar_prefetch = 0 : i64, scratch_operands = 2 : i64, tpu.core_type = #tpu.core_type<tc>, window_params = [{transform_indices = @transform_0, window_bounds = array<i64: 1000, 128>}, {transform_indices = @transform_1, window_bounds = array<i64: 2, 1000, 128>}, {transform_indices = @transform_2, window_bounds = array<i64: 2, 1000, 128>}, {pipeline_mode = #tpu.pipeline_mode<synchronous>, transform_indices = @transform_3, window_bounds = array<i64: 1, 128>}, {pipeline_mode = #tpu.pipeline_mode<synchronous>, transform_indices = @transform_4, window_bounds = array<i64: 128, 128>}, {pipeline_mode = #tpu.pipeline_mode<synchronous>, transform_indices = @transform_5, window_bounds = array<i64: 128, 128>}, {pipeline_mode = #tpu.pipeline_mode<synchronous>, transform_indices = @transform_6, window_bounds = array<i64: 128, 128>}, {pipeline_mode = #tpu.pipeline_mode<synchronous>, transform_indices = @transform_7, window_bounds = array<i64: 128, 128>}, {pipeline_mode = #tpu.pipeline_mode<synchronous>, transform_indices = @transform_8, window_bounds = array<i64: 1, 128>}, {pipeline_mode = #tpu.pipeline_mode<synchronous>, transform_indices = @transform_9, window_bounds = array<i64: 128, 128>}, {pipeline_mode = #tpu.pipeline_mode<synchronous>, transform_indices = @transform_10, window_bounds = array<i64: 128, 128>}, {pipeline_mode = #tpu.pipeline_mode<synchronous>, transform_indices = @transform_11, window_bounds = array<i64: 128, 128>}, {pipeline_mode = #tpu.pipeline_mode<synchronous>, transform_indices = @transform_12, window_bounds = array<i64: 1, 128>}, {transform_indices = @transform_13, window_bounds = array<i64: 1000, 128>}, {pipeline_mode = #tpu.pipeline_mode<synchronous>, transform_indices = @transform_14, window_bounds = array<i64: 1, 128>}]} {
    %get3A = arith.constant 0 : index
    %get3A_0 = arith.constant 0 : index
    %get3A_1 = arith.constant 0 : index
    %get3A_2 = vector.load %arg2[%get3A, %get3A_0, %get3A_1] : memref<2x1000x128xf32, #tpu.memory_space<vmem>>, vector<1x1000x128xf32>
    %get3A_3 = vector.shape_cast %get3A_2 : vector<1x1000x128xf32> to vector<1000x128xf32>
    %get3A_4 = arith.constant 1 : index
    %get3A_5 = arith.constant 0 : index
    %get3A_6 = arith.constant 0 : index
    %get3A_7 = vector.load %arg2[%get3A_4, %get3A_5, %get3A_6] : memref<2x1000x128xf32, #tpu.memory_space<vmem>>, vector<1x1000x128xf32>
    %get3A_8 = vector.shape_cast %get3A_7 : vector<1x1000x128xf32> to vector<1000x128xf32>
    %add3A = arith.addf %get3A_3, %get3A_8 : vector<1000x128xf32>
    %get3A_9 = arith.constant 0 : index
    %get3A_10 = arith.constant 0 : index
    %get3A_11 = arith.constant 0 : index
    %get3A_12 = vector.load %arg3[%get3A_9, %get3A_10, %get3A_11] : memref<2x1000x128xf32, #tpu.memory_space<vmem>>, vector<1x1000x128xf32>
    %get3A_13 = vector.shape_cast %get3A_12 : vector<1x1000x128xf32> to vector<1000x128xf32>
    %get3A_14 = arith.constant 1 : index
    %get3A_15 = arith.constant 0 : index
    %get3A_16 = arith.constant 0 : index
    %get3A_17 = vector.load %arg3[%get3A_14, %get3A_15, %get3A_16] : memref<2x1000x128xf32, #tpu.memory_space<vmem>>, vector<1x1000x128xf32>
    %get3A_18 = vector.shape_cast %get3A_17 : vector<1x1000x128xf32> to vector<1000x128xf32>
    %add3A_19 = arith.addf %get3A_13, %get3A_18 : vector<1000x128xf32>
    %get3A_20 = arith.constant 0 : index
    %get3A_21 = arith.constant 0 : index
    %get3A_22 = vector.load %arg4[%get3A_20, %get3A_21] : memref<1x128xf32, #tpu.memory_space<vmem>>, vector<1x128xf32>
    %get3A_23 = arith.constant 0 : index
    %get3A_24 = arith.constant 0 : index
    %get3A_25 = vector.load %arg8[%get3A_23, %get3A_24] : memref<128x128xf32, #tpu.memory_space<vmem>>, vector<128x128xf32>
    %dot_general3A = arith.constant dense<0.000000e+00> : vector<1x128xf32>
    %dot_general3A_26 = tpu.matmul %get3A_22, %get3A_25, %dot_general3A {dimension_numbers = #tpu.dot_dimension_numbers<[1], [0], [0], [1], [0, 0, 1, 1], [], []>, transpose_lhs_hint = false} : vector<1x128xf32>, vector<128x128xf32>, vector<1x128xf32> -> vector<1x128xf32>
    %get3A_27 = arith.constant 0 : index
    %get3A_28 = arith.constant 0 : index
    %get3A_29 = vector.load %arg9[%get3A_27, %get3A_28] : memref<1x128xf32, #tpu.memory_space<vmem>>, vector<1x128xf32>
    %add3A_30 = arith.addf %dot_general3A_26, %get3A_29 : vector<1x128xf32>
    %get3A_31 = arith.constant 0 : index
    %get3A_32 = arith.constant 0 : index
    %get3A_33 = vector.load %arg1[%get3A_31, %get3A_32] : memref<1000x128xf32, #tpu.memory_space<vmem>>, vector<1000x128xf32>
    %get3A_34 = arith.constant 0 : index
    %get3A_35 = arith.constant 0 : index
    %get3A_36 = vector.load %arg5[%get3A_34, %get3A_35] : memref<128x128xf32, #tpu.memory_space<vmem>>, vector<128x128xf32>
    %dot_general3A_37 = arith.constant dense<0.000000e+00> : vector<1000x128xf32>
    %dot_general3A_38 = tpu.matmul %get3A_33, %get3A_36, %dot_general3A_37 {dimension_numbers = #tpu.dot_dimension_numbers<[1], [0], [0], [1], [0, 0, 1, 1], [], []>, transpose_lhs_hint = false} : vector<1000x128xf32>, vector<128x128xf32>, vector<1000x128xf32> -> vector<1000x128xf32>
    %get3A_39 = arith.constant 0 : index
    %get3A_40 = arith.constant 0 : index
    %get3A_41 = vector.load %arg6[%get3A_39, %get3A_40] : memref<128x128xf32, #tpu.memory_space<vmem>>, vector<128x128xf32>
    %dot_general3A_42 = arith.constant dense<0.000000e+00> : vector<1000x128xf32>
    %dot_general3A_43 = tpu.matmul %add3A, %get3A_41, %dot_general3A_42 {dimension_numbers = #tpu.dot_dimension_numbers<[1], [0], [0], [1], [0, 0, 1, 1], [], []>, transpose_lhs_hint = false} : vector<1000x128xf32>, vector<128x128xf32>, vector<1000x128xf32> -> vector<1000x128xf32>
    %add3A_44 = arith.addf %dot_general3A_38, %dot_general3A_43 : vector<1000x128xf32>
    %get3A_45 = arith.constant 0 : index
    %get3A_46 = arith.constant 0 : index
    %get3A_47 = vector.load %arg7[%get3A_45, %get3A_46] : memref<128x128xf32, #tpu.memory_space<vmem>>, vector<128x128xf32>
    %dot_general3A_48 = arith.constant dense<0.000000e+00> : vector<1000x128xf32>
    %dot_general3A_49 = tpu.matmul %add3A_19, %get3A_47, %dot_general3A_48 {dimension_numbers = #tpu.dot_dimension_numbers<[1], [0], [0], [1], [0, 0, 1, 1], [], []>, transpose_lhs_hint = false} : vector<1000x128xf32>, vector<128x128xf32>, vector<1000x128xf32> -> vector<1000x128xf32>
    %add3A_50 = arith.addf %add3A_44, %dot_general3A_49 : vector<1000x128xf32>
    %add3A_51 = vector.broadcast %add3A_30 : vector<1x128xf32> to vector<1000x128xf32>
    %add3A_52 = arith.addf %add3A_50, %add3A_51 : vector<1000x128xf32>
    %max3A = arith.constant 0.000000e+00 : f32
    %max3A_53 = vector.broadcast %max3A : f32 to vector<1000x128xf32>
    %max3A_54 = arith.maximumf %add3A_52, %max3A_53 : vector<1000x128xf32>
    %swap3A = arith.constant 0 : index
    %swap3A_55 = arith.constant 0 : index
    %swap3A_56 = vector.load %arg14[%swap3A, %swap3A_55] : memref<1000x128xf32, #tpu.memory_space<vmem>>, vector<1000x128xf32>
    tpu.vector_store %arg14[%swap3A, %swap3A_55], %max3A_54 {strides = array<i32>} : memref<1000x128xf32, #tpu.memory_space<vmem>>, vector<1000x128xf32>,
    %eq3A = arith.constant 0 : i32
    %eq3A_57 = arith.cmpi eq, %arg0, %eq3A : i32
    %convert_element_type3A = arith.extui %eq3A_57 : i1 to i32
    %cond3A = arith.constant 0 : i32
    %cond3A_58 = arith.cmpi ne, %convert_element_type3A, %cond3A : i32
    scf.if %cond3A_58 {
      %broadcast_in_dim3A_82 = arith.constant 0.000000e+00 : f32
      %broadcast_in_dim3A_83 = vector.broadcast %broadcast_in_dim3A_82 : f32 to vector<1x128xf32>
      %swap3A_84 = arith.constant 0 : index
      %swap3A_85 = arith.constant 0 : index
      %swap3A_86 = vector.load %arg16[%swap3A_84, %swap3A_85] : memref<1x128xf32, #tpu.memory_space<vmem>>, vector<1x128xf32>
      tpu.vector_store %arg16[%swap3A_84, %swap3A_85], %broadcast_in_dim3A_83 {strides = array<i32>} : memref<1x128xf32, #tpu.memory_space<vmem>>, vector<1x128xf32>,
      %broadcast_in_dim3A_87 = arith.constant 0.000000e+00 : f32
      %broadcast_in_dim3A_88 = vector.broadcast %broadcast_in_dim3A_87 : f32 to vector<1x128xf32>
      %swap3A_89 = arith.constant 0 : index
      %swap3A_90 = arith.constant 0 : index
      %swap3A_91 = vector.load %arg17[%swap3A_89, %swap3A_90] : memref<1x128xf32, #tpu.memory_space<vmem>>, vector<1x128xf32>
      tpu.vector_store %arg17[%swap3A_89, %swap3A_90], %broadcast_in_dim3A_88 {strides = array<i32>} : memref<1x128xf32, #tpu.memory_space<vmem>>, vector<1x128xf32>,
    } else {
    }
    %get3A_59 = arith.constant 0 : index
    %get3A_60 = arith.constant 0 : index
    %get3A_61 = vector.load %arg16[%get3A_59, %get3A_60] : memref<1x128xf32, #tpu.memory_space<vmem>>, vector<1x128xf32>
    %reduce_sum3A = arith.constant dense<0.000000e+00> : vector<128xf32>
    %reduce_sum3A_62 = vector.multi_reduction <add>, %max3A_54, %reduce_sum3A [0] : vector<1000x128xf32> to vector<128xf32>
    %broadcast_in_dim3A = vector.shape_cast %reduce_sum3A_62 : vector<128xf32> to vector<1x128xf32>
    %add3A_63 = arith.addf %get3A_61, %broadcast_in_dim3A : vector<1x128xf32>
    %swap3A_64 = arith.constant 0 : index
    %swap3A_65 = arith.constant 0 : index
    %swap3A_66 = vector.load %arg16[%swap3A_64, %swap3A_65] : memref<1x128xf32, #tpu.memory_space<vmem>>, vector<1x128xf32>
    tpu.vector_store %arg16[%swap3A_64, %swap3A_65], %add3A_63 {strides = array<i32>} : memref<1x128xf32, #tpu.memory_space<vmem>>, vector<1x128xf32>,
    %get3A_67 = arith.constant 0 : index
    %get3A_68 = arith.constant 0 : index
    %get3A_69 = vector.load %arg17[%get3A_67, %get3A_68] : memref<1x128xf32, #tpu.memory_space<vmem>>, vector<1x128xf32>
    %reduce_sum3A_70 = arith.constant dense<0.000000e+00> : vector<128xf32>
    %reduce_sum3A_71 = vector.multi_reduction <add>, %add3A, %reduce_sum3A_70 [0] : vector<1000x128xf32> to vector<128xf32>
    %broadcast_in_dim3A_72 = vector.shape_cast %reduce_sum3A_71 : vector<128xf32> to vector<1x128xf32>
    %add3A_73 = arith.addf %get3A_69, %broadcast_in_dim3A_72 : vector<1x128xf32>
    %swap3A_74 = arith.constant 0 : index
    %swap3A_75 = arith.constant 0 : index
    %swap3A_76 = vector.load %arg17[%swap3A_74, %swap3A_75] : memref<1x128xf32, #tpu.memory_space<vmem>>, vector<1x128xf32>
    tpu.vector_store %arg17[%swap3A_74, %swap3A_75], %add3A_73 {strides = array<i32>} : memref<1x128xf32, #tpu.memory_space<vmem>>, vector<1x128xf32>,
    %eq3A_77 = arith.constant 9 : i32
    %eq3A_78 = arith.cmpi eq, %arg0, %eq3A_77 : i32
    %convert_element_type3A_79 = arith.extui %eq3A_78 : i1 to i32
    %cond3A_80 = arith.constant 0 : i32
    %cond3A_81 = arith.cmpi ne, %convert_element_type3A_79, %cond3A_80 : i32
    scf.if %cond3A_81 {
      %get3A_82 = arith.constant 0 : index
      %get3A_83 = arith.constant 0 : index
      %get3A_84 = vector.load %arg16[%get3A_82, %get3A_83] : memref<1x128xf32, #tpu.memory_space<vmem>>, vector<1x128xf32>
      %get3A_85 = arith.constant 0 : index
      %get3A_86 = arith.constant 0 : index
      %get3A_87 = vector.load %arg10[%get3A_85, %get3A_86] : memref<128x128xf32, #tpu.memory_space<vmem>>, vector<128x128xf32>
      %dot_general3A_88 = arith.constant dense<0.000000e+00> : vector<1x128xf32>
      %dot_general3A_89 = tpu.matmul %get3A_84, %get3A_87, %dot_general3A_88 {dimension_numbers = #tpu.dot_dimension_numbers<[1], [0], [0], [1], [0, 0, 1, 1], [], []>, transpose_lhs_hint = false} : vector<1x128xf32>, vector<128x128xf32>, vector<1x128xf32> -> vector<1x128xf32>
      %get3A_90 = arith.constant 0 : index
      %get3A_91 = arith.constant 0 : index
      %get3A_92 = vector.load %arg17[%get3A_90, %get3A_91] : memref<1x128xf32, #tpu.memory_space<vmem>>, vector<1x128xf32>
      %get3A_93 = arith.constant 0 : index
      %get3A_94 = arith.constant 0 : index
      %get3A_95 = vector.load %arg11[%get3A_93, %get3A_94] : memref<128x128xf32, #tpu.memory_space<vmem>>, vector<128x128xf32>
      %dot_general3A_96 = arith.constant dense<0.000000e+00> : vector<1x128xf32>
      %dot_general3A_97 = tpu.matmul %get3A_92, %get3A_95, %dot_general3A_96 {dimension_numbers = #tpu.dot_dimension_numbers<[1], [0], [0], [1], [0, 0, 1, 1], [], []>, transpose_lhs_hint = false} : vector<1x128xf32>, vector<128x128xf32>, vector<1x128xf32> -> vector<1x128xf32>
      %add3A_98 = arith.addf %dot_general3A_89, %dot_general3A_97 : vector<1x128xf32>
      %get3A_99 = arith.constant 0 : index
      %get3A_100 = arith.constant 0 : index
      %get3A_101 = vector.load %arg4[%get3A_99, %get3A_100] : memref<1x128xf32, #tpu.memory_space<vmem>>, vector<1x128xf32>
      %get3A_102 = arith.constant 0 : index
      %get3A_103 = arith.constant 0 : index
      %get3A_104 = vector.load %arg12[%get3A_102, %get3A_103] : memref<128x128xf32, #tpu.memory_space<vmem>>, vector<128x128xf32>
      %dot_general3A_105 = arith.constant dense<0.000000e+00> : vector<1x128xf32>
      %dot_general3A_106 = tpu.matmul %get3A_101, %get3A_104, %dot_general3A_105 {dimension_numbers = #tpu.dot_dimension_numbers<[1], [0], [0], [1], [0, 0, 1, 1], [], []>, transpose_lhs_hint = false} : vector<1x128xf32>, vector<128x128xf32>, vector<1x128xf32> -> vector<1x128xf32>
      %add3A_107 = arith.addf %add3A_98, %dot_general3A_106 : vector<1x128xf32>
      %get3A_108 = arith.constant 0 : index
      %get3A_109 = arith.constant 0 : index
      %get3A_110 = vector.load %arg13[%get3A_108, %get3A_109] : memref<1x128xf32, #tpu.memory_space<vmem>>, vector<1x128xf32>
      %add3A_111 = arith.addf %add3A_107, %get3A_110 : vector<1x128xf32>
      %max3A_112 = arith.constant 0.000000e+00 : f32
      %max3A_113 = vector.broadcast %max3A_112 : f32 to vector<1x128xf32>
      %max3A_114 = arith.maximumf %add3A_111, %max3A_113 : vector<1x128xf32>
      %swap3A_115 = arith.constant 0 : index
      %swap3A_116 = arith.constant 0 : index
      %swap3A_117 = vector.load %arg15[%swap3A_115, %swap3A_116] : memref<1x128xf32, #tpu.memory_space<vmem>>, vector<1x128xf32>
      tpu.vector_store %arg15[%swap3A_115, %swap3A_116], %max3A_114 {strides = array<i32>} : memref<1x128xf32, #tpu.memory_space<vmem>>, vector<1x128xf32>,
    } else {
    }
    return
  }
  func.func @transform_0(%arg0: i32) -> (i32, i32) {
    %c0_i32 = arith.constant 0 : i32
    %c0_i32_0 = arith.constant 0 : i32
    return %arg0, %c0_i32 : i32, i32
  }
  func.func @transform_1(%arg0: i32) -> (i32, i32, i32) {
    %c0_i32 = arith.constant 0 : i32
    %c0_i32_0 = arith.constant 0 : i32
    %c0_i32_1 = arith.constant 0 : i32
    return %c0_i32, %arg0, %c0_i32_0 : i32, i32, i32
  }
  func.func @transform_2(%arg0: i32) -> (i32, i32, i32) {
    %c0_i32 = arith.constant 0 : i32
    %c0_i32_0 = arith.constant 0 : i32
    %c0_i32_1 = arith.constant 0 : i32
    return %c0_i32, %arg0, %c0_i32_0 : i32, i32, i32
  }
  func.func @transform_3(%arg0: i32) -> (i32, i32) {
    %c0_i32 = arith.constant 0 : i32
    %c0_i32_0 = arith.constant 0 : i32
    %c0_i32_1 = arith.constant 0 : i32
    return %c0_i32, %c0_i32_0 : i32, i32
  }
  func.func @transform_4(%arg0: i32) -> (i32, i32) {
    %c0_i32 = arith.constant 0 : i32
    %c0_i32_0 = arith.constant 0 : i32
    %c0_i32_1 = arith.constant 0 : i32
    return %c0_i32, %c0_i32_0 : i32, i32
  }
  func.func @transform_5(%arg0: i32) -> (i32, i32) {
    %c0_i32 = arith.constant 0 : i32
    %c0_i32_0 = arith.constant 0 : i32
    %c0_i32_1 = arith.constant 0 : i32
    return %c0_i32, %c0_i32_0 : i32, i32
  }
  func.func @transform_6(%arg0: i32) -> (i32, i32) {
    %c0_i32 = arith.constant 0 : i32
    %c0_i32_0 = arith.constant 0 : i32
    %c0_i32_1 = arith.constant 0 : i32
    return %c0_i32, %c0_i32_0 : i32, i32
  }
  func.func @transform_7(%arg0: i32) -> (i32, i32) {
    %c0_i32 = arith.constant 0 : i32
    %c0_i32_0 = arith.constant 0 : i32
    %c0_i32_1 = arith.constant 0 : i32
    return %c0_i32, %c0_i32_0 : i32, i32
  }
  func.func @transform_8(%arg0: i32) -> (i32, i32) {
    %c0_i32 = arith.constant 0 : i32
    %c0_i32_0 = arith.constant 0 : i32
    %c0_i32_1 = arith.constant 0 : i32
    return %c0_i32, %c0_i32_0 : i32, i32
  }
  func.func @transform_9(%arg0: i32) -> (i32, i32) {
    %c0_i32 = arith.constant 0 : i32
    %c0_i32_0 = arith.constant 0 : i32
    %c0_i32_1 = arith.constant 0 : i32
    return %c0_i32, %c0_i32_0 : i32, i32
  }
  func.func @transform_10(%arg0: i32) -> (i32, i32) {
    %c0_i32 = arith.constant 0 : i32
    %c0_i32_0 = arith.constant 0 : i32
    %c0_i32_1 = arith.constant 0 : i32
    return %c0_i32, %c0_i32_0 : i32, i32
  }
  func.func @transform_11(%arg0: i32) -> (i32, i32) {
    %c0_i32 = arith.constant 0 : i32
    %c0_i32_0 = arith.constant 0 : i32
    %c0_i32_1 = arith.constant 0 : i32
    return %c0_i32, %c0_i32_0 : i32, i32
  }
  func.func @transform_12(%arg0: i32) -> (i32, i32) {
    %c0_i32 = arith.constant 0 : i32
    %c0_i32_0 = arith.constant 0 : i32
    %c0_i32_1 = arith.constant 0 : i32
    return %c0_i32, %c0_i32_0 : i32, i32
  }
  func.func @transform_13(%arg0: i32) -> (i32, i32) {
    %c0_i32 = arith.constant 0 : i32
    %c0_i32_0 = arith.constant 0 : i32
    return %arg0, %c0_i32 : i32, i32
  }
  func.func @transform_14(%arg0: i32) -> (i32, i32) {
    %c0_i32 = arith.constant 0 : i32
    %c0_i32_0 = arith.constant 0 : i32
    %c0_i32_1 = arith.constant 0 : i32
    return %c0_i32, %c0_i32_0 : i32, i32
  }
}

</mosaic_0001>

<sc_bundles>
// kernel: kernel.6.cloned.1.call-start
scs
__scs_entry_jumppad:
0x0: {  	(pc) =	sbr.rel $0x88, $3  }
0x1: {  	(tag) =	ssettag $0x0;
	lr =	simm.s32 $0x1  }
0x2: {  	[smem:$0x3F96] =	sst lr;
	_ =	strace $0xD0000000  }
0x3: {  	_ = 	snop  }
0x4: {  	_ = 	snop  }
0x5: {  	_ = 	snop  }
0x6: {  	_ = 	snop  }
0x7: {  	_ = 	snop  }
__scs_overlays_trampoline_lowered:
0x8: {  	[smem:$0x3FA5] =	sst s0  }
0x9: {  	[smem:$0x3FA6] =	sst s1  }
0xa: {  	[smem:$0x3FA7] =	sst s2  }
0xb: {  	[smem:$0x3FA8] =	sst s3  }
0xc: {  	[smem:$0x3FA9] =	sst s4  }
0xd: {  	[smem:$0x3FAA] =	sst s5  }
0xe: {  	[smem:$0x3FAB] =	sst s6  }
0xf: {  	[smem:$0x3FAC] =	sst s7  }
0x10: {  	[smem:$0x3FAD] =	sst s8  }
0x11: {  	[smem:$0x3FAE] =	sst s9;
	s0 =	simm.s32 @!p0 $0x0  }
0x12: {  	s1 =	sld [smem:$0x3F94];
	s0 =	simm.s32 @p0 $0x1  }
0x13: {  	[smem:$0x3FAF] =	sst s0;
	s0 =	simm.s32 @!p1 $0x0  }
0x14: {  	s2 =	sld [smem:$0x3F93];
	s0 =	simm.s32 @p1 $0x1  }
0x15: {  	[smem:$0x3FB0] =	sst s0;
	s0 =	simm.s32 @!p2 $0x0  }
0x16: {  	s3 =	sld [smem:$0x3FDB];
	s0 =	simm.s32 @p2 $0x1  }
0x17: {  	s4 =	simm.s32 $0x1BF5;
	[smem:$0x3FB2] =	sst s0  }
0x18: {  	s0 =	sld [smem:$0x3F95];
	_ =	swait.ge [sflag:s4], $0x0  }
0x19: {  	s7 =	sld [smem:$0x3F96]  }
0x1a: {  	s8 =	sadd.s32 $0xFFFFE003, lr  }
0x1b: {  	s9 =	sadd.s32 $0xFFFFFEF7, lr;
	s5 =	simm.s32 $0xFFFFFFFF;
	p2 =	slt.u32 s8, $0xFFFFF086  }
0x1c: {  	p1 =	slt.u32 s9, $0xF7A;
	s5 =	simm.s32 @!p2 $0x0  }
0x1d: {  	s5 =	simm.s32 @p1 $0x1;
	p0 =	seq.s32 s7, s2  }
0x1e: {  	s7 =	smul.u32 @!p0 $0xF7A, s2;
	p2 =	seq.s32 @!p0 s5, $0x0  }
0x1f: {  	s9 =	smul.u32 $0xF7A, s1;
	s8 =	simm.s32 @!p0 $0x1BF5;
	p2 =	por !p2, p0  }
0x20: {  	[sflag:s8] =	ssyncset.s32 @!p0 $0xFFFFF086;
	s6 =	sadd.s32 @!p0 s3, s7;
	s7 =	simm.s32 @!p0 $0x108  }
0x21: {  	s3 =	sadd.s32 s3, s9;
	s6 =	sadd.s32 @!p0 $0x88, s6;
	s7 =	simm.s32 @p2 $0x1082  }
0x22: {  	[simem:s7], [sflag:s8] =	dma.local @!p0 [hbm:s6], $0xF7A  }
0x23: {  	s9 =	sor.u32 $0xD0000000, s2;
	s6 =	simm.s32 $0x108;
	_ =	swait.ge @!p0 [sflag:s8], $0x0  }
0x24: {  	s3 =	sadd.s32 $0x88, s3;
	s6 =	simm.s32 @!p1 $0x1082;
	[sflag:s4] =	ssyncset.s32 $0xFFFFF086  }
0x25: {  	[simem:s6], [sflag:s4] =	dma.local [hbm:s3], $0xF7A  }
0x26: {  	[smem:$0x3F96] =	sst s1;
	(tag) =	ssettag s2;
	_ =	strace s9  }
0x27: {  	s1 =	sld [smem:$0x3FA6]  }
0x28: {  	s2 =	sld [smem:$0x3FA7]  }
0x29: {  	s4 =	sld [smem:$0x3FA9]  }
0x2a: {  	p0 =	seq.s32 s5, $0x0;
	s5 =	sld [smem:$0x3FAA]  }
0x2b: {  	s6 =	sld [smem:$0x3FAB]  }
0x2c: {  	s7 =	sld [smem:$0x3FAC]  }
0x2d: {  	s3 =	simm.s32 $0x108;
	s8 =	sld [smem:$0x3FAD]  }
0x2e: {  	s3 =	simm.s32 @!p0 $0x1082;
	s9 =	sld [smem:$0x3FAE]  }
0x2f: {  	lr =	sadd.s32 s0, s3;
	s0 =	sld [smem:$0x3FA5]  }
0x30: {  	s3 =	sld [smem:$0x3FA8]  }
0x31: {  	[smem:$0x3FB1] =	sst s10  }
0x32: {  	s10 =	sld [smem:$0x3FAF];
	_ =	sdelay $0x3  }
0x33: {  	p0 =	seq.s32 s10, $0x1;
	s10 =	sld [smem:$0x3FB1];
	_ =	sdelay $0x3  }
0x34: {  	[smem:$0x3FB1] =	sst s10  }
0x35: {  	s10 =	sld [smem:$0x3FB0];
	_ =	sdelay $0x3  }
0x36: {  	p1 =	seq.s32 s10, $0x1;
	s10 =	sld [smem:$0x3FB1];
	_ =	sdelay $0x3  }
0x37: {  	[smem:$0x3FB1] =	sst s10  }
0x38: {  	s10 =	sld [smem:$0x3FB2]  }
0x39: {  	_ = 	snop;
	(pc) =	sbr.ind lr, $3  }
0x3a: {  	_ = 	snop  }
0x3b: {  	_ = 	snop  }
0x3c: {  	p2 =	seq.s32 s10, $0x1;
	s10 =	sld [smem:$0x3FB1]  }
0x3d: {  	_ =	shalt  }
0x3e: {  	_ =	shalt  }
0x3f: {  	_ =	shalt  }
0x40: {  	_ =	shalt  }
0x41: {  	_ =	shalt  }
0x42: {  	_ =	shalt  }
0x43: {  	_ =	shalt  }
0x44: {  	_ =	shalt  }
0x45: {  	_ =	shalt  }
0x46: {  	_ =	shalt  }
0x47: {  	_ =	shalt  }
0x48: {  	_ =	shalt  }
0x49: {  	_ =	shalt  }
0x4a: {  	_ =	shalt  }
0x4b: {  	_ =	shalt  }
0x4c: {  	_ =	shalt  }
0x4d: {  	_ =	shalt  }
0x4e: {  	_ =	shalt  }
0x4f: {  	_ =	shalt  }
0x50: {  	_ =	shalt  }
0x51: {  	_ =	shalt  }
0x52: {  	_ =	shalt  }
0x53: {  	_ =	shalt  }
0x54: {  	_ =	shalt  }
0x55: {  	_ =	shalt  }
0x56: {  	_ =	shalt  }
0x57: {  	_ =	shalt  }
0x58: {  	_ =	shalt  }
0x59: {  	_ =	shalt  }
0x5a: {  	_ =	shalt  }
0x5b: {  	_ =	shalt  }
0x5c: {  	_ =	shalt  }
0x5d: {  	_ =	shalt  }
0x5e: {  	_ =	shalt  }
0x5f: {  	_ =	shalt  }
0x60: {  	_ =	shalt  }
0x61: {  	_ =	shalt  }
0x62: {  	_ =	shalt  }
0x63: {  	_ =	shalt  }
0x64: {  	_ =	shalt  }
0x65: {  	_ =	shalt  }
0x66: {  	_ =	shalt  }
0x67: {  	_ =	shalt  }
0x68: {  	_ =	shalt  }
0x69: {  	_ =	shalt  }
0x6a: {  	_ =	shalt  }
0x6b: {  	_ =	shalt  }
0x6c: {  	_ =	shalt  }
0x6d: {  	_ =	shalt  }
0x6e: {  	_ =	shalt  }
0x6f: {  	_ =	shalt  }
0x70: {  	_ =	shalt  }
0x71: {  	_ =	shalt  }
0x72: {  	_ =	shalt  }
0x73: {  	_ =	shalt  }
0x74: {  	_ =	shalt  }
0x75: {  	_ =	shalt  }
0x76: {  	_ =	shalt  }
0x77: {  	_ =	shalt  }
0x78: {  	_ =	shalt  }
0x79: {  	_ =	shalt  }
0x7a: {  	_ =	shalt  }
0x7b: {  	_ =	shalt  }
0x7c: {  	_ =	shalt  }
0x7d: {  	_ =	shalt  }
0x7e: {  	_ =	shalt  }
0x7f: {  	_ =	shalt  }
0x80: {  	_ =	shalt  }
0x81: {  	_ =	shalt  }
0x82: {  	_ =	shalt  }
0x83: {  	_ =	shalt  }
0x84: {  	_ =	shalt  }
0x85: {  	_ =	shalt  }
0x86: {  	_ =	shalt  }
0x87: {  	_ =	shalt  }
.Lfunc_end0:
.L_simem_size_0:
called_computation_lowered:
.L_overlay_start_0:
0x88: {  	s2 =	sld [smem:$0x3FD9]  }
0x89: {  	s3 =	sld [smem:$0x3FFE];
	_ =	sdelay $0x1  }
0x8a: {  	s1 =	srdreg.scid  }
0x8b: {  	s0 =	sand.u32 $0x1, s1  }
0x8c: {  	s14 =	sshll.u32 s0, $0xA;
	s2 =	sadd.s32 s3, s2  }
0x8d: {  	s2 =	sadd.s32 s2, s14  }
0x8e: {  	[smem:$0x3FBD] =	sst s2  }
0x8f: {  	_ = 	snop  }
0x90: {  	s2 =	sld [smem:$0x3FD0];
	_ =	sdelay $0x1  }
0x91: {  	s15 =	sld [smem:$0x3FC7]  }
0x92: {  	s5 =	simm.s32 $0xA;
	s6 =	simm.s32 $0x10;
	s4 =	sld [smem:$0x3FC6]  }
0x93: {  	[smem:s6], [sflag:s5] =	dma.local [hbm:s2], $0x1  }
0x94: {  	_ =	swait.eq [sflag:s5], $0x1  }
0x95: {  	[sflag:s5] =	ssyncset.done $0x0  }
0x96: {  	s16 =	sld [smem:$0x10];
	[sflag:s5] =	ssyncadd.s32 $0xFFFFFFFF  }
0x97: {  	s17 =	sld [smem:$0x11];
	(tm) =	ssettm $0x1  }
0x98: {  	s18 =	sld [smem:$0x3FFB];
	_ =	sdelay $0x3  }
0x99: {  	_ =	strace s18  }
0x9a: {  	s6 =	sld [smem:$0x3FFC];
	_ =	sdelay $0x3  }
0x9b: {  	_ =	strace s6  }
0x9c: {  	s6 =	sld [smem:$0x3FFD];
	_ =	sdelay $0x3  }
0x9d: {  	_ =	strace s6  }
0x9e: {  	_ =	strace $0x8FFFFFFF  }
0x9f: {  	s19 =	sld [smem:$0x3FDB];
	_ =	sdelay $0x1  }
0xa0: {  	s7 =	simm.s32 $_scs_section_size  }
0xa1: {  	s8 =	simm.s32 $_size__tile_overlayer_lowered;
	s9 =	simm.s32 $_tile_overlayer_lowered  }
0xa2: {  	s22 =	simm.s32 $0x1BFF;
	s21 =	sshll.u32 s9, $0x1;
	s6 =	sadd.s32 s7, s19  }
0xa3: {  	s10 =	simm.s32 $0x0;
	s20 =	sshll.u32 s8, $0x1;
	s8 =	sadd.s32 s21, s6  }
0xa4: {  	[timem:s10], [sflag:s22] =	dma.local [hbm:s8], s20  }
0xa5: {  	_ =	swait.ge [sflag:s22], s20  }
0xa6: {  	s7 =	ssub.s32 $0x0, s20;
	[sflag:s22] =	ssyncset.done $0x0  }
0xa7: {  	[sflag:s22] =	ssyncadd.s32 s7;
	_ =	sdelay $0x1  }
0xa8: {  	s23 =	simm.s32 $0x1B8B  }
0xa9: {  	_ =	swait.ge [sflag:s23], $0x1  }
0xaa: {  	[sflag:s23] =	ssyncset.done $0x0  }
0xab: {  	s25 =	simm.s32 $0x1B8E;
	s24 =	sld [smem:$0x3FFE];
	[sflag:s23] =	ssyncadd.s32 $0xFFFFFFFF  }
0xac: {  	s26 =	simm.s32 $execute0_lowered;
	[smem:$0x3FD2] =	sst s25  }
0xad: {  	s8 =	sshll.u32 s26, $0x1;
	_ =	strace $0x80000046;
	[dreg:$0x1] =	wrdreg $0xFFFFFFFF  }
0xae: {  	s28 =	simm.s32 $_size_execute0_lowered;
	s6 =	sadd.s32 s6, s8;
	[dreg:$0x0] =	wrdreg $0x0  }
0xaf: {  	s8 =	sshll.u32 s28, $0x1;
	[dreg:$0x2] =	wrdreg s6  }
0xb0: {  	[dreg:$0x3] =	wrdreg s8  }
0xb1: {  	[dreg:$0x4] =	wrdreg $0xC0  }
0xb2: {  	_ =	task [dreg:s10], $0x5FFFF  }
0xb3: {  	[dreg:$0x1] =	wrdreg $0xFFFFFFFF  }
0xb4: {  	[dreg:$0x0] =	wrdreg $0x60  }
0xb5: {  	[dreg:$0x2] =	wrdreg s16  }
0xb6: {  	[dreg:$0x3] =	wrdreg s24  }
0xb7: {  	[dreg:$0x4] =	wrdreg s15  }
0xb8: {  	[dreg:$0x5] =	wrdreg s4  }
0xb9: {  	[dreg:$0x6] =	wrdreg s17  }
0xba: {  	[dreg:$0x7] =	wrdreg $0xC3000  }
0xbb: {  	[dreg:$0x8] =	wrdreg $0x9  }
0xbc: {  	_ =	task.clear_ibuf [dreg:s10], $0x9FFFF;
	_ =	strace $0x90000046  }
0xbd: {  	s29 =	simm.s32 $0x9;
	_ =	strace $0x80000048  }
0xbe: {  	_ =	swait.ge [sflag:s29], $0x1  }
0xbf: {  	[sflag:s29] =	ssyncadd.s32 $0xFFFFFFFF  }
0xc0: {  	_ =	strace $0x90000048  }
0xc1: {  	_ =	sfence  }
0xc2: {  	s30 =	sld [smem:$0x0];
	_ =	sdelay $0x2  }
0xc3: {  	s31 =	sshll.u32 s1, $0xD;
	s1 =	sshrl.u32 s1, $0x2  }
0xc4: {  	s3 =	sand.u32 $0x4000, s31;
	s1 =	sadd.s32 s1, s30  }
0xc5: {  	s0 =	sor.u32 s3, s0;
	s1 =	sshll.u32 s1, $0x11  }
0xc6: {  	s0 =	sor.u32 s1, s0  }
0xc7: {  	s0 =	sadd.s32 $0x8F2B, s0  }
0xc8: {  	[sflag:s0] =	ssyncadd.remote.s32 $0x1  }
0xc9: {  	_ =	sfence.sel $0xFFFF  }
0xca: {  	[dreg:$0x0] =	wrdreg $0xFFFFFFFF;
	(pc) =	sbr.abs _section_cstart, $3  }
0xcb: {  	[dreg:$0x1] =	wrdreg $0xFFFFFFFF  }
0xcc: {  	_ =	task.clear_ibuf [dreg:s10], $0x2FFFF;
	_ =	strace $0x9FFFFFFF  }
0xcd: {  	(tm) =	ssettm $0x7FFFFFFF  }
tec
execute0_lowered:
.L_overlay_start_1:
0x0: {  	(tag) =	ssettag $0x1  }
0x1: {  	s0 =	rddreg [dreg:$0x0]  }
0x2: {  	s1 =	rddreg [dreg:$0x1]  }
0x3: {  	s2 =	rddreg [dreg:$0x2]  }
0x4: {  	s3 =	rddreg [dreg:$0x3]  }
0x5: {  	s4 =	rddreg [dreg:$0x4]  }
0x6: {  	s5 =	rddreg [dreg:$0x5];
	s6 =	srdreg.scid  }
0x7: {  	s7 =	simm.s32 $0x0;
	s13 =	stileid.u32;
	s29 =	simm.s32 $0x80  }
0x8: {  	s31 =	simm.s32 $0x4300;
	s6 =	sand.u32 $0x1, s6;
	[smem:$0x7FF] =	sst s7  }
0x9: {  	s11 =	smul.u32 $0x13C00, s13;
	s8 =	sadd.s32 $0x273C00, s1;
	s9 =	sadd.s32 $0x2C00, s1  }
0xa: {  	s10 =	smul.u32 $0x13C000, s6;
	s30 =	ssub.s32 $0x2, s6;
	s6 =	sshll.u32 s6, $0x4  }
0xb: {  	_ =	strace $0x80000047;
	s12 =	sshrl.u32 s30, $0x1;
	s6 =	sor.u32 s13, s6  }
0xc: {  	s13 =	smul.u32 $0x4F000, s13;
	s10 =	sadd.s32 s11, s10;
	s14 =	ssub.s32 s30, s12  }
0xd: {  	s12 =	smul.u32 $0x27, s6;
	p0 =	slt.u32 s6, $0x2;
	s6 =	smin.u32 s6, $0x2  }
0xe: {  	s11 =	simm.s32 $0x28;
	s10 =	sshrl.u32 s10, $0x3;
	s15 =	sshrl.u32 s13, $0x2  }
0xf: {  	s11 =	simm.s32 @!p0 $0x27;
	s30 =	smax.u32 s14, $0x1;
	s13 =	simm.s32 $0x5  }
0x10: {  	s14 =	simm.s32 $0x6;
	s1 =	sadd.s32 s10, s1;
	s20 =	sadd.s32 s15, s5  }
0x11: {  	s10 =	sadd.s32 s6, s12;
	[dreg:$0x13] =	wrdreg s30;
	s16 =	sadd.s32 $0x4000, s20  }
0x12: {  	s17 =	sshll.u32 s10, $0x7;
	s12 =	sadd.s32 $0x8000, s20;
	[dreg:$0x7] =	wrdreg s20  }
0x13: {  	s18 =	sadd.s32 $0xC000, s20;
	s19 =	sadd.s32 $0x10000, s20;
	[dreg:$0x8] =	wrdreg s16  }
0x14: {  	s21 =	sshll.u32 s10, $0x4;
	s26 =	sshll.u32 s10, $0xB;
	[dreg:$0x9] =	wrdreg s12  }
0x15: {  	s1 =	sadd.s32 $0x29AE00, s1;
	[dreg:$0xa] =	wrdreg s18;
	s6 =	sadd.s32 $0x80, s17  }
0x16: {  	[dreg:$0xb] =	wrdreg s19;
	s22 =	sadd.s32 s2, s21;
	s23 =	sadd.s32 s3, s21  }
0x17: {  	s28 =	sadd.s32 s9, s26;
	[dreg:$0x12] =	wrdreg s1;
	s26 =	simm.s32 $0x10  }
0x18: {  	s1 =	simm.s32 $0xA;
	s16 =	simm.s32 $0x100;
	[dreg:$0xc] =	wrdreg s22  }
.Ltmp0:
0x19: {  	s15 =	sshrl.u32 s6, $0x3;
	[dreg:$0xd] =	wrdreg s23;
	(pc) =	sbr.rel .LBB2_1-.Ltmp0, $4  }
0x1a: {  	s17 =	simm.s32 $0x0;
	[dreg:$0x10] =	wrdreg s28;
	s24 =	sadd.s32 s2, s15  }
0x1b: {  	s6 =	sshll.u32 s6, $0x4;
	s25 =	sadd.s32 s3, s15;
	[dreg:$0xe] =	wrdreg s24  }
0x1c: {  	s6 =	sadd.s32 s9, s6;
	s15 =	simm.s32 $0x8300;
	[dreg:$0xf] =	wrdreg s25  }
0x1d: {  	v0 =	vimm.f32 $0.0e+00;
	[dreg:$0x11] =	wrdreg s6;
	s25 =	simm.s32 $0x300;
	s6 =	simm.s32 $0x4  }
.LBB2_17:
0x1e: {  	s12 =	stileid.u32;
	[bflag:$0x0] =	sbarrier.arrive $0xFFFF  }
0x1f: {  	s12 =	sshll.u32 s12, $0x6;
	s20 =	rddreg [dreg:$0x7]  }
0x20: {  	s19 =	rddreg [dreg:$0x12];
	s12 =	sor.u32 $0x1C10, s12;
	s18 =	sshrl.u32 s20, $0x3  }
0x21: {  	[hbm:s19], [sflag:s12] =	dma.local [spmem:s18], $0x2780  }
0x22: {  	_ =	swait.ge [sflag:s26], $0x2780  }
0x23: {  	s17 =	sadd.s32 $0x1, s17;
	s30 =	rddreg [dreg:$0x13]  }
0x24: {  	p0 =	sne.s32 s17, s30  }
.Ltmp1:
0x25: {  	_ = 	snop;
	(pc) =	sbr.rel @!p0 .LBB2_18-.Ltmp1, $3  }
0x26: {  	_ =	sdelay $0x1  }
0x27: {  	[sflag:s26] =	ssyncset.done $0x0  }
0x28: {  	[sflag:s26] =	ssyncadd.s32 $0xFFFFD880  }
.LBB2_1:
0x29: {  	s18 =	simm.s32 $0x0;
	s19 =	simm.s32 $0x200  }
.LBB2_2:
0x2a: {  	p0 =	sne.s32 s19, $0xFE00;
	[tilespmem:s18+$0x370] =	vst v0  }
0x2b: {  	[tilespmem:s18+$0x300] =	vst v0  }
0x2c: {  	[tilespmem:s18+$0x310] =	vst v0  }
.Ltmp2:
0x2d: {  	[tilespmem:s18+$0x320] =	vst v0;
	(pc) =	sbr.rel @p0 .LBB2_2-.Ltmp2, $4  }
0x2e: {  	[tilespmem:s18+$0x330] =	vst v0  }
0x2f: {  	[tilespmem:s18+$0x340] =	vst v0  }
0x30: {  	[tilespmem:s18+$0x350] =	vst v0  }
0x31: {  	[tilespmem:s18+$0x360] =	vst v0;
	s18 =	sshra.s32 s19, $0x2;
	s19 =	sadd.s32 $0x200, s19  }
0x32: {  	[tilespmem:s18+$0x370] =	vst v0  }
0x33: {  	[tilespmem:s18+$0x300] =	vst v0  }
0x34: {  	[tilespmem:s18+$0x310] =	vst v0  }
0x35: {  	[tilespmem:s18+$0x320] =	vst v0  }
0x36: {  	[tilespmem:s18+$0x330] =	vst v0  }
0x37: {  	[tilespmem:s18+$0x340] =	vst v0  }
0x38: {  	[tilespmem:s18+$0x350] =	vst v0  }
0x39: {  	[tilespmem:s18+$0x360] =	vst v0  }
0x3a: {  	[spmem:s20] =	stream.linear.scatter [tilespmem:s25], [sflag:$0x10], $0x4000, $0x38;
	[tilespmem:$0x1FF00] =	vst v63  }
0x3b: {  	_ =	swait.ge [sflag:s26], $0x4000  }
0x3c: {  	[sflag:s26] =	ssyncset.done $0x0  }
0x3d: {  	s12 =	rddreg [dreg:$0x8];
	[sflag:s26] =	ssyncadd.s32 $0xFFFFC000  }
0x3e: {  	[spmem:s12] =	stream.linear.scatter [tilespmem:s25], [sflag:$0x10], $0x4000, $0x38;
	[tilespmem:$0x1FF00] =	vst v63  }
0x3f: {  	_ =	swait.ge [sflag:s26], $0x4000  }
0x40: {  	[sflag:s26] =	ssyncset.done $0x0  }
0x41: {  	s28 =	rddreg [dreg:$0x9];
	[sflag:s26] =	ssyncadd.s32 $0xFFFFC000  }
0x42: {  	[spmem:s28] =	stream.linear.scatter [tilespmem:s25], [sflag:$0x10], $0x4000, $0x38;
	[tilespmem:$0x1FF00] =	vst v63  }
0x43: {  	_ =	swait.ge [sflag:s26], $0x4000  }
0x44: {  	[sflag:s26] =	ssyncset.done $0x0  }
0x45: {  	s30 =	rddreg [dreg:$0xa];
	[sflag:s26] =	ssyncadd.s32 $0xFFFFC000  }
0x46: {  	[spmem:s30] =	stream.linear.scatter [tilespmem:s25], [sflag:$0x10], $0x4000, $0x38;
	[tilespmem:$0x1FF00] =	vst v63  }
0x47: {  	_ =	swait.ge [sflag:s26], $0x4000  }
0x48: {  	[sflag:s26] =	ssyncset.done $0x0  }
0x49: {  	s18 =	rddreg [dreg:$0xb];
	[sflag:s26] =	ssyncadd.s32 $0xFFFFC000  }
0x4a: {  	[spmem:s18] =	stream.linear.scatter [tilespmem:s25], [sflag:$0x10], $0x3C00, $0x38;
	[tilespmem:$0x1FF00] =	vst v63  }
0x4b: {  	_ =	swait.ge [sflag:s26], $0x3C00  }
0x4c: {  	[sflag:s26] =	ssyncset.done $0x0  }
0x4d: {  	s18 =	simm.s32 $0x0;
	s19 =	rddreg [dreg:$0xc];
	[sflag:s26] =	ssyncadd.s32 $0xFFFFC400  }
0x4e: {  	[tilespmem:s18], [sflag:$0xA] =	stream.linear.gather [hbm4b:s19+s18], $0x80, $0x38;
	[tilespmem:$0x1FF00] =	vst v63  }
0x4f: {  	s20 =	rddreg [dreg:$0xd];
	s19 =	simm.s32 $0x180  }
0x50: {  	[tilespmem:s19], [sflag:$0xA] =	stream.linear.gather [hbm4b:s20+s18], $0x80, $0x38;
	[tilespmem:$0x1FF00] =	vst v63  }
0x51: {  	s21 =	rddreg [dreg:$0xe]  }
0x52: {  	[tilespmem:s29], [sflag:$0xB] =	stream.linear.gather [hbm4b:s21+s18], $0x80, $0x38;
	[tilespmem:$0x1FF00] =	vst v63  }
0x53: {  	s23 =	simm.s32 $0x200;
	s22 =	rddreg [dreg:$0xf]  }
0x54: {  	[tilespmem:s23], [sflag:$0xB] =	stream.linear.gather [hbm4b:s22+s18], $0x80, $0x38;
	[tilespmem:$0x1FF00] =	vst v63  }
0x55: {  	s24 =	rddreg [dreg:$0x10]  }
0x56: {  	[tilespmem:s25], [sflag:$0x1] =	stream.linear.gather [hbm4b:s24+s18], $0x4000, $0x38;
	[tilespmem:$0x1FF00] =	vst v63  }
0x57: {  	s28 =	rddreg [dreg:$0x11]  }
0x58: {  	[tilespmem:s31], [sflag:$0x2] =	stream.linear.gather [hbm4b:s28+s18], $0x4000, $0x38;
	[tilespmem:$0x1FF00] =	vst v63  }
0x59: {  	[bflag:$0x0] =	sbarrier.arrive $0xFFFF  }
0x5a: {  	_ =	swait.ge [sflag:s1], $0x80  }
0x5b: {  	[sflag:s1] =	ssyncset.done $0x0  }
0x5c: {  	[sflag:s1] =	ssyncadd.s32 $0xFFFFFF80  }
0x5d: {  	_ =	swait.ge [sflag:s1], $0x80  }
0x5e: {  	[sflag:s1] =	ssyncset.done $0x0  }
0x5f: {  	s30 =	simm.s32 $0x1;
	[sflag:s1] =	ssyncadd.s32 $0xFFFFFF80  }
0x60: {  	_ =	swait.ge [sflag:s30], $0x4000  }
.Ltmp3:
0x61: {  	[sflag:s30] =	ssyncset.done $0x0;
	(pc) =	sbr.rel .LBB2_4-.Ltmp3, $4  }
0x62: {  	[sflag:s30] =	ssyncadd.s32 $0xFFFFC000  }
0x63: {  	[tilespmem:s25], [sflag:$0x4] =	stream.indirect.gather.add.f32 [hbm:s0], $0x80, s18, s29, $0xb8;
	[tilespmem:$0x1FF00] =	vst v63  }
0x64: {  	_ = 	snop  }
0x65: {  	[tilespmem:s25], [sflag:$0x4] =	stream.indirect.gather.add.f32 [hbm:s8], $0x80, s19, s29, $0xb8;
	[tilespmem:$0x1FF00] =	vst v63  }
.LBB2_16:
0x66: {  	s18 =	sadd.s32 $0x1, s18  }
0x67: {  	p0 =	sne.s32 s18, $0xE  }
.Ltmp4:
0x68: {  	_ = 	snop;
	(pc) =	sbr.rel @!p0 .LBB2_17-.Ltmp4, $1  }
0x69: {  	_ =	sdelay $0x3  }
.LBB2_4:
0x6a: {  	s19 =	smul.u32 $0x3, s18;
	_ =	sdelay $0x1  }
0x6b: {  	s20 =	sadd.s32 $0x1, s19  }
0x6c: {  	p1 =	sge.u32 s20, s11  }
0x6d: {  	s21 =	simm.s32 @!p1 $0xB  }
0x6e: {  	_ =	swait.ge @!p1 [sflag:s21], $0x80  }
0x6f: {  	[sflag:s21] =	ssyncset.done @!p1 $0x0  }
0x70: {  	[sflag:s21] =	ssyncadd.s32 @!p1 $0xFFFFFF80  }
0x71: {  	_ =	swait.ge @!p1 [sflag:s21], $0x80  }
0x72: {  	[sflag:s21] =	ssyncset.done @!p1 $0x0  }
0x73: {  	[sflag:s21] =	ssyncadd.s32 @!p1 $0xFFFFFF80;
	s21 =	simm.s32 @!p1 $0x2  }
0x74: {  	p0 =	seq.s32 s18, $0x0;
	_ =	swait.ge @!p1 [sflag:s21], $0x4000  }
0x75: {  	p2 =	sgt.u32 @!p0 s19, s11;
	[sflag:s21] =	ssyncset.done @!p1 $0x0  }
0x76: {  	s22 =	simm.s32 @!p1 $0x4300;
	[sflag:s21] =	ssyncadd.s32 @!p1 $0xFFFFC000;
	s21 =	simm.s32 @!p1 $0x80  }
0x77: {  	[tilespmem:s22], [sflag:$0x5] =	stream.indirect.gather.add.f32 @!p1 [hbm:s0], $0x80, s21, s21, $0xb8;
	[tilespmem:$0x1FF00] =	vst v63  }
0x78: {  	p2 =	por p2, p0;
	s23 =	simm.s32 @!p1 $0x200  }
0x79: {  	[tilespmem:s22], [sflag:$0x5] =	stream.indirect.gather.add.f32 @!p1 [hbm:s8], $0x80, s23, s21, $0xb8;
	[tilespmem:$0x1FF00] =	vst v63  }
0x7a: {  	s21 =	simm.s32 @!p2 $0x9  }
0x7b: {  	s28 =	sadd.s32 $0x2, s19;
	_ =	swait.ge @!p2 [sflag:s21], $0x4000  }
0x7c: {  	p0 =	sge.u32 s28, s11;
	[sflag:s21] =	ssyncset.done @!p2 $0x0  }
0x7d: {  	s23 =	sadd.s32 @!p0 s10, s28;
	[sflag:s21] =	ssyncadd.s32 @!p2 $0xFFFFC000;
	s21 =	simm.s32 @!p2 $0xF  }
0x7e: {  	p3 =	sge.u32 s19, s11;
	s22 =	sshll.u32 @!p0 s23, $0x4;
	_ =	swait.ge @!p2 [sflag:s21], $0x4000  }
0x7f: {  	s30 =	simm.s32 @!p0 $0x0;
	s22 =	sand.u32 @!p0 $0x1FFFFFF0, s22;
	[sflag:s21] =	ssyncset.done @!p2 $0x0  }
0x80: {  	s24 =	sadd.s32 @!p0 s2, s22;
	[sflag:s21] =	ssyncadd.s32 @!p2 $0xFFFFC000;
	s21 =	simm.s32 @!p0 $0x100  }
0x81: {  	[tilespmem:s21], [sflag:$0xC] =	stream.linear.gather @!p0 [hbm4b:s24+s30], $0x80, $0x38;
	[tilespmem:$0x1FF00] =	vst v63  }
.Ltmp5:
0x82: {  	s23 =	sshll.u32 @!p0 s23, $0xB;
	(pc) =	sbr.rel @p3 .LBB2_8-.Ltmp5, $4  }
0x83: {  	s23 =	sand.u32 @!p0 $0x1FFFF800, s23;
	s24 =	sadd.s32 @!p0 s3, s22;
	s22 =	simm.s32 @!p0 $0x280  }
0x84: {  	[tilespmem:s22], [sflag:$0xC] =	stream.linear.gather @!p0 [hbm4b:s24+s30], $0x80, $0x38;
	[tilespmem:$0x1FF00] =	vst v63  }
0x85: {  	s24 =	sadd.s32 @!p0 s9, s23;
	s23 =	simm.s32 @!p0 $0x8300  }
0x86: {  	[tilespmem:s23], [sflag:$0x3] =	stream.linear.gather @!p0 [hbm4b:s24+s30], $0x4000, $0x38;
	[tilespmem:$0x1FF00] =	vst v63  }
0x87: {  	_ =	swait.ge [sflag:s6], $0x4000  }
0x88: {  	[sflag:s6] =	ssyncset.done $0x0  }
0x89: {  	[sflag:s6] =	ssyncadd.s32 $0xFFFFC000  }
0x8a: {  	_ =	swait.ge [sflag:s6], $0x4000  }
0x8b: {  	[sflag:s6] =	ssyncset.done $0x0  }
0x8c: {  	s24 =	simm.s32 $0x0;
	[sflag:s6] =	ssyncadd.s32 $0xFFFFC000  }
0x8d: {  	v1 =	vld [tilespmem:s24+$0x300]  }
0x8e: {  	v2 =	vld [tilespmem:s24+$0x310]  }
0x8f: {  	v3 =	vld [tilespmem:s24+$0x320]  }
0x90: {  	v4 =	vld [tilespmem:s24+$0x330]  }
0x91: {  	v5 =	vld [tilespmem:s24+$0x340]  }
0x92: {  	v6 =	vld [tilespmem:s24+$0x350];
	v1 =	vmax.f32 v1, $0.0e+00  }
0x93: {  	v7 =	vld [tilespmem:s24+$0x360];
	[tilespmem:s24+$0x300] =	vst v1;
	v1 =	vmax.f32 v2, $0.0e+00  }
0x94: {  	[tilespmem:s24+$0x310] =	vst v1;
	v1 =	vmax.f32 v3, $0.0e+00;
	v3 =	vld [tilespmem:s24+$0x370]  }
0x95: {  	[tilespmem:s24+$0x320] =	vst v1;
	v1 =	vmax.f32 v4, $0.0e+00;
	v4 =	vld [tilespmem:s24+$0x380]  }
0x96: {  	[tilespmem:s24+$0x330] =	vst v1;
	v1 =	vmax.f32 v5, $0.0e+00;
	v5 =	vld [tilespmem:s24+$0x390]  }
0x97: {  	v2 =	vld [tilespmem:s24+$0x3A0];
	[tilespmem:s24+$0x340] =	vst v1;
	v1 =	vmax.f32 v6, $0.0e+00  }
0x98: {  	v6 =	vmax.f32 v7, $0.0e+00;
	[tilespmem:s24+$0x350] =	vst v1;
	v1 =	vld [tilespmem:s24+$0x3B0]  }
0x99: {  	[tilespmem:s24+$0x360] =	vst v6;
	v6 =	vmax.f32 v3, $0.0e+00;
	v3 =	vld [tilespmem:s24+$0x3C0]  }
0x9a: {  	[tilespmem:s24+$0x370] =	vst v6;
	v6 =	vmax.f32 v4, $0.0e+00;
	v4 =	vld [tilespmem:s24+$0x3D0]  }
0x9b: {  	s30 =	simm.s32 $0x400;
	[tilespmem:s24+$0x380] =	vst v6;
	v6 =	vmax.f32 v5, $0.0e+00;
	v5 =	vld [tilespmem:s24+$0x3E0]  }
.LBB2_6:
0x9c: {  	s12 =	sshra.s32 s30, $0x2;
	p2 =	sne.s32 s30, $0xFC00;
	[tilespmem:s24+$0x390] =	vst v6;
	v2 =	vmax.f32 v2, $0.0e+00;
	v6 =	vld [tilespmem:s24+$0x3F0]  }
0x9d: {  	v7 =	vld [tilespmem:s12+$0x300];
	[tilespmem:s24+$0x3A0] =	vst v2;
	v1 =	vmax.f32 v1, $0.0e+00  }
0x9e: {  	v2 =	vld [tilespmem:s12+$0x310];
	[tilespmem:s24+$0x3B0] =	vst v1;
	v1 =	vmax.f32 v3, $0.0e+00  }
0x9f: {  	v3 =	vld [tilespmem:s12+$0x320];
	[tilespmem:s24+$0x3C0] =	vst v1;
	v1 =	vmax.f32 v4, $0.0e+00  }
0xa0: {  	v4 =	vld [tilespmem:s12+$0x330];
	[tilespmem:s24+$0x3D0] =	vst v1;
	v1 =	vmax.f32 v5, $0.0e+00  }
0xa1: {  	v5 =	vld [tilespmem:s12+$0x340];
	[tilespmem:s24+$0x3E0] =	vst v1;
	v1 =	vmax.f32 v6, $0.0e+00  }
0xa2: {  	v6 =	vmax.f32 v7, $0.0e+00;
	v7 =	vld [tilespmem:s12+$0x350];
	[tilespmem:s24+$0x3F0] =	vst v1;
	s24 =	smov.u32 s12  }
0xa3: {  	[tilespmem:s24+$0x300] =	vst v6;
	v1 =	vmax.f32 v2, $0.0e+00;
	v6 =	vld [tilespmem:s24+$0x360]  }
0xa4: {  	[tilespmem:s24+$0x310] =	vst v1;
	v1 =	vmax.f32 v3, $0.0e+00;
	v3 =	vld [tilespmem:s24+$0x370]  }
0xa5: {  	[tilespmem:s24+$0x320] =	vst v1;
	v1 =	vmax.f32 v4, $0.0e+00;
	v4 =	vld [tilespmem:s24+$0x380]  }
0xa6: {  	[tilespmem:s24+$0x330] =	vst v1;
	v1 =	vmax.f32 v5, $0.0e+00;
	v5 =	vld [tilespmem:s24+$0x390]  }
.Ltmp6:
0xa7: {  	[tilespmem:s24+$0x340] =	vst v1;
	v1 =	vmax.f32 v7, $0.0e+00;
	v2 =	vld [tilespmem:s24+$0x3A0];
	(pc) =	sbr.rel @p2 .LBB2_6-.Ltmp6, $4  }
0xa8: {  	[tilespmem:s24+$0x350] =	vst v1;
	v6 =	vmax.f32 v6, $0.0e+00;
	v1 =	vld [tilespmem:s24+$0x3B0]  }
0xa9: {  	[tilespmem:s24+$0x360] =	vst v6;
	v6 =	vmax.f32 v3, $0.0e+00;
	v3 =	vld [tilespmem:s24+$0x3C0]  }
0xaa: {  	[tilespmem:s24+$0x370] =	vst v6;
	v6 =	vmax.f32 v4, $0.0e+00;
	v4 =	vld [tilespmem:s24+$0x3D0]  }
0xab: {  	s30 =	sadd.s32 $0x400, s30;
	[tilespmem:s24+$0x380] =	vst v6;
	v6 =	vmax.f32 v5, $0.0e+00;
	v5 =	vld [tilespmem:s24+$0x3E0]  }
0xac: {  	[tilespmem:s24+$0x390] =	vst v6;
	v2 =	vmax.f32 v2, $0.0e+00;
	v63 =	vld [tilespmem:s24+$0x3F0]  }
0xad: {  	[tilespmem:s24+$0x3A0] =	vst v2;
	v1 =	vmax.f32 v1, $0.0e+00  }
0xae: {  	[tilespmem:s24+$0x3B0] =	vst v1;
	v1 =	vmax.f32 v3, $0.0e+00  }
0xaf: {  	s12 =	sadd.s32 s10, s19;
	[tilespmem:s24+$0x3C0] =	vst v1;
	v1 =	vmax.f32 v4, $0.0e+00  }
0xb0: {  	s12 =	sshll.u32 s12, $0xB;
	[tilespmem:s24+$0x3D0] =	vst v1;
	v1 =	vmax.f32 v5, $0.0e+00  }
0xb1: {  	s12 =	sand.u32 $0x1FFFF800, s12;
	[tilespmem:s24+$0x3E0] =	vst v1;
	v1 =	vmax.f32 v63, $0.0e+00  }
0xb2: {  	s12 =	sadd.s32 s4, s12;
	[tilespmem:s24+$0x3F0] =	vst v1  }
0xb3: {  	[hbm4b:s12+s7] =	stream.linear.scatter [tilespmem:s25], [sflag:$0x7], $0x4000, $0x38;
	[tilespmem:$0x1FF00] =	vst v63  }
0xb4: {  	_ = 	snop  }
0xb5: {  	[spmem:s5] =	stream.indirect.scatter.add.f32 [tilespmem:s25], [sflag:$0xD], $0x80, s7, s29, $0xb8;
	[tilespmem:$0x1FF00] =	vst v63  }
.LBB2_8:
0xb6: {  	s12 =	simm.s32 @!p0 $0xC  }
0xb7: {  	_ =	swait.ge @!p0 [sflag:s12], $0x80  }
0xb8: {  	[sflag:s12] =	ssyncset.done @!p0 $0x0  }
0xb9: {  	[sflag:s12] =	ssyncadd.s32 @!p0 $0xFFFFFF80  }
0xba: {  	_ =	swait.ge @!p0 [sflag:s12], $0x80  }
0xbb: {  	[sflag:s12] =	ssyncset.done @!p0 $0x0  }
0xbc: {  	[sflag:s12] =	ssyncadd.s32 @!p0 $0xFFFFFF80;
	s12 =	simm.s32 @!p0 $0x3  }
0xbd: {  	_ =	swait.ge @!p0 [sflag:s12], $0x4000  }
0xbe: {  	[sflag:s12] =	ssyncset.done @!p0 $0x0  }
0xbf: {  	[sflag:s12] =	ssyncadd.s32 @!p0 $0xFFFFC000;
	s12 =	simm.s32 @!p0 $0x80  }
0xc0: {  	[tilespmem:s23], [sflag:$0x6] =	stream.indirect.gather.add.f32 @!p0 [hbm:s0], $0x80, s21, s12, $0xb8;
	[tilespmem:$0x1FF00] =	vst v63  }
0xc1: {  	_ = 	snop  }
0xc2: {  	[tilespmem:s23], [sflag:$0x6] =	stream.indirect.gather.add.f32 @!p0 [hbm:s8], $0x80, s22, s12, $0xb8;
	[tilespmem:$0x1FF00] =	vst v63  }
0xc3: {  	s12 =	simm.s32 @!p3 $0x7  }
0xc4: {  	s21 =	sadd.s32 $0x3, s19;
	_ =	swait.ge @!p3 [sflag:s12], $0x4000  }
0xc5: {  	p2 =	sge.u32 s21, s11;
	[sflag:s12] =	ssyncset.done @!p3 $0x0  }
0xc6: {  	s23 =	sadd.s32 @!p2 s10, s21;
	[sflag:s12] =	ssyncadd.s32 @!p3 $0xFFFFC000;
	s12 =	simm.s32 @!p3 $0xD  }
0xc7: {  	s21 =	sshll.u32 @!p2 s23, $0x4;
	_ =	swait.ge @!p3 [sflag:s12], $0x4000  }
0xc8: {  	s22 =	sand.u32 @!p2 $0x1FFFFFF0, s21;
	[sflag:s12] =	ssyncset.done @!p3 $0x0  }
0xc9: {  	s21 =	simm.s32 @!p2 $0x0;
	[sflag:s12] =	ssyncadd.s32 @!p3 $0xFFFFC000;
	s12 =	sadd.s32 @!p2 s2, s22  }
0xca: {  	[tilespmem:s21], [sflag:$0xA] =	stream.linear.gather @!p2 [hbm4b:s12+s21], $0x80, $0x38;
	[tilespmem:$0x1FF00] =	vst v63  }
0xcb: {  	s12 =	sadd.s32 @!p2 s3, s22;
	s22 =	simm.s32 @!p2 $0x180  }
0xcc: {  	[tilespmem:s22], [sflag:$0xA] =	stream.linear.gather @!p2 [hbm4b:s12+s21], $0x80, $0x38;
	[tilespmem:$0x1FF00] =	vst v63  }
.Ltmp7:
0xcd: {  	_ = 	snop;
	(pc) =	sbr.rel @p1 .LBB2_12-.Ltmp7, $4  }
0xce: {  	s12 =	sshll.u32 @!p2 s23, $0xB  }
0xcf: {  	s12 =	sand.u32 @!p2 $0x1FFFF800, s12  }
0xd0: {  	s23 =	simm.s32 @!p2 $0x300;
	s12 =	sadd.s32 @!p2 s9, s12  }
0xd1: {  	[tilespmem:s23], [sflag:$0x1] =	stream.linear.gather @!p2 [hbm4b:s12+s21], $0x4000, $0x38;
	[tilespmem:$0x1FF00] =	vst v63  }
0xd2: {  	_ =	swait.ge [sflag:s13], $0x4000  }
0xd3: {  	[sflag:s13] =	ssyncset.done $0x0  }
0xd4: {  	[sflag:s13] =	ssyncadd.s32 $0xFFFFC000  }
0xd5: {  	_ =	swait.ge [sflag:s13], $0x4000  }
0xd6: {  	[sflag:s13] =	ssyncset.done $0x0  }
0xd7: {  	s24 =	simm.s32 $0x0;
	[sflag:s13] =	ssyncadd.s32 $0xFFFFC000  }
0xd8: {  	v1 =	vld [tilespmem:s24+$0x4300]  }
0xd9: {  	v2 =	vld [tilespmem:s24+$0x4310]  }
0xda: {  	v3 =	vld [tilespmem:s24+$0x4320]  }
0xdb: {  	v4 =	vld [tilespmem:s24+$0x4330]  }
0xdc: {  	v5 =	vld [tilespmem:s24+$0x4340]  }
0xdd: {  	v6 =	vld [tilespmem:s24+$0x4350];
	v1 =	vmax.f32 v1, $0.0e+00  }
0xde: {  	v7 =	vld [tilespmem:s24+$0x4360];
	[tilespmem:s24+$0x4300] =	vst v1;
	v1 =	vmax.f32 v2, $0.0e+00  }
0xdf: {  	[tilespmem:s24+$0x4310] =	vst v1;
	v1 =	vmax.f32 v3, $0.0e+00;
	v3 =	vld [tilespmem:s24+$0x4370]  }
0xe0: {  	[tilespmem:s24+$0x4320] =	vst v1;
	v1 =	vmax.f32 v4, $0.0e+00;
	v4 =	vld [tilespmem:s24+$0x4380]  }
0xe1: {  	[tilespmem:s24+$0x4330] =	vst v1;
	v1 =	vmax.f32 v5, $0.0e+00;
	v5 =	vld [tilespmem:s24+$0x4390]  }
0xe2: {  	v2 =	vld [tilespmem:s24+$0x43A0];
	[tilespmem:s24+$0x4340] =	vst v1;
	v1 =	vmax.f32 v6, $0.0e+00  }
0xe3: {  	v6 =	vmax.f32 v7, $0.0e+00;
	[tilespmem:s24+$0x4350] =	vst v1;
	v1 =	vld [tilespmem:s24+$0x43B0]  }
0xe4: {  	[tilespmem:s24+$0x4360] =	vst v6;
	v6 =	vmax.f32 v3, $0.0e+00;
	v3 =	vld [tilespmem:s24+$0x43C0]  }
0xe5: {  	[tilespmem:s24+$0x4370] =	vst v6;
	v6 =	vmax.f32 v4, $0.0e+00;
	v4 =	vld [tilespmem:s24+$0x43D0]  }
0xe6: {  	s30 =	simm.s32 $0x400;
	[tilespmem:s24+$0x4380] =	vst v6;
	v6 =	vmax.f32 v5, $0.0e+00;
	v5 =	vld [tilespmem:s24+$0x43E0]  }
.LBB2_10:
0xe7: {  	s12 =	sshra.s32 s30, $0x2;
	p1 =	sne.s32 s30, $0xFC00;
	[tilespmem:s24+$0x4390] =	vst v6;
	v2 =	vmax.f32 v2, $0.0e+00;
	v6 =	vld [tilespmem:s24+$0x43F0]  }
0xe8: {  	v7 =	vld [tilespmem:s12+$0x4300];
	[tilespmem:s24+$0x43A0] =	vst v2;
	v1 =	vmax.f32 v1, $0.0e+00  }
0xe9: {  	v2 =	vld [tilespmem:s12+$0x4310];
	[tilespmem:s24+$0x43B0] =	vst v1;
	v1 =	vmax.f32 v3, $0.0e+00  }
0xea: {  	v3 =	vld [tilespmem:s12+$0x4320];
	[tilespmem:s24+$0x43C0] =	vst v1;
	v1 =	vmax.f32 v4, $0.0e+00  }
0xeb: {  	v4 =	vld [tilespmem:s12+$0x4330];
	[tilespmem:s24+$0x43D0] =	vst v1;
	v1 =	vmax.f32 v5, $0.0e+00  }
0xec: {  	v5 =	vld [tilespmem:s12+$0x4340];
	[tilespmem:s24+$0x43E0] =	vst v1;
	v1 =	vmax.f32 v6, $0.0e+00  }
0xed: {  	v6 =	vmax.f32 v7, $0.0e+00;
	v7 =	vld [tilespmem:s12+$0x4350];
	[tilespmem:s24+$0x43F0] =	vst v1;
	s24 =	smov.u32 s12  }
0xee: {  	[tilespmem:s24+$0x4300] =	vst v6;
	v1 =	vmax.f32 v2, $0.0e+00;
	v6 =	vld [tilespmem:s24+$0x4360]  }
0xef: {  	[tilespmem:s24+$0x4310] =	vst v1;
	v1 =	vmax.f32 v3, $0.0e+00;
	v3 =	vld [tilespmem:s24+$0x4370]  }
0xf0: {  	[tilespmem:s24+$0x4320] =	vst v1;
	v1 =	vmax.f32 v4, $0.0e+00;
	v4 =	vld [tilespmem:s24+$0x4380]  }
0xf1: {  	[tilespmem:s24+$0x4330] =	vst v1;
	v1 =	vmax.f32 v5, $0.0e+00;
	v5 =	vld [tilespmem:s24+$0x4390]  }
.Ltmp8:
0xf2: {  	[tilespmem:s24+$0x4340] =	vst v1;
	v1 =	vmax.f32 v7, $0.0e+00;
	v2 =	vld [tilespmem:s24+$0x43A0];
	(pc) =	sbr.rel @p1 .LBB2_10-.Ltmp8, $4  }
0xf3: {  	[tilespmem:s24+$0x4350] =	vst v1;
	v6 =	vmax.f32 v6, $0.0e+00;
	v1 =	vld [tilespmem:s24+$0x43B0]  }
0xf4: {  	[tilespmem:s24+$0x4360] =	vst v6;
	v6 =	vmax.f32 v3, $0.0e+00;
	v3 =	vld [tilespmem:s24+$0x43C0]  }
0xf5: {  	[tilespmem:s24+$0x4370] =	vst v6;
	v6 =	vmax.f32 v4, $0.0e+00;
	v4 =	vld [tilespmem:s24+$0x43D0]  }
0xf6: {  	s30 =	sadd.s32 $0x400, s30;
	[tilespmem:s24+$0x4380] =	vst v6;
	v6 =	vmax.f32 v5, $0.0e+00;
	v5 =	vld [tilespmem:s24+$0x43E0]  }
0xf7: {  	[tilespmem:s24+$0x4390] =	vst v6;
	v2 =	vmax.f32 v2, $0.0e+00;
	v63 =	vld [tilespmem:s24+$0x43F0]  }
0xf8: {  	[tilespmem:s24+$0x43A0] =	vst v2;
	v1 =	vmax.f32 v1, $0.0e+00  }
0xf9: {  	[tilespmem:s24+$0x43B0] =	vst v1;
	v1 =	vmax.f32 v3, $0.0e+00  }
0xfa: {  	s12 =	sadd.s32 s10, s20;
	[tilespmem:s24+$0x43C0] =	vst v1;
	v1 =	vmax.f32 v4, $0.0e+00  }
0xfb: {  	s12 =	sshll.u32 s12, $0xB;
	[tilespmem:s24+$0x43D0] =	vst v1;
	v1 =	vmax.f32 v5, $0.0e+00  }
0xfc: {  	s12 =	sand.u32 $0x1FFFF800, s12;
	[tilespmem:s24+$0x43E0] =	vst v1;
	v1 =	vmax.f32 v63, $0.0e+00  }
0xfd: {  	s12 =	sadd.s32 s4, s12;
	[tilespmem:s24+$0x43F0] =	vst v1  }
0xfe: {  	[hbm4b:s12+s7] =	stream.linear.scatter [tilespmem:s31], [sflag:$0x8], $0x4000, $0x38;
	[tilespmem:$0x1FF00] =	vst v63  }
0xff: {  	_ = 	snop  }
0x100: {  	[spmem:s5] =	stream.indirect.scatter.add.f32 [tilespmem:s31], [sflag:$0xE], $0x80, s29, s29, $0xb8;
	[tilespmem:$0x1FF00] =	vst v63  }
.LBB2_12:
0x101: {  	s12 =	simm.s32 @!p2 $0xA  }
0x102: {  	_ =	swait.ge @!p2 [sflag:s12], $0x80  }
0x103: {  	[sflag:s12] =	ssyncset.done @!p2 $0x0  }
0x104: {  	[sflag:s12] =	ssyncadd.s32 @!p2 $0xFFFFFF80  }
0x105: {  	_ =	swait.ge @!p2 [sflag:s12], $0x80  }
0x106: {  	[sflag:s12] =	ssyncset.done @!p2 $0x0  }
0x107: {  	[sflag:s12] =	ssyncadd.s32 @!p2 $0xFFFFFF80;
	s12 =	simm.s32 @!p2 $0x1  }
0x108: {  	_ =	swait.ge @!p2 [sflag:s12], $0x4000  }
0x109: {  	[sflag:s12] =	ssyncset.done @!p2 $0x0  }
0x10a: {  	[sflag:s12] =	ssyncadd.s32 @!p2 $0xFFFFC000;
	s12 =	simm.s32 @!p2 $0x80  }
0x10b: {  	[tilespmem:s23], [sflag:$0x4] =	stream.indirect.gather.add.f32 @!p2 [hbm:s0], $0x80, s21, s12, $0xb8;
	[tilespmem:$0x1FF00] =	vst v63  }
0x10c: {  	_ = 	snop  }
0x10d: {  	[tilespmem:s23], [sflag:$0x4] =	stream.indirect.gather.add.f32 @!p2 [hbm:s8], $0x80, s22, s12, $0xb8;
	[tilespmem:$0x1FF00] =	vst v63  }
0x10e: {  	p2 =	sgt.u32 s28, s11  }
0x10f: {  	s12 =	simm.s32 @!p2 $0x8  }
0x110: {  	_ =	swait.ge @!p2 [sflag:s12], $0x4000  }
0x111: {  	s19 =	sadd.s32 $0x4, s19;
	[sflag:s12] =	ssyncset.done @!p2 $0x0  }
0x112: {  	p1 =	sge.u32 s19, s11;
	[sflag:s12] =	ssyncadd.s32 @!p2 $0xFFFFC000;
	s12 =	simm.s32 @!p2 $0xE  }
0x113: {  	s19 =	sadd.s32 @!p1 s10, s19;
	_ =	swait.ge @!p2 [sflag:s12], $0x4000  }
0x114: {  	s20 =	sshll.u32 @!p1 s19, $0x4;
	[sflag:s12] =	ssyncset.done @!p2 $0x0  }
0x115: {  	[sflag:s12] =	ssyncadd.s32 @!p2 $0xFFFFC000;
	s12 =	sand.u32 @!p1 $0x1FFFFFF0, s20  }
0x116: {  	s21 =	simm.s32 @!p1 $0x0;
	s22 =	simm.s32 @!p1 $0x80;
	s20 =	sadd.s32 @!p1 s2, s12  }
0x117: {  	[tilespmem:s22], [sflag:$0xB] =	stream.linear.gather @!p1 [hbm4b:s20+s21], $0x80, $0x38;
	[tilespmem:$0x1FF00] =	vst v63  }
0x118: {  	s12 =	sadd.s32 @!p1 s3, s12;
	s20 =	simm.s32 @!p1 $0x200  }
0x119: {  	[tilespmem:s20], [sflag:$0xB] =	stream.linear.gather @!p1 [hbm4b:s12+s21], $0x80, $0x38;
	[tilespmem:$0x1FF00] =	vst v63  }
.Ltmp9:
0x11a: {  	_ = 	snop;
	(pc) =	sbr.rel @p0 .LBB2_16-.Ltmp9, $4  }
0x11b: {  	s12 =	sshll.u32 @!p1 s19, $0xB  }
0x11c: {  	s12 =	sand.u32 @!p1 $0x1FFFF800, s12  }
0x11d: {  	s19 =	simm.s32 @!p1 $0x4300;
	s12 =	sadd.s32 @!p1 s9, s12  }
0x11e: {  	[tilespmem:s19], [sflag:$0x2] =	stream.linear.gather @!p1 [hbm4b:s12+s21], $0x4000, $0x38;
	[tilespmem:$0x1FF00] =	vst v63  }
0x11f: {  	_ =	swait.ge [sflag:s14], $0x4000  }
0x120: {  	[sflag:s14] =	ssyncset.done $0x0  }
0x121: {  	[sflag:s14] =	ssyncadd.s32 $0xFFFFC000  }
0x122: {  	_ =	swait.ge [sflag:s14], $0x4000  }
0x123: {  	[sflag:s14] =	ssyncset.done $0x0  }
0x124: {  	s19 =	simm.s32 $0x0;
	[sflag:s14] =	ssyncadd.s32 $0xFFFFC000  }
0x125: {  	v1 =	vld [tilespmem:s19+$0x8300]  }
0x126: {  	v2 =	vld [tilespmem:s19+$0x8310]  }
0x127: {  	v3 =	vld [tilespmem:s19+$0x8320]  }
0x128: {  	v4 =	vld [tilespmem:s19+$0x8330]  }
0x129: {  	v5 =	vld [tilespmem:s19+$0x8340]  }
0x12a: {  	v6 =	vld [tilespmem:s19+$0x8350];
	v1 =	vmax.f32 v1, $0.0e+00  }
0x12b: {  	v7 =	vld [tilespmem:s19+$0x8360];
	[tilespmem:s19+$0x8300] =	vst v1;
	v1 =	vmax.f32 v2, $0.0e+00  }
0x12c: {  	[tilespmem:s19+$0x8310] =	vst v1;
	v1 =	vmax.f32 v3, $0.0e+00;
	v3 =	vld [tilespmem:s19+$0x8370]  }
0x12d: {  	[tilespmem:s19+$0x8320] =	vst v1;
	v1 =	vmax.f32 v4, $0.0e+00;
	v4 =	vld [tilespmem:s19+$0x8380]  }
0x12e: {  	[tilespmem:s19+$0x8330] =	vst v1;
	v1 =	vmax.f32 v5, $0.0e+00;
	v5 =	vld [tilespmem:s19+$0x8390]  }
0x12f: {  	v2 =	vld [tilespmem:s19+$0x83A0];
	[tilespmem:s19+$0x8340] =	vst v1;
	v1 =	vmax.f32 v6, $0.0e+00  }
0x130: {  	v6 =	vmax.f32 v7, $0.0e+00;
	[tilespmem:s19+$0x8350] =	vst v1;
	v1 =	vld [tilespmem:s19+$0x83B0]  }
0x131: {  	[tilespmem:s19+$0x8360] =	vst v6;
	v6 =	vmax.f32 v3, $0.0e+00;
	v3 =	vld [tilespmem:s19+$0x83C0]  }
0x132: {  	[tilespmem:s19+$0x8370] =	vst v6;
	v6 =	vmax.f32 v4, $0.0e+00;
	v4 =	vld [tilespmem:s19+$0x83D0]  }
0x133: {  	s20 =	simm.s32 $0x400;
	[tilespmem:s19+$0x8380] =	vst v6;
	v6 =	vmax.f32 v5, $0.0e+00;
	v5 =	vld [tilespmem:s19+$0x83E0]  }
.LBB2_14:
0x134: {  	s12 =	sshra.s32 s20, $0x2;
	p0 =	sne.s32 s20, $0xFC00;
	[tilespmem:s19+$0x8390] =	vst v6;
	v2 =	vmax.f32 v2, $0.0e+00;
	v6 =	vld [tilespmem:s19+$0x83F0]  }
0x135: {  	v7 =	vld [tilespmem:s12+$0x8300];
	[tilespmem:s19+$0x83A0] =	vst v2;
	v1 =	vmax.f32 v1, $0.0e+00  }
0x136: {  	v2 =	vld [tilespmem:s12+$0x8310];
	[tilespmem:s19+$0x83B0] =	vst v1;
	v1 =	vmax.f32 v3, $0.0e+00  }
0x137: {  	v3 =	vld [tilespmem:s12+$0x8320];
	[tilespmem:s19+$0x83C0] =	vst v1;
	v1 =	vmax.f32 v4, $0.0e+00  }
0x138: {  	v4 =	vld [tilespmem:s12+$0x8330];
	[tilespmem:s19+$0x83D0] =	vst v1;
	v1 =	vmax.f32 v5, $0.0e+00  }
0x139: {  	v5 =	vld [tilespmem:s12+$0x8340];
	[tilespmem:s19+$0x83E0] =	vst v1;
	v1 =	vmax.f32 v6, $0.0e+00  }
0x13a: {  	v6 =	vmax.f32 v7, $0.0e+00;
	v7 =	vld [tilespmem:s12+$0x8350];
	[tilespmem:s19+$0x83F0] =	vst v1;
	s19 =	smov.u32 s12  }
0x13b: {  	[tilespmem:s19+$0x8300] =	vst v6;
	v1 =	vmax.f32 v2, $0.0e+00;
	v6 =	vld [tilespmem:s19+$0x8360]  }
0x13c: {  	[tilespmem:s19+$0x8310] =	vst v1;
	v1 =	vmax.f32 v3, $0.0e+00;
	v3 =	vld [tilespmem:s19+$0x8370]  }
0x13d: {  	[tilespmem:s19+$0x8320] =	vst v1;
	v1 =	vmax.f32 v4, $0.0e+00;
	v4 =	vld [tilespmem:s19+$0x8380]  }
0x13e: {  	[tilespmem:s19+$0x8330] =	vst v1;
	v1 =	vmax.f32 v5, $0.0e+00;
	v5 =	vld [tilespmem:s19+$0x8390]  }
.Ltmp10:
0x13f: {  	[tilespmem:s19+$0x8340] =	vst v1;
	v1 =	vmax.f32 v7, $0.0e+00;
	v2 =	vld [tilespmem:s19+$0x83A0];
	(pc) =	sbr.rel @p0 .LBB2_14-.Ltmp10, $4  }
0x140: {  	[tilespmem:s19+$0x8350] =	vst v1;
	v6 =	vmax.f32 v6, $0.0e+00;
	v1 =	vld [tilespmem:s19+$0x83B0]  }
0x141: {  	[tilespmem:s19+$0x8360] =	vst v6;
	v6 =	vmax.f32 v3, $0.0e+00;
	v3 =	vld [tilespmem:s19+$0x83C0]  }
0x142: {  	[tilespmem:s19+$0x8370] =	vst v6;
	v6 =	vmax.f32 v4, $0.0e+00;
	v4 =	vld [tilespmem:s19+$0x83D0]  }
0x143: {  	s20 =	sadd.s32 $0x400, s20;
	[tilespmem:s19+$0x8380] =	vst v6;
	v6 =	vmax.f32 v5, $0.0e+00;
	v5 =	vld [tilespmem:s19+$0x83E0]  }
0x144: {  	[tilespmem:s19+$0x8390] =	vst v6;
	v2 =	vmax.f32 v2, $0.0e+00;
	v63 =	vld [tilespmem:s19+$0x83F0]  }
0x145: {  	[tilespmem:s19+$0x83A0] =	vst v2;
	v1 =	vmax.f32 v1, $0.0e+00  }
0x146: {  	[tilespmem:s19+$0x83B0] =	vst v1;
	v1 =	vmax.f32 v3, $0.0e+00  }
0x147: {  	s12 =	sadd.s32 s10, s28;
	[tilespmem:s19+$0x83C0] =	vst v1;
	v1 =	vmax.f32 v4, $0.0e+00  }
0x148: {  	s12 =	sshll.u32 s12, $0xB;
	[tilespmem:s19+$0x83D0] =	vst v1;
	v1 =	vmax.f32 v5, $0.0e+00  }
.Ltmp11:
0x149: {  	s12 =	sand.u32 $0x1FFFF800, s12;
	[tilespmem:s19+$0x83E0] =	vst v1;
	v1 =	vmax.f32 v63, $0.0e+00;
	(pc) =	sbr.rel .LBB2_16-.Ltmp11, $4  }
0x14a: {  	s12 =	sadd.s32 s4, s12;
	[tilespmem:s19+$0x83F0] =	vst v1  }
0x14b: {  	[hbm4b:s12+s7] =	stream.linear.scatter [tilespmem:s15], [sflag:$0x9], $0x4000, $0x38;
	[tilespmem:$0x1FF00] =	vst v63  }
0x14c: {  	_ = 	snop  }
0x14d: {  	[spmem:s5] =	stream.indirect.scatter.add.f32 [tilespmem:s15], [sflag:$0xF], $0x80, s16, s29, $0xb8;
	[tilespmem:$0x1FF00] =	vst v63  }
.LBB2_18:
0x14e: {  	_ =	sfence.sel $0x180000  }
0x14f: {  	[bflag:$0x0] =	sbarrier.arrive $0xFFFF  }
0x150: {  	_ =	strace $0x90000047  }
0x151: {  	s0 =	stileid.u32;
	[bflag:$0x2] =	sbarrier.arrive $0xFFFF  }
0x152: {  	p0 =	sne.s32 s0, $0x0;
	s0 =	rddreg [dreg:$0x6]  }
0x153: {  	s0 =	sadd.s32 @!p0 $0x100000, s0  }
0x154: {  	[sflag:s0] =	ssyncadd.tile.s32 @!p0 $0x1;
	_ =	shalt  }
.Lfunc_end2:
_tile_overlayer_lowered:
.L_overlay_start_2:
0x155: {  	(tag) =	ssettag $0x2  }
0x156: {  	s0 =	rddreg [dreg:$0x0];
	s2 =	stileid.u32  }
0x157: {  	s1 =	rddreg [dreg:$0x1];
	p0 =	sne.s32 s2, $0x0  }
0x158: {  	s3 =	rddreg [dreg:$0x2];
	[bflag:$0x3] =	sbarrier.arrive $0xFFFF;
	s2 =	simm.s32 @!p0 $0x1C10  }
0x159: {  	[timem:s3], [sflag:s2] =	dma.local @!p0 [hbm:s0], s1  }
0x15a: {  	s0 =	simm.s32 @!p0 $0x10  }
0x15b: {  	_ =	swait.ge @!p0 [sflag:s0], s1  }
0x15c: {  	s1 =	ssub.s32 @!p0 $0x0, s1;
	[sflag:s0] =	ssyncset.done @!p0 $0x0  }
0x15d: {  	[sflag:s0] =	ssyncadd.s32 @!p0 s1  }
0x15e: {  	[bflag:$0x3] =	sbarrier.arrive $0xFFFF  }
0x15f: {  	_ =	shalt  }

// kernel: kernel.9.cloned.1.call-start
scs
__scs_entry_jumppad:
0x0: {  	(pc) =	sbr.rel $0x88, $3  }
0x1: {  	(tag) =	ssettag $0x0;
	lr =	simm.s32 $0x1  }
0x2: {  	[smem:$0x3F96] =	sst lr;
	_ =	strace $0xD0000000  }
0x3: {  	_ = 	snop  }
0x4: {  	_ = 	snop  }
0x5: {  	_ = 	snop  }
0x6: {  	_ = 	snop  }
0x7: {  	_ = 	snop  }
__scs_overlays_trampoline_lowered:
0x8: {  	[smem:$0x3FA5] =	sst s0  }
0x9: {  	[smem:$0x3FA6] =	sst s1  }
0xa: {  	[smem:$0x3FA7] =	sst s2  }
0xb: {  	[smem:$0x3FA8] =	sst s3  }
0xc: {  	[smem:$0x3FA9] =	sst s4  }
0xd: {  	[smem:$0x3FAA] =	sst s5  }
0xe: {  	[smem:$0x3FAB] =	sst s6  }
0xf: {  	[smem:$0x3FAC] =	sst s7  }
0x10: {  	[smem:$0x3FAD] =	sst s8  }
0x11: {  	[smem:$0x3FAE] =	sst s9;
	s0 =	simm.s32 @!p0 $0x0  }
0x12: {  	s1 =	sld [smem:$0x3F94];
	s0 =	simm.s32 @p0 $0x1  }
0x13: {  	[smem:$0x3FAF] =	sst s0;
	s0 =	simm.s32 @!p1 $0x0  }
0x14: {  	s2 =	sld [smem:$0x3F93];
	s0 =	simm.s32 @p1 $0x1  }
0x15: {  	[smem:$0x3FB0] =	sst s0;
	s0 =	simm.s32 @!p2 $0x0  }
0x16: {  	s3 =	sld [smem:$0x3FDB];
	s0 =	simm.s32 @p2 $0x1  }
0x17: {  	s4 =	simm.s32 $0x1BF5;
	[smem:$0x3FB2] =	sst s0  }
0x18: {  	s0 =	sld [smem:$0x3F95];
	_ =	swait.ge [sflag:s4], $0x0  }
0x19: {  	s7 =	sld [smem:$0x3F96]  }
0x1a: {  	s8 =	sadd.s32 $0xFFFFE003, lr  }
0x1b: {  	s9 =	sadd.s32 $0xFFFFFEF7, lr;
	s5 =	simm.s32 $0xFFFFFFFF;
	p2 =	slt.u32 s8, $0xFFFFF086  }
0x1c: {  	p1 =	slt.u32 s9, $0xF7A;
	s5 =	simm.s32 @!p2 $0x0  }
0x1d: {  	s5 =	simm.s32 @p1 $0x1;
	p0 =	seq.s32 s7, s2  }
0x1e: {  	s7 =	smul.u32 @!p0 $0xF7A, s2;
	p2 =	seq.s32 @!p0 s5, $0x0  }
0x1f: {  	s9 =	smul.u32 $0xF7A, s1;
	s8 =	simm.s32 @!p0 $0x1BF5;
	p2 =	por !p2, p0  }
0x20: {  	[sflag:s8] =	ssyncset.s32 @!p0 $0xFFFFF086;
	s6 =	sadd.s32 @!p0 s3, s7;
	s7 =	simm.s32 @!p0 $0x108  }
0x21: {  	s3 =	sadd.s32 s3, s9;
	s6 =	sadd.s32 @!p0 $0x88, s6;
	s7 =	simm.s32 @p2 $0x1082  }
0x22: {  	[simem:s7], [sflag:s8] =	dma.local @!p0 [hbm:s6], $0xF7A  }
0x23: {  	s9 =	sor.u32 $0xD0000000, s2;
	s6 =	simm.s32 $0x108;
	_ =	swait.ge @!p0 [sflag:s8], $0x0  }
0x24: {  	s3 =	sadd.s32 $0x88, s3;
	s6 =	simm.s32 @!p1 $0x1082;
	[sflag:s4] =	ssyncset.s32 $0xFFFFF086  }
0x25: {  	[simem:s6], [sflag:s4] =	dma.local [hbm:s3], $0xF7A  }
0x26: {  	[smem:$0x3F96] =	sst s1;
	(tag) =	ssettag s2;
	_ =	strace s9  }
0x27: {  	s1 =	sld [smem:$0x3FA6]  }
0x28: {  	s2 =	sld [smem:$0x3FA7]  }
0x29: {  	s4 =	sld [smem:$0x3FA9]  }
0x2a: {  	p0 =	seq.s32 s5, $0x0;
	s5 =	sld [smem:$0x3FAA]  }
0x2b: {  	s6 =	sld [smem:$0x3FAB]  }
0x2c: {  	s7 =	sld [smem:$0x3FAC]  }
0x2d: {  	s3 =	simm.s32 $0x108;
	s8 =	sld [smem:$0x3FAD]  }
0x2e: {  	s3 =	simm.s32 @!p0 $0x1082;
	s9 =	sld [smem:$0x3FAE]  }
0x2f: {  	lr =	sadd.s32 s0, s3;
	s0 =	sld [smem:$0x3FA5]  }
0x30: {  	s3 =	sld [smem:$0x3FA8]  }
0x31: {  	[smem:$0x3FB1] =	sst s10  }
0x32: {  	s10 =	sld [smem:$0x3FAF];
	_ =	sdelay $0x3  }
0x33: {  	p0 =	seq.s32 s10, $0x1;
	s10 =	sld [smem:$0x3FB1];
	_ =	sdelay $0x3  }
0x34: {  	[smem:$0x3FB1] =	sst s10  }
0x35: {  	s10 =	sld [smem:$0x3FB0];
	_ =	sdelay $0x3  }
0x36: {  	p1 =	seq.s32 s10, $0x1;
	s10 =	sld [smem:$0x3FB1];
	_ =	sdelay $0x3  }
0x37: {  	[smem:$0x3FB1] =	sst s10  }
0x38: {  	s10 =	sld [smem:$0x3FB2]  }
0x39: {  	_ = 	snop;
	(pc) =	sbr.ind lr, $3  }
0x3a: {  	_ = 	snop  }
0x3b: {  	_ = 	snop  }
0x3c: {  	p2 =	seq.s32 s10, $0x1;
	s10 =	sld [smem:$0x3FB1]  }
0x3d: {  	_ =	shalt  }
0x3e: {  	_ =	shalt  }
0x3f: {  	_ =	shalt  }
0x40: {  	_ =	shalt  }
0x41: {  	_ =	shalt  }
0x42: {  	_ =	shalt  }
0x43: {  	_ =	shalt  }
0x44: {  	_ =	shalt  }
0x45: {  	_ =	shalt  }
0x46: {  	_ =	shalt  }
0x47: {  	_ =	shalt  }
0x48: {  	_ =	shalt  }
0x49: {  	_ =	shalt  }
0x4a: {  	_ =	shalt  }
0x4b: {  	_ =	shalt  }
0x4c: {  	_ =	shalt  }
0x4d: {  	_ =	shalt  }
0x4e: {  	_ =	shalt  }
0x4f: {  	_ =	shalt  }
0x50: {  	_ =	shalt  }
0x51: {  	_ =	shalt  }
0x52: {  	_ =	shalt  }
0x53: {  	_ =	shalt  }
0x54: {  	_ =	shalt  }
0x55: {  	_ =	shalt  }
0x56: {  	_ =	shalt  }
0x57: {  	_ =	shalt  }
0x58: {  	_ =	shalt  }
0x59: {  	_ =	shalt  }
0x5a: {  	_ =	shalt  }
0x5b: {  	_ =	shalt  }
0x5c: {  	_ =	shalt  }
0x5d: {  	_ =	shalt  }
0x5e: {  	_ =	shalt  }
0x5f: {  	_ =	shalt  }
0x60: {  	_ =	shalt  }
0x61: {  	_ =	shalt  }
0x62: {  	_ =	shalt  }
0x63: {  	_ =	shalt  }
0x64: {  	_ =	shalt  }
0x65: {  	_ =	shalt  }
0x66: {  	_ =	shalt  }
0x67: {  	_ =	shalt  }
0x68: {  	_ =	shalt  }
0x69: {  	_ =	shalt  }
0x6a: {  	_ =	shalt  }
0x6b: {  	_ =	shalt  }
0x6c: {  	_ =	shalt  }
0x6d: {  	_ =	shalt  }
0x6e: {  	_ =	shalt  }
0x6f: {  	_ =	shalt  }
0x70: {  	_ =	shalt  }
0x71: {  	_ =	shalt  }
0x72: {  	_ =	shalt  }
0x73: {  	_ =	shalt  }
0x74: {  	_ =	shalt  }
0x75: {  	_ =	shalt  }
0x76: {  	_ =	shalt  }
0x77: {  	_ =	shalt  }
0x78: {  	_ =	shalt  }
0x79: {  	_ =	shalt  }
0x7a: {  	_ =	shalt  }
0x7b: {  	_ =	shalt  }
0x7c: {  	_ =	shalt  }
0x7d: {  	_ =	shalt  }
0x7e: {  	_ =	shalt  }
0x7f: {  	_ =	shalt  }
0x80: {  	_ =	shalt  }
0x81: {  	_ =	shalt  }
0x82: {  	_ =	shalt  }
0x83: {  	_ =	shalt  }
0x84: {  	_ =	shalt  }
0x85: {  	_ =	shalt  }
0x86: {  	_ =	shalt  }
0x87: {  	_ =	shalt  }
.Lfunc_end0:
.L_simem_size_0:
called_computation.1_lowered:
.L_overlay_start_0:
0x88: {  	s2 =	sld [smem:$0x3FD9]  }
0x89: {  	s3 =	sld [smem:$0x3FFE];
	_ =	sdelay $0x1  }
0x8a: {  	s1 =	srdreg.scid  }
0x8b: {  	s0 =	sand.u32 $0x1, s1  }
0x8c: {  	s14 =	sshll.u32 s0, $0xA;
	s2 =	sadd.s32 s3, s2  }
0x8d: {  	s2 =	sadd.s32 s2, s14  }
0x8e: {  	[smem:$0x3FBD] =	sst s2  }
0x8f: {  	_ = 	snop  }
0x90: {  	s2 =	sld [smem:$0x3FD0];
	_ =	sdelay $0x2  }
0x91: {  	s4 =	simm.s32 $0xA;
	s5 =	simm.s32 $0x10;
	s15 =	sld [smem:$0x3FC6]  }
0x92: {  	[smem:s5], [sflag:s4] =	dma.local [hbm:s2], $0x1  }
0x93: {  	_ =	swait.eq [sflag:s4], $0x1  }
0x94: {  	[sflag:s4] =	ssyncset.done $0x0  }
0x95: {  	[sflag:s4] =	ssyncadd.s32 $0xFFFFFFFF  }
0x96: {  	s16 =	sld [smem:$0x11];
	(tm) =	ssettm $0x1  }
0x97: {  	s17 =	sld [smem:$0x3FFB];
	_ =	sdelay $0x3  }
0x98: {  	_ =	strace s17  }
0x99: {  	s4 =	sld [smem:$0x3FFC];
	_ =	sdelay $0x3  }
0x9a: {  	_ =	strace s4  }
0x9b: {  	s4 =	sld [smem:$0x3FFD];
	_ =	sdelay $0x3  }
0x9c: {  	_ =	strace s4  }
0x9d: {  	_ =	strace $0x8FFFFFFF  }
0x9e: {  	s18 =	sld [smem:$0x3FDB];
	_ =	sdelay $0x1  }
0x9f: {  	s19 =	simm.s32 $_scs_section_size  }
0xa0: {  	s6 =	simm.s32 $_size__tile_overlayer_lowered;
	s7 =	simm.s32 $_tile_overlayer_lowered  }
0xa1: {  	s22 =	simm.s32 $0x1BFF;
	s21 =	sshll.u32 s7, $0x1;
	s4 =	sadd.s32 s19, s18  }
0xa2: {  	s8 =	simm.s32 $0x0;
	s20 =	sshll.u32 s6, $0x1;
	s6 =	sadd.s32 s21, s4  }
0xa3: {  	[timem:s8], [sflag:s22] =	dma.local [hbm:s6], s20  }
0xa4: {  	_ =	swait.ge [sflag:s22], s20  }
0xa5: {  	s5 =	ssub.s32 $0x0, s20;
	[sflag:s22] =	ssyncset.done $0x0  }
0xa6: {  	[sflag:s22] =	ssyncadd.s32 s5;
	_ =	sdelay $0x1  }
0xa7: {  	s23 =	simm.s32 $0x1B8B  }
0xa8: {  	_ =	swait.ge [sflag:s23], $0x1  }
0xa9: {  	[sflag:s23] =	ssyncset.done $0x0  }
0xaa: {  	s25 =	simm.s32 $0x1B8E;
	s24 =	sld [smem:$0x3FFE];
	[sflag:s23] =	ssyncadd.s32 $0xFFFFFFFF  }
0xab: {  	s26 =	simm.s32 $execute0_lowered;
	[smem:$0x3FD2] =	sst s25  }
0xac: {  	s6 =	sshll.u32 s26, $0x1;
	_ =	strace $0x80000049;
	[dreg:$0x1] =	wrdreg $0xFFFFFFFF  }
0xad: {  	s28 =	simm.s32 $_size_execute0_lowered;
	s4 =	sadd.s32 s4, s6;
	[dreg:$0x0] =	wrdreg $0x0  }
0xae: {  	s6 =	sshll.u32 s28, $0x1;
	[dreg:$0x2] =	wrdreg s4  }
0xaf: {  	[dreg:$0x3] =	wrdreg s6  }
0xb0: {  	[dreg:$0x4] =	wrdreg $0xC0  }
0xb1: {  	_ =	task [dreg:s8], $0x5FFFF  }
0xb2: {  	[dreg:$0x1] =	wrdreg $0xFFFFFFFF  }
0xb3: {  	[dreg:$0x0] =	wrdreg $0x60  }
0xb4: {  	[dreg:$0x2] =	wrdreg s16  }
0xb5: {  	[dreg:$0x3] =	wrdreg s15  }
0xb6: {  	[dreg:$0x4] =	wrdreg s24  }
0xb7: {  	[dreg:$0x5] =	wrdreg $0x81000  }
0xb8: {  	[dreg:$0x6] =	wrdreg $0x9  }
0xb9: {  	_ =	task.clear_ibuf [dreg:s8], $0x7FFFF;
	_ =	strace $0x90000049  }
0xba: {  	s29 =	simm.s32 $0x9;
	_ =	strace $0x8000004B  }
0xbb: {  	_ =	swait.ge [sflag:s29], $0x1  }
0xbc: {  	[sflag:s29] =	ssyncadd.s32 $0xFFFFFFFF  }
0xbd: {  	_ =	strace $0x9000004B  }
0xbe: {  	_ =	sfence  }
0xbf: {  	s30 =	sld [smem:$0x0];
	_ =	sdelay $0x2  }
0xc0: {  	s31 =	sshll.u32 s1, $0xD;
	s1 =	sshrl.u32 s1, $0x2  }
0xc1: {  	s3 =	sand.u32 $0x4000, s31;
	s1 =	sadd.s32 s1, s30  }
0xc2: {  	s0 =	sor.u32 s3, s0;
	s1 =	sshll.u32 s1, $0x11  }
0xc3: {  	s0 =	sor.u32 s1, s0  }
0xc4: {  	s0 =	sadd.s32 $0x8F2B, s0  }
0xc5: {  	[sflag:s0] =	ssyncadd.remote.s32 $0x1  }
0xc6: {  	_ =	sfence.sel $0xFFFF  }
0xc7: {  	[dreg:$0x0] =	wrdreg $0xFFFFFFFF;
	(pc) =	sbr.abs _section_cstart, $3  }
0xc8: {  	[dreg:$0x1] =	wrdreg $0xFFFFFFFF  }
0xc9: {  	_ =	task.clear_ibuf [dreg:s8], $0x2FFFF;
	_ =	strace $0x9FFFFFFF  }
0xca: {  	(tm) =	ssettm $0x7FFFFFFF  }
0xcb: {  	_ =	shalt  }
tec
execute0_lowered:
.L_overlay_start_1:
0x0: {  	(tag) =	ssettag $0x1  }
0x1: {  	s0 =	rddreg [dreg:$0x0]  }
0x2: {  	s1 =	rddreg [dreg:$0x1]  }
0x3: {  	s4 =	rddreg [dreg:$0x2]  }
0x4: {  	s3 =	srdreg.scid;
	s13 =	stileid.u32  }
0x5: {  	s2 =	rddreg [dreg:$0x3];
	s28 =	simm.s32 $0x3;
	s7 =	smul.u32 $0x13C00, s13  }
0x6: {  	s29 =	simm.s32 $0x2;
	s30 =	simm.s32 $0x0;
	s10 =	smul.u32 $0x4F000, s13  }
0x7: {  	s6 =	sand.u32 $0x1, s3;
	s3 =	simm.s32 $0x0;
	s22 =	smul.u32 $0x27, s13  }
0x8: {  	s5 =	smul.u32 $0x13C000, s6;
	[smem:$0x7FF] =	sst s3;
	s24 =	ssub.s32 $0x2, s6  }
0x9: {  	s8 =	sshll.u32 s6, $0x4;
	s6 =	smul.u32 $0x270, s6;
	_ =	strace $0x8000004A  }
0xa: {  	s9 =	sshrl.u32 s24, $0x1;
	s8 =	sor.u32 s13, s8;
	s26 =	sshrl.u32 s10, $0x2  }
0xb: {  	s5 =	sadd.s32 s7, s5;
	s7 =	ssub.s32 s24, s9;
	s25 =	smul.u32 $0x27, s8  }
0xc: {  	p0 =	slt.u32 s8, $0x2;
	s8 =	smin.u32 s8, $0x2;
	s6 =	sadd.s32 s22, s6  }
0xd: {  	s22 =	simm.s32 $0x100;
	s5 =	sshrl.u32 s5, $0x3;
	s7 =	smax.u32 s7, $0x1  }
0xe: {  	s6 =	sadd.s32 s8, s6;
	s11 =	sadd.s32 s5, s4;
	s31 =	sadd.s32 s8, s25  }
0xf: {  	s4 =	simm.s32 $0x28;
	s5 =	sadd.s32 s26, s2;
	[dreg:$0xc] =	wrdreg s7  }
0x10: {  	s8 =	sshll.u32 s6, $0xB;
	s6 =	sshll.u32 s6, $0x4;
	s12 =	sadd.s32 $0x4000, s5  }
0x11: {  	s4 =	simm.s32 @!p0 $0x27;
	s14 =	sadd.s32 $0x8000, s5;
	[dreg:$0x5] =	wrdreg s12  }
0x12: {  	s15 =	sadd.s32 $0xC000, s5;
	s16 =	sadd.s32 $0x10000, s5;
	[dreg:$0x6] =	wrdreg s14  }
0x13: {  	s17 =	sshll.u32 s31, $0x4;
	s18 =	sshll.u32 s31, $0xB;
	[dreg:$0x7] =	wrdreg s15  }
0x14: {  	s19 =	sadd.s32 $0x2C00, s11;
	s9 =	sadd.s32 $0x2, s31;
	[dreg:$0x8] =	wrdreg s16  }
0x15: {  	s10 =	sadd.s32 s1, s17;
	s12 =	sadd.s32 $0x1, s31;
	[dreg:$0xb] =	wrdreg s19  }
0x16: {  	s25 =	sshll.u32 s9, $0x4;
	s31 =	sshll.u32 s9, $0xB;
	[dreg:$0x9] =	wrdreg s10  }
0x17: {  	s10 =	sadd.s32 s0, s18;
	s20 =	sshll.u32 s12, $0x4;
	s23 =	sshll.u32 s12, $0xB  }
0x18: {  	s26 =	sand.u32 $0x1FFFFFF0, s25;
	s25 =	simm.s32 $0x4100;
	[dreg:$0xa] =	wrdreg s10  }
0x19: {  	s21 =	sand.u32 $0x1FFFFFF0, s20;
	s24 =	sand.u32 $0x1FFFF800, s23;
	s16 =	sadd.s32 s1, s26  }
0x1a: {  	s23 =	simm.s32 $0x5;
	s26 =	simm.s32 $0x1;
	s7 =	sadd.s32 s1, s21  }
0x1b: {  	s1 =	sadd.s32 s1, s6;
	[dreg:$0xd] =	wrdreg s7;
	s7 =	sadd.s32 s0, s24  }
0x1c: {  	s19 =	sadd.s32 $0x30, s1;
	[dreg:$0xe] =	wrdreg s7;
	s7 =	sand.u32 $0x1FFFF800, s31  }
0x1d: {  	s21 =	sadd.s32 $0x40, s1;
	s17 =	sadd.s32 s0, s7;
	s0 =	sadd.s32 s0, s8  }
0x1e: {  	v0 =	vimm.f32 $0.0e+00;
	s24 =	simm.s32 $0x80;
	s18 =	sadd.s32 $0x1800, s0;
	s20 =	sadd.s32 $0x2000, s0  }
.LBB2_1:
0x1f: {  	s0 =	simm.s32 $0x0;
	s1 =	simm.s32 $0x200  }
.LBB2_2:
0x20: {  	p0 =	sne.s32 s1, $0xFE00;
	[tilespmem:s0+$0x170] =	vst v0  }
0x21: {  	[tilespmem:s0+$0x100] =	vst v0  }
0x22: {  	[tilespmem:s0+$0x110] =	vst v0  }
.Ltmp0:
0x23: {  	[tilespmem:s0+$0x120] =	vst v0;
	(pc) =	sbr.rel @p0 .LBB2_2-.Ltmp0, $4  }
0x24: {  	[tilespmem:s0+$0x130] =	vst v0  }
0x25: {  	[tilespmem:s0+$0x140] =	vst v0  }
0x26: {  	[tilespmem:s0+$0x150] =	vst v0  }
0x27: {  	[tilespmem:s0+$0x160] =	vst v0;
	s0 =	sshra.s32 s1, $0x2;
	s1 =	sadd.s32 $0x200, s1  }
0x28: {  	[tilespmem:s0+$0x170] =	vst v0  }
0x29: {  	[tilespmem:s0+$0x100] =	vst v0  }
0x2a: {  	[tilespmem:s0+$0x110] =	vst v0  }
0x2b: {  	[tilespmem:s0+$0x120] =	vst v0  }
0x2c: {  	[tilespmem:s0+$0x130] =	vst v0  }
0x2d: {  	[tilespmem:s0+$0x140] =	vst v0  }
0x2e: {  	[tilespmem:s0+$0x150] =	vst v0  }
0x2f: {  	[tilespmem:s0+$0x160] =	vst v0  }
0x30: {  	[spmem:s5] =	stream.linear.scatter [tilespmem:s22], [sflag:$0x5], $0x4000, $0x38;
	[tilespmem:$0x1BD00] =	vst v63  }
0x31: {  	_ =	swait.ge [sflag:s23], $0x4000  }
0x32: {  	[sflag:s23] =	ssyncset.done $0x0  }
0x33: {  	s8 =	rddreg [dreg:$0x5];
	[sflag:s23] =	ssyncadd.s32 $0xFFFFC000  }
0x34: {  	[spmem:s8] =	stream.linear.scatter [tilespmem:s22], [sflag:$0x5], $0x4000, $0x38;
	[tilespmem:$0x1BD00] =	vst v63  }
0x35: {  	_ =	swait.ge [sflag:s23], $0x4000  }
0x36: {  	[sflag:s23] =	ssyncset.done $0x0  }
0x37: {  	s9 =	rddreg [dreg:$0x6];
	[sflag:s23] =	ssyncadd.s32 $0xFFFFC000  }
0x38: {  	[spmem:s9] =	stream.linear.scatter [tilespmem:s22], [sflag:$0x5], $0x4000, $0x38;
	[tilespmem:$0x1BD00] =	vst v63  }
0x39: {  	_ =	swait.ge [sflag:s23], $0x4000  }
0x3a: {  	[sflag:s23] =	ssyncset.done $0x0  }
0x3b: {  	s10 =	rddreg [dreg:$0x7];
	[sflag:s23] =	ssyncadd.s32 $0xFFFFC000  }
0x3c: {  	[spmem:s10] =	stream.linear.scatter [tilespmem:s22], [sflag:$0x5], $0x4000, $0x38;
	[tilespmem:$0x1BD00] =	vst v63  }
0x3d: {  	_ =	swait.ge [sflag:s23], $0x4000  }
0x3e: {  	[sflag:s23] =	ssyncset.done $0x0  }
0x3f: {  	s11 =	rddreg [dreg:$0x8];
	[sflag:s23] =	ssyncadd.s32 $0xFFFFC000  }
0x40: {  	[spmem:s11] =	stream.linear.scatter [tilespmem:s22], [sflag:$0x5], $0x3C00, $0x38;
	[tilespmem:$0x1BD00] =	vst v63  }
0x41: {  	_ =	swait.ge [sflag:s23], $0x3C00  }
0x42: {  	[sflag:s23] =	ssyncset.done $0x0  }
0x43: {  	s12 =	rddreg [dreg:$0x9];
	[sflag:s23] =	ssyncadd.s32 $0xFFFFC400  }
0x44: {  	[tilespmem:s3], [sflag:$0x1] =	stream.linear.gather [hbm4b:s12+s3], $0x80, $0x38;
	[tilespmem:$0x1BD00] =	vst v63  }
0x45: {  	s13 =	rddreg [dreg:$0xa]  }
0x46: {  	[tilespmem:s22], [sflag:$0x1] =	stream.linear.gather [hbm4b:s13+s3], $0x4000, $0x38;
	[tilespmem:$0x1BD00] =	vst v63  }
0x47: {  	[bflag:$0x0] =	sbarrier.arrive $0xFFFF  }
0x48: {  	s14 =	rddreg [dreg:$0xd]  }
0x49: {  	[tilespmem:s24], [sflag:$0x2] =	stream.linear.gather [hbm4b:s14+s3], $0x80, $0x38;
	[tilespmem:$0x1BD00] =	vst v63  }
0x4a: {  	s15 =	rddreg [dreg:$0xe]  }
0x4b: {  	[tilespmem:s25], [sflag:$0x2] =	stream.linear.gather [hbm4b:s15+s3], $0x4000, $0x38;
	[tilespmem:$0x1BD00] =	vst v63  }
0x4c: {  	_ =	swait.ge [sflag:s26], $0x80  }
0x4d: {  	[sflag:s26] =	ssyncset.done $0x0  }
0x4e: {  	[sflag:s26] =	ssyncadd.s32 $0xFFFFFF80  }
0x4f: {  	_ =	swait.ge [sflag:s26], $0x4000  }
0x50: {  	[sflag:s26] =	ssyncset.done $0x0  }
0x51: {  	[sflag:s26] =	ssyncadd.s32 $0xFFFFC000  }
0x52: {  	[spmem:s2] =	stream.indirect.scatter.add.f32 [tilespmem:s22], [sflag:$0x3], $0x80, s3, s24, $0xb8;
	[tilespmem:$0x1BD00] =	vst v63  }
0x53: {  	_ =	swait.ge [sflag:s28], $0x4000  }
0x54: {  	[sflag:s28] =	ssyncset.done $0x0  }
0x55: {  	[sflag:s28] =	ssyncadd.s32 $0xFFFFC000  }
0x56: {  	[tilespmem:s3], [sflag:$0x1] =	stream.linear.gather [hbm4b:s16+s3], $0x80, $0x38;
	[tilespmem:$0x1BD00] =	vst v63  }
0x57: {  	_ = 	snop  }
0x58: {  	[tilespmem:s22], [sflag:$0x1] =	stream.linear.gather [hbm4b:s17+s3], $0x4000, $0x38;
	[tilespmem:$0x1BD00] =	vst v63  }
0x59: {  	_ =	swait.ge [sflag:s29], $0x80  }
0x5a: {  	[sflag:s29] =	ssyncset.done $0x0  }
0x5b: {  	[sflag:s29] =	ssyncadd.s32 $0xFFFFFF80  }
0x5c: {  	_ =	swait.ge [sflag:s29], $0x4000  }
0x5d: {  	p1 =	slt.u32 s4, $0x2;
	[sflag:s29] =	ssyncset.done $0x0  }
0x5e: {  	s0 =	simm.s32 @!p1 $0x4;
	[sflag:s29] =	ssyncadd.s32 $0xFFFFC000  }
0x5f: {  	[spmem:s2] =	stream.indirect.scatter.add.f32 [tilespmem:s25], [sflag:$0x4], $0x80, s24, s24, $0xb8;
	[tilespmem:$0x1BD00] =	vst v63  }
0x60: {  	_ =	swait.ge @!p1 [sflag:s0], $0x4000  }
0x61: {  	p0 =	sle.u32 s4, $0x3;
	[sflag:s0] =	ssyncset.done @!p1 $0x0  }
0x62: {  	s6 =	simm.s32 @!p0 $0x80;
	[sflag:s0] =	ssyncadd.s32 @!p1 $0xFFFFC000;
	s0 =	simm.s32 @!p0 $0x0  }
0x63: {  	[tilespmem:s6], [sflag:$0x2] =	stream.linear.gather @!p0 [hbm4b:s19+s0], $0x80, $0x38;
	[tilespmem:$0x1BD00] =	vst v63  }
0x64: {  	s7 =	simm.s32 @!p0 $0x4100;
	p1 =	sle.u32 s4, $0x2  }
0x65: {  	[tilespmem:s7], [sflag:$0x2] =	stream.linear.gather @!p0 [hbm4b:s18+s0], $0x4000, $0x38;
	[tilespmem:$0x1BD00] =	vst v63  }
0x66: {  	s0 =	simm.s32 @!p1 $0x1  }
0x67: {  	_ =	swait.ge @!p1 [sflag:s0], $0x80  }
0x68: {  	[sflag:s0] =	ssyncset.done @!p1 $0x0  }
0x69: {  	[sflag:s0] =	ssyncadd.s32 @!p1 $0xFFFFFF80  }
0x6a: {  	_ =	swait.ge @!p1 [sflag:s0], $0x4000  }
0x6b: {  	s1 =	simm.s32 @!p1 $0x100;
	s8 =	simm.s32 @!p1 $0x3;
	[sflag:s0] =	ssyncset.done @!p1 $0x0  }
0x6c: {  	s9 =	simm.s32 @!p1 $0x0;
	[sflag:s0] =	ssyncadd.s32 @!p1 $0xFFFFC000;
	s0 =	simm.s32 @!p1 $0x80  }
0x6d: {  	[spmem:s2] =	stream.indirect.scatter.add.f32 @!p1 [tilespmem:s1], [sflag:$0x3], $0x80, s9, s0, $0xb8;
	[tilespmem:$0x1BD00] =	vst v63  }
0x6e: {  	_ =	swait.ge @!p1 [sflag:s8], $0x4000  }
0x6f: {  	p2 =	sle.u32 s4, $0x4;
	[sflag:s8] =	ssyncset.done @!p1 $0x0  }
0x70: {  	s0 =	simm.s32 @!p2 $0x0;
	[sflag:s8] =	ssyncadd.s32 @!p1 $0xFFFFC000  }
0x71: {  	[tilespmem:s0], [sflag:$0x1] =	stream.linear.gather @!p2 [hbm4b:s21+s0], $0x80, $0x38;
	[tilespmem:$0x1BD00] =	vst v63  }
0x72: {  	s12 =	simm.s32 @!p0 $0x2;
	s1 =	simm.s32 @!p2 $0x100  }
0x73: {  	[tilespmem:s1], [sflag:$0x1] =	stream.linear.gather @!p2 [hbm4b:s20+s0], $0x4000, $0x38;
	[tilespmem:$0x1BD00] =	vst v63  }
0x74: {  	s31 =	simm.s32 $0x6;
	_ =	swait.ge @!p0 [sflag:s12], $0x80  }
0x75: {  	s10 =	simm.s32 $0x8;
	s11 =	simm.s32 $0x4;
	[sflag:s12] =	ssyncset.done @!p0 $0x0  }
0x76: {  	s9 =	sadd.s32 $0x1000, s18;
	s8 =	sadd.s32 $0x20, s19;
	[sflag:s12] =	ssyncadd.s32 @!p0 $0xFFFFFF80  }
0x77: {  	s0 =	sadd.s32 $0x20, s21;
	s1 =	sadd.s32 $0x1000, s20;
	_ =	swait.ge @!p0 [sflag:s12], $0x4000  }
.LBB2_4:
0x78: {  	p2 =	sgt.u32 s11, s4  }
0x79: {  	[sflag:s12] =	ssyncset.done @!p0 $0x0;
	s13 =	smov.u32 s10;
	s10 =	sadd.s32 $0x2, s10  }
0x7a: {  	p1 =	sne.s32 s10, $0x2C;
	s14 =	simm.s32 @!p2 $0x4;
	[sflag:s12] =	ssyncadd.s32 @!p0 $0xFFFFC000  }
0x7b: {  	[spmem:s2] =	stream.indirect.scatter.add.f32 @!p0 [tilespmem:s7], [sflag:$0x4], $0x80, s6, s6, $0xb8;
	[tilespmem:$0x1BD00] =	vst v63  }
0x7c: {  	s6 =	sadd.s32 $0xFFFFFFFF, s31;
	_ =	swait.ge @!p2 [sflag:s14], $0x4000  }
0x7d: {  	p0 =	sge.u32 s6, s4;
	[sflag:s14] =	ssyncset.done @!p2 $0x0  }
0x7e: {  	s12 =	simm.s32 @!p0 $0x0;
	s6 =	simm.s32 @!p0 $0x80;
	[sflag:s14] =	ssyncadd.s32 @!p2 $0xFFFFC000  }
0x7f: {  	[tilespmem:s6], [sflag:$0x2] =	stream.linear.gather @!p0 [hbm4b:s8+s12], $0x80, $0x38;
	[tilespmem:$0x1BD00] =	vst v63  }
0x80: {  	s7 =	simm.s32 @!p0 $0x4100;
	p2 =	sge.u32 s11, s4  }
0x81: {  	[tilespmem:s7], [sflag:$0x2] =	stream.linear.gather @!p0 [hbm4b:s9+s12], $0x4000, $0x38;
	[tilespmem:$0x1BD00] =	vst v63  }
0x82: {  	s11 =	simm.s32 @!p2 $0x1  }
0x83: {  	_ =	swait.ge @!p2 [sflag:s11], $0x80  }
0x84: {  	[sflag:s11] =	ssyncset.done @!p2 $0x0  }
0x85: {  	[sflag:s11] =	ssyncadd.s32 @!p2 $0xFFFFFF80  }
0x86: {  	_ =	swait.ge @!p2 [sflag:s11], $0x4000  }
0x87: {  	s14 =	simm.s32 @!p2 $0x3;
	s12 =	simm.s32 @!p2 $0x100;
	[sflag:s11] =	ssyncset.done @!p2 $0x0  }
0x88: {  	s15 =	simm.s32 @!p2 $0x0;
	[sflag:s11] =	ssyncadd.s32 @!p2 $0xFFFFC000;
	s11 =	simm.s32 @!p2 $0x80  }
0x89: {  	[spmem:s2] =	stream.indirect.scatter.add.f32 @!p2 [tilespmem:s12], [sflag:$0x3], $0x80, s15, s11, $0xb8;
	[tilespmem:$0x1BD00] =	vst v63  }
0x8a: {  	_ =	swait.ge @!p2 [sflag:s14], $0x4000  }
0x8b: {  	p3 =	sge.u32 s31, s4;
	s31 =	smov.u32 s13;
	[sflag:s14] =	ssyncset.done @!p2 $0x0  }
0x8c: {  	s11 =	simm.s32 @!p3 $0x0;
	[sflag:s14] =	ssyncadd.s32 @!p2 $0xFFFFC000  }
0x8d: {  	[tilespmem:s11], [sflag:$0x1] =	stream.linear.gather @!p3 [hbm4b:s0+s11], $0x80, $0x38;
	[tilespmem:$0x1BD00] =	vst v63  }
0x8e: {  	s13 =	simm.s32 @!p3 $0x100;
	s12 =	simm.s32 @!p0 $0x2  }
0x8f: {  	[tilespmem:s13], [sflag:$0x1] =	stream.linear.gather @!p3 [hbm4b:s1+s11], $0x4000, $0x38;
	[tilespmem:$0x1BD00] =	vst v63  }
.Ltmp1:
0x90: {  	_ = 	snop;
	(pc) =	sbr.rel @p1 .LBB2_4-.Ltmp1, $4  }
0x91: {  	_ =	swait.ge @!p0 [sflag:s12], $0x80  }
0x92: {  	s0 =	sadd.s32 $0x20, s0;
	[sflag:s12] =	ssyncset.done @!p0 $0x0  }
0x93: {  	s8 =	sadd.s32 $0x20, s8;
	s1 =	sadd.s32 $0x1000, s1;
	[sflag:s12] =	ssyncadd.s32 @!p0 $0xFFFFFF80  }
0x94: {  	s9 =	sadd.s32 $0x1000, s9;
	s11 =	sadd.s32 $0xFFFFFFFE, s31;
	_ =	swait.ge @!p0 [sflag:s12], $0x4000  }
0x95: {  	p1 =	sgt.u32 s11, s4;
	[sflag:s12] =	ssyncset.done @!p0 $0x0  }
0x96: {  	s10 =	simm.s32 @!p1 $0x4;
	[sflag:s12] =	ssyncadd.s32 @!p0 $0xFFFFC000  }
0x97: {  	[spmem:s2] =	stream.indirect.scatter.add.f32 @!p0 [tilespmem:s7], [sflag:$0x4], $0x80, s6, s6, $0xb8;
	[tilespmem:$0x1BD00] =	vst v63  }
0x98: {  	s12 =	sadd.s32 $0xFFFFFFFF, s31;
	_ =	swait.ge @!p1 [sflag:s10], $0x4000  }
0x99: {  	p0 =	sge.u32 s12, s4;
	[sflag:s10] =	ssyncset.done @!p1 $0x0  }
0x9a: {  	s6 =	simm.s32 @!p0 $0x0;
	s7 =	simm.s32 @!p0 $0x80;
	[sflag:s10] =	ssyncadd.s32 @!p1 $0xFFFFC000  }
0x9b: {  	[tilespmem:s7], [sflag:$0x2] =	stream.linear.gather @!p0 [hbm4b:s8+s6], $0x80, $0x38;
	[tilespmem:$0x1BD00] =	vst v63  }
0x9c: {  	p1 =	sge.u32 s11, s4;
	s8 =	simm.s32 @!p0 $0x4100  }
0x9d: {  	[tilespmem:s8], [sflag:$0x2] =	stream.linear.gather @!p0 [hbm4b:s9+s6], $0x4000, $0x38;
	[tilespmem:$0x1BD00] =	vst v63  }
0x9e: {  	s6 =	simm.s32 @!p1 $0x1  }
0x9f: {  	_ =	swait.ge @!p1 [sflag:s6], $0x80  }
0xa0: {  	[sflag:s6] =	ssyncset.done @!p1 $0x0  }
0xa1: {  	[sflag:s6] =	ssyncadd.s32 @!p1 $0xFFFFFF80  }
0xa2: {  	_ =	swait.ge @!p1 [sflag:s6], $0x4000  }
0xa3: {  	s10 =	simm.s32 @!p1 $0x3;
	s11 =	simm.s32 @!p1 $0x0;
	[sflag:s6] =	ssyncset.done @!p1 $0x0  }
0xa4: {  	s9 =	simm.s32 @!p1 $0x100;
	[sflag:s6] =	ssyncadd.s32 @!p1 $0xFFFFC000;
	s6 =	simm.s32 @!p1 $0x80  }
0xa5: {  	[spmem:s2] =	stream.indirect.scatter.add.f32 @!p1 [tilespmem:s9], [sflag:$0x3], $0x80, s11, s6, $0xb8;
	[tilespmem:$0x1BD00] =	vst v63  }
0xa6: {  	_ =	swait.ge @!p1 [sflag:s10], $0x4000  }
0xa7: {  	p2 =	sge.u32 s31, s4;
	[sflag:s10] =	ssyncset.done @!p1 $0x0  }
0xa8: {  	s6 =	simm.s32 @!p2 $0x0;
	[sflag:s10] =	ssyncadd.s32 @!p1 $0xFFFFC000  }
0xa9: {  	[tilespmem:s6], [sflag:$0x1] =	stream.linear.gather @!p2 [hbm4b:s0+s6], $0x80, $0x38;
	[tilespmem:$0x1BD00] =	vst v63  }
0xaa: {  	s9 =	simm.s32 @!p0 $0x2;
	s0 =	simm.s32 @!p2 $0x100  }
0xab: {  	[tilespmem:s0], [sflag:$0x1] =	stream.linear.gather @!p2 [hbm4b:s1+s6], $0x4000, $0x38;
	[tilespmem:$0x1BD00] =	vst v63  }
0xac: {  	_ =	swait.ge @!p0 [sflag:s9], $0x80  }
0xad: {  	[sflag:s9] =	ssyncset.done @!p0 $0x0  }
0xae: {  	[sflag:s9] =	ssyncadd.s32 @!p0 $0xFFFFFF80  }
0xaf: {  	_ =	swait.ge @!p0 [sflag:s9], $0x4000  }
0xb0: {  	[sflag:s9] =	ssyncset.done @!p0 $0x0  }
0xb1: {  	s13 =	stileid.u32;
	[sflag:s9] =	ssyncadd.s32 @!p0 $0xFFFFC000  }
0xb2: {  	[spmem:s2] =	stream.indirect.scatter.add.f32 @!p0 [tilespmem:s8], [sflag:$0x4], $0x80, s7, s7, $0xb8;
	[tilespmem:$0x1BD00] =	vst v63  }
0xb3: {  	s0 =	sshll.u32 s13, $0x6;
	[bflag:$0x0] =	sbarrier.arrive $0xFFFF  }
0xb4: {  	s14 =	sshrl.u32 s5, $0x3;
	s0 =	sor.u32 $0x1C05, s0;
	s15 =	rddreg [dreg:$0xb]  }
0xb5: {  	[hbm:s15], [sflag:s0] =	dma.local [spmem:s14], $0x2780  }
0xb6: {  	_ =	swait.ge [sflag:s23], $0x2780  }
0xb7: {  	s30 =	sadd.s32 $0x1, s30;
	s31 =	rddreg [dreg:$0xc]  }
0xb8: {  	p0 =	sne.s32 s30, s31  }
.Ltmp2:
0xb9: {  	_ = 	snop;
	(pc) =	sbr.rel @p0 .LBB2_1-.Ltmp2, $3  }
0xba: {  	_ =	sdelay $0x1  }
0xbb: {  	[sflag:s23] =	ssyncset.done $0x0  }
0xbc: {  	[sflag:s23] =	ssyncadd.s32 $0xFFFFD880  }
0xbd: {  	_ =	sfence.sel $0x180000  }
0xbe: {  	[bflag:$0x0] =	sbarrier.arrive $0xFFFF  }
0xbf: {  	_ =	strace $0x9000004A  }
0xc0: {  	s0 =	stileid.u32;
	[bflag:$0x2] =	sbarrier.arrive $0xFFFF  }
0xc1: {  	p0 =	sne.s32 s0, $0x0;
	s0 =	rddreg [dreg:$0x4]  }
0xc2: {  	s0 =	sadd.s32 @!p0 $0x100000, s0  }
0xc3: {  	[sflag:s0] =	ssyncadd.tile.s32 @!p0 $0x1;
	_ =	shalt  }
.Lfunc_end2:
_tile_overlayer_lowered:
.L_overlay_start_2:
0xc4: {  	(tag) =	ssettag $0x2  }
0xc5: {  	s0 =	rddreg [dreg:$0x0];
	s2 =	stileid.u32  }
0xc6: {  	s1 =	rddreg [dreg:$0x1];
	p0 =	sne.s32 s2, $0x0  }
0xc7: {  	s3 =	rddreg [dreg:$0x2];
	[bflag:$0x3] =	sbarrier.arrive $0xFFFF;
	s2 =	simm.s32 @!p0 $0x1C05  }
0xc8: {  	[timem:s3], [sflag:s2] =	dma.local @!p0 [hbm:s0], s1  }
0xc9: {  	s0 =	simm.s32 @!p0 $0x5  }
0xca: {  	_ =	swait.ge @!p0 [sflag:s0], s1  }
0xcb: {  	s1 =	ssub.s32 @!p0 $0x0, s1;
	[sflag:s0] =	ssyncset.done @!p0 $0x0  }
0xcc: {  	[sflag:s0] =	ssyncadd.s32 @!p0 s1  }
0xcd: {  	[bflag:$0x3] =	sbarrier.arrive $0xFFFF  }
0xce: {  	_ =	shalt  }

</sc_bundles>
